<compile_context>
chip_gen: v7x
topology: tpu7x:2x2x1
jax: 0.10.2.dev20260603
libtpu: 0.0.44.dev20260713+nightly
codegen_flags: <defaults>
</compile_context>

<pallas_src>
import functools

import jax
import jax.numpy as jnp
from jax import lax
from jax.experimental import pallas as pl
from jax.experimental.pallas import tpu as pltpu
from jax.experimental.pallas import tpu_sc as plsc


def _pos_encoding(context_size, embedding_size):
    positions = jnp.arange(context_size, dtype=jnp.float32)
    indices = jnp.arange(embedding_size // 2, dtype=jnp.float32)
    scaling_factor = 10000 ** (2 * indices / embedding_size)
    angles = positions[:, None] / scaling_factor
    pe = jnp.zeros((context_size, embedding_size), dtype=jnp.float32)
    pe = pe.at[:, 0::2].set(jnp.sin(angles))
    pe = pe.at[:, 1::2].set(jnp.cos(angles))
    return pe


@functools.cache
def _build(batch, ctx, vocab, emb):
    info = plsc.get_sparse_core_info()
    nc, ns, lanes = info.num_cores, info.num_subcores, info.num_lanes
    nw = nc * ns
    chunk = 128
    bg_n = batch // chunk
    eg_n = emb // 8
    groups = emb // lanes
    chunks_total = ctx * bg_n
    assert chunks_total % nw == 0
    n_chunks = chunks_total // nw
    rows_per_w = n_chunks * chunk

    mesh = plsc.VectorSubcoreMesh(core_axis_name="c", subcore_axis_name="s")

    @functools.partial(
        pl.kernel,
        out_type=jax.ShapeDtypeStruct(
            (ctx, eg_n, bg_n, 8, chunk), jnp.float32
        ),
        mesh=mesh,
        scratch_types=[
            pltpu.VMEM((ctx * emb,), jnp.float32),
            pltpu.VMEM((rows_per_w,), jnp.int32),
            pltpu.VMEM((chunk, emb), jnp.float32),
            pltpu.VMEM((chunk, emb), jnp.float32),
            pltpu.VMEM((eg_n, 8, chunk), jnp.float32),
            pltpu.VMEM((eg_n, 8, chunk), jnp.float32),
            pltpu.SemaphoreType.DMA,
            pltpu.SemaphoreType.DMA,
            pltpu.SemaphoreType.DMA,
            pltpu.SemaphoreType.DMA,
        ],
        compiler_params=pltpu.CompilerParams(
            use_tc_tiling_on_sc=False, needs_layout_passes=False
        ),
    )
    def k(table_hbm, idx_hbm, pe_hbm, out_hbm,
          pe_v, idx_v, rows0, rows1, tiles0, tiles1, sg0, sg1, ss0, ss1):
        rows = (rows0, rows1)
        tiles = (tiles0, tiles1)
        sg = (sg0, sg1)
        ss = (ss0, ss1)
        wid = lax.axis_index("s") * nc + lax.axis_index("c")
        pltpu.sync_copy(pe_hbm, pe_v)
        pltpu.sync_copy(idx_hbm.at[pl.ds(wid * rows_per_w, rows_per_w)], idx_v)

        def gather(c, b):
            pltpu.async_copy(
                table_hbm.at[idx_v.at[pl.ds(c * chunk, chunk)]], rows[b], sg[b]
            )

        gather(0, 0)
        gather(1, 1)
        iota = lax.iota(jnp.int32, lanes)
        zero = jnp.bitwise_and(iota, 0)
        rsplat = [zero + r for r in range(8)]
        egv = []
        esv = []
        for g in range(groups):
            e_vec = iota + g * lanes
            egv.append(lax.shift_right_logical(e_vec, 3))
            esv.append(jnp.bitwise_and(e_vec, 7))

        def pair_body(p, carry):
            for b in range(2):
                c = 2 * p + b
                cid = wid * n_chunks + c
                t = cid // bg_n
                bg = cid % bg_n
                pltpu.make_async_copy(
                    table_hbm.at[idx_v.at[pl.ds(c * chunk, chunk)]],
                    rows[b],
                    sg[b],
                ).wait()
                @pl.when(c >= 2)
                def _():
                    pltpu.make_async_copy(
                        tiles[b], out_hbm.at[t, :, bg], ss[b]
                    ).wait()

                pev = [
                    pe_v[pl.ds(t * emb + g * lanes, lanes)]
                    for g in range(groups)
                ]

                @plsc.parallel_loop(0, chunk // 8, unroll=2)
                def bl_body(bl8):
                    base = bl8 * 8
                    for r in range(8):
                        for g in range(groups):
                            v = rows[b][base + r, pl.ds(g * lanes, lanes)]
                            plsc.store_scatter(
                                tiles[b],
                                [egv[g], esv[g], rsplat[r] + base],
                                v + pev[g],
                            )

                nxt = c + 2

                @pl.when(nxt < n_chunks)
                def _():
                    gather(nxt, b)

                pltpu.async_copy(tiles[b], out_hbm.at[t, :, bg], ss[b])
            return carry

        lax.fori_loop(0, n_chunks // 2, pair_body, 0)
        for b in range(2):
            c = n_chunks - 2 + b
            cid = wid * n_chunks + c
            pltpu.make_async_copy(
                tiles[b], out_hbm.at[cid // bg_n, :, cid % bg_n], ss[b]
            ).wait()

    return k


def kernel(x, table):
    batch, ctx = x.shape
    vocab, emb = table.shape
    pe = _pos_encoding(ctx, emb).reshape(-1)
    idx = x.T.reshape(-1)
    out5 = _build(batch, ctx, vocab, emb)(table, idx, pe)
    return out5.transpose(2, 4, 0, 1, 3).reshape(batch, ctx, emb)

# --- scband reference (transcript-rebuilt; emitter-appended) ---
"""Pipeline reference for scband-embedding-12567074308416 (READ-ONLY COPY).

The authoritative reference and input builder live on the scoring server;
editing this copy changes nothing except your own understanding.
"""

import jax, jax.numpy as jnp
import numpy as np

VOCAB = 1000000
CTX = 200
EMB = 64
PAD = 0
BATCH = 1024


def _sinusoidal_positional_encoding(context_size, embedding_size):
    positions = jnp.arange(context_size, dtype=jnp.float32)
    indices = jnp.arange(embedding_size // 2, dtype=jnp.float32)
    scaling_factor = 10000 ** (2 * indices / embedding_size)
    angles = positions[:, None] / scaling_factor
    pe = jnp.zeros((context_size, embedding_size), dtype=jnp.float32)
    pe = pe.at[:, 0::2].set(jnp.sin(angles))
    pe = pe.at[:, 1::2].set(jnp.cos(angles))
    return pe


def setup_inputs(seed: int = 0) -> dict:
    key = jax.random.key(seed)
    k1, k2 = jax.random.split(key)
    x = jax.random.randint(k1, (BATCH, CTX), 0, VOCAB, dtype=jnp.int32)
    table = jax.random.normal(k2, (VOCAB, EMB), dtype=jnp.float32)
    # padding_idx row is initialized to zeros in nn.Embedding
    table = table.at[PAD].set(0.0)
    return {"x": x, "table": table}


def reference(x, table):
    # padding_idx semantics: row PAD is always zero
    t = table.at[PAD].set(0.0)
    token_embeddings = jnp.take(t, x, axis=0)
    position_encoding = _sinusoidal_positional_encoding(CTX, EMB)[: x.shape[-1], :]
    return token_embeddings + position_encoding

if __name__ == "__main__":
    import jax
    _d = setup_inputs()
    print(jax.jit(kernel)(*tuple(_d.values())))

</pallas_src>

<mosaic_0001>
#map = affine_map<(d0, d1) -> (0, 0)>
#map1 = affine_map<(d0, d1) -> (0)>
#map2 = affine_map<(d0, d1) -> (0, 0, 0, 0, 0)>
module attributes {stable_mosaic.version = 14 : i64} {
  func.func @k(%arg0: i32, %arg1: i32, %arg2: memref<1000000x64xf32, #tpu.memory_space<hbm>>, %arg3: memref<204800xi32, #tpu.memory_space<hbm>>, %arg4: memref<12800xf32, #tpu.memory_space<hbm>>, %arg5: memref<200x8x8x8x128xf32, #tpu.memory_space<hbm>>, %arg6: memref<12800xf32, #tpu.memory_space<vmem>>, %arg7: memref<6400xi32, #tpu.memory_space<vmem>>, %arg8: memref<128x64xf32, #tpu.memory_space<vmem>>, %arg9: memref<128x64xf32, #tpu.memory_space<vmem>>, %arg10: memref<8x8x128xf32, #tpu.memory_space<vmem>>, %arg11: memref<8x8x128xf32, #tpu.memory_space<vmem>>, %arg12: memref<!tpu.dma_semaphore, #tpu.memory_space<semaphore_mem>>, %arg13: memref<!tpu.dma_semaphore, #tpu.memory_space<semaphore_mem>>, %arg14: memref<!tpu.dma_semaphore, #tpu.memory_space<semaphore_mem>>, %arg15: memref<!tpu.dma_semaphore, #tpu.memory_space<semaphore_mem>>) attributes {dimension_semantics = [#tpu.dimension_semantics<core_parallel>, #tpu.dimension_semantics<subcore_parallel>], iteration_bounds = array<i64: 2, 16>, scalar_prefetch = 0 : i64, scratch_operands = 10 : i64, tpu.core_type = #tpu.core_type<sc_vector_subcore>, window_params = [{transform_indices = #map}, {transform_indices = #map1}, {transform_indices = #map1}, {transform_indices = #map2}]} {
    %mul3A = arith.constant 2 : i32
    %mul3A_0 = arith.muli %arg1, %mul3A : i32
    %add3A = arith.addi %mul3A_0, %arg0 : i32
    "tpu.region"() ({
      %run_scoped3A = tpu.sem_alloc : memref<!tpu.dma_semaphore, #tpu.memory_space<semaphore_mem>>
      tpu.enqueue_dma source(%arg4 : memref<12800xf32, #tpu.memory_space<hbm>>) target(%arg6 : memref<12800xf32, #tpu.memory_space<vmem>>) target_semaphore(%run_scoped3A : memref<!tpu.dma_semaphore, #tpu.memory_space<semaphore_mem>>)
      tpu.wait_dma2 semaphore(%run_scoped3A : memref<!tpu.dma_semaphore, #tpu.memory_space<semaphore_mem>>) src(%arg4 : memref<12800xf32, #tpu.memory_space<hbm>>) dst(%arg6 : memref<12800xf32, #tpu.memory_space<vmem>>)
      tpu.yield
    }) : () -> ()
    %mul3A_1 = arith.constant 6400 : i32
    %mul3A_2 = arith.muli %add3A, %mul3A_1 : i32
    "tpu.region"() ({
      %run_scoped3A = tpu.sem_alloc : memref<!tpu.dma_semaphore, #tpu.memory_space<semaphore_mem>>
      %dma_start3A_176 = tpu.memref_slice %arg3[%mul3A_2] : memref<204800xi32, #tpu.memory_space<hbm>> -> memref<6400xi32, #tpu.memory_space<hbm>>
      %dma_start3A_177 = tpu.memref_slice %arg3[%mul3A_2] : memref<204800xi32, #tpu.memory_space<hbm>> -> memref<6400xi32, #tpu.memory_space<hbm>>
      tpu.enqueue_dma source(%dma_start3A_177 : memref<6400xi32, #tpu.memory_space<hbm>>) target(%arg7 : memref<6400xi32, #tpu.memory_space<vmem>>) target_semaphore(%run_scoped3A : memref<!tpu.dma_semaphore, #tpu.memory_space<semaphore_mem>>)
      %dma_wait3A_178 = tpu.memref_slice %arg3[%mul3A_2] : memref<204800xi32, #tpu.memory_space<hbm>> -> memref<6400xi32, #tpu.memory_space<hbm>>
      %dma_wait3A_179 = tpu.memref_slice %arg3[%mul3A_2] : memref<204800xi32, #tpu.memory_space<hbm>> -> memref<6400xi32, #tpu.memory_space<hbm>>
      tpu.wait_dma2 semaphore(%run_scoped3A : memref<!tpu.dma_semaphore, #tpu.memory_space<semaphore_mem>>) src(%dma_wait3A_179 : memref<6400xi32, #tpu.memory_space<hbm>>) dst(%arg7 : memref<6400xi32, #tpu.memory_space<vmem>>)
      tpu.yield
    }) : () -> ()
    %dma_start3A = arith.constant 0 : i32
    %dma_start3A_3 = tpu.memref_slice %arg7[%dma_start3A] : memref<6400xi32, #tpu.memory_space<vmem>> -> memref<128xi32, #tpu.memory_space<vmem>>
    %dma_start3A_4 = arith.constant 0 : i32
    %dma_start3A_5 = arith.constant 0 : i32
    %dma_start3A_6 = tpu.memref_slice %arg2[%dma_start3A_4, %dma_start3A_5] : memref<1000000x64xf32, #tpu.memory_space<hbm>> -> memref<1000000x64xf32, #tpu.memory_space<hbm>>
    tpu.enqueue_indirect_dma source(%dma_start3A_6 : memref<1000000x64xf32, #tpu.memory_space<hbm>>) target(%arg8 : memref<128x64xf32, #tpu.memory_space<vmem>>) offsets(%dma_start3A_3 : memref<128xi32, #tpu.memory_space<vmem>>) semaphore(%arg12 : memref<!tpu.dma_semaphore, #tpu.memory_space<semaphore_mem>>)
    %dma_start3A_7 = arith.constant 128 : i32
    %dma_start3A_8 = tpu.memref_slice %arg7[%dma_start3A_7] : memref<6400xi32, #tpu.memory_space<vmem>> -> memref<128xi32, #tpu.memory_space<vmem>>
    %dma_start3A_9 = arith.constant 0 : i32
    %dma_start3A_10 = arith.constant 0 : i32
    %dma_start3A_11 = tpu.memref_slice %arg2[%dma_start3A_9, %dma_start3A_10] : memref<1000000x64xf32, #tpu.memory_space<hbm>> -> memref<1000000x64xf32, #tpu.memory_space<hbm>>
    tpu.enqueue_indirect_dma source(%dma_start3A_11 : memref<1000000x64xf32, #tpu.memory_space<hbm>>) target(%arg9 : memref<128x64xf32, #tpu.memory_space<vmem>>) offsets(%dma_start3A_8 : memref<128xi32, #tpu.memory_space<vmem>>) semaphore(%arg13 : memref<!tpu.dma_semaphore, #tpu.memory_space<semaphore_mem>>)
    %iota3A = tpu.iota {dimensions = array<i32: 0>} : vector<16xi32>
    %and3A = arith.constant 0 : i32
    %and3A_12 = vector.broadcast %and3A : i32 to vector<16xi32>
    %and3A_13 = arith.andi %iota3A, %and3A_12 : vector<16xi32>
    %add3A_14 = arith.constant 0 : i32
    %add3A_15 = vector.broadcast %add3A_14 : i32 to vector<16xi32>
    %add3A_16 = arith.addi %and3A_13, %add3A_15 : vector<16xi32>
    %add3A_17 = arith.constant 1 : i32
    %add3A_18 = vector.broadcast %add3A_17 : i32 to vector<16xi32>
    %add3A_19 = arith.addi %and3A_13, %add3A_18 : vector<16xi32>
    %add3A_20 = arith.constant 2 : i32
    %add3A_21 = vector.broadcast %add3A_20 : i32 to vector<16xi32>
    %add3A_22 = arith.addi %and3A_13, %add3A_21 : vector<16xi32>
    %add3A_23 = arith.constant 3 : i32
    %add3A_24 = vector.broadcast %add3A_23 : i32 to vector<16xi32>
    %add3A_25 = arith.addi %and3A_13, %add3A_24 : vector<16xi32>
    %add3A_26 = arith.constant 4 : i32
    %add3A_27 = vector.broadcast %add3A_26 : i32 to vector<16xi32>
    %add3A_28 = arith.addi %and3A_13, %add3A_27 : vector<16xi32>
    %add3A_29 = arith.constant 5 : i32
    %add3A_30 = vector.broadcast %add3A_29 : i32 to vector<16xi32>
    %add3A_31 = arith.addi %and3A_13, %add3A_30 : vector<16xi32>
    %add3A_32 = arith.constant 6 : i32
    %add3A_33 = vector.broadcast %add3A_32 : i32 to vector<16xi32>
    %add3A_34 = arith.addi %and3A_13, %add3A_33 : vector<16xi32>
    %add3A_35 = arith.constant 7 : i32
    %add3A_36 = vector.broadcast %add3A_35 : i32 to vector<16xi32>
    %add3A_37 = arith.addi %and3A_13, %add3A_36 : vector<16xi32>
    %add3A_38 = arith.constant 0 : i32
    %add3A_39 = vector.broadcast %add3A_38 : i32 to vector<16xi32>
    %add3A_40 = arith.addi %iota3A, %add3A_39 : vector<16xi32>
    %shift_right_logical3A = arith.constant 3 : i32
    %shift_right_logical3A_41 = vector.broadcast %shift_right_logical3A : i32 to vector<16xi32>
    %shift_right_logical3A_42 = arith.shrui %add3A_40, %shift_right_logical3A_41 : vector<16xi32>
    %and3A_43 = arith.constant 7 : i32
    %and3A_44 = vector.broadcast %and3A_43 : i32 to vector<16xi32>
    %and3A_45 = arith.andi %add3A_40, %and3A_44 : vector<16xi32>
    %add3A_46 = arith.constant 16 : i32
    %add3A_47 = vector.broadcast %add3A_46 : i32 to vector<16xi32>
    %add3A_48 = arith.addi %iota3A, %add3A_47 : vector<16xi32>
    %shift_right_logical3A_49 = arith.constant 3 : i32
    %shift_right_logical3A_50 = vector.broadcast %shift_right_logical3A_49 : i32 to vector<16xi32>
    %shift_right_logical3A_51 = arith.shrui %add3A_48, %shift_right_logical3A_50 : vector<16xi32>
    %and3A_52 = arith.constant 7 : i32
    %and3A_53 = vector.broadcast %and3A_52 : i32 to vector<16xi32>
    %and3A_54 = arith.andi %add3A_48, %and3A_53 : vector<16xi32>
    %add3A_55 = arith.constant 32 : i32
    %add3A_56 = vector.broadcast %add3A_55 : i32 to vector<16xi32>
    %add3A_57 = arith.addi %iota3A, %add3A_56 : vector<16xi32>
    %shift_right_logical3A_58 = arith.constant 3 : i32
    %shift_right_logical3A_59 = vector.broadcast %shift_right_logical3A_58 : i32 to vector<16xi32>
    %shift_right_logical3A_60 = arith.shrui %add3A_57, %shift_right_logical3A_59 : vector<16xi32>
    %and3A_61 = arith.constant 7 : i32
    %and3A_62 = vector.broadcast %and3A_61 : i32 to vector<16xi32>
    %and3A_63 = arith.andi %add3A_57, %and3A_62 : vector<16xi32>
    %add3A_64 = arith.constant 48 : i32
    %add3A_65 = vector.broadcast %add3A_64 : i32 to vector<16xi32>
    %add3A_66 = arith.addi %iota3A, %add3A_65 : vector<16xi32>
    %shift_right_logical3A_67 = arith.constant 3 : i32
    %shift_right_logical3A_68 = vector.broadcast %shift_right_logical3A_67 : i32 to vector<16xi32>
    %shift_right_logical3A_69 = arith.shrui %add3A_66, %shift_right_logical3A_68 : vector<16xi32>
    %and3A_70 = arith.constant 7 : i32
    %and3A_71 = vector.broadcast %and3A_70 : i32 to vector<16xi32>
    %and3A_72 = arith.andi %add3A_66, %and3A_71 : vector<16xi32>
    %scan3A = arith.constant 0 : i32
    %scan3A_73 = arith.constant 0 : i32
    %scan3A_74 = arith.constant 25 : i32
    %scan3A_75 = arith.addi %scan3A_73, %scan3A_74 : i32
    %scan3A_76 = arith.constant 1 : i32
    scf.for %scan3A_176 = %scan3A_73 to %scan3A_75 step %scan3A_76  : i32 {
      %mul3A_177 = arith.constant 2 : i32
      %mul3A_178 = arith.muli %mul3A_177, %scan3A_176 : i32
      %add3A_179 = arith.constant 0 : i32
      %add3A_180 = arith.addi %mul3A_178, %add3A_179 : i32
      %mul3A_181 = arith.constant 50 : i32
      %mul3A_182 = arith.muli %add3A, %mul3A_181 : i32
      %add3A_183 = arith.addi %mul3A_182, %add3A_180 : i32
      %jit3A_184 = arith.constant 8 : i32
      %div3A_185 = arith.divsi %add3A_183, %jit3A_184 : i32
      %sign3A_186 = arith.constant 0 : i32
      %sign3A_187 = arith.cmpi sgt, %add3A_183, %sign3A_186 : i32
      %sign3A_188 = arith.extui %sign3A_187 : i1 to i32
      %sign3A_189 = arith.constant 0 : i32
      %sign3A_190 = arith.cmpi slt, %add3A_183, %sign3A_189 : i32
      %sign3A_191 = arith.extui %sign3A_190 : i1 to i32
      %sign3A_192 = arith.subi %sign3A_188, %sign3A_191 : i32
      %sign3A_193 = arith.constant 0 : i32
      %sign3A_194 = arith.cmpi sgt, %jit3A_184, %sign3A_193 : i32
      %sign3A_195 = arith.extui %sign3A_194 : i1 to i32
      %sign3A_196 = arith.constant 0 : i32
      %sign3A_197 = arith.cmpi slt, %jit3A_184, %sign3A_196 : i32
      %sign3A_198 = arith.extui %sign3A_197 : i1 to i32
      %sign3A_199 = arith.subi %sign3A_195, %sign3A_198 : i32
      %ne3A_200 = arith.cmpi ne, %sign3A_192, %sign3A_199 : i32
      %rem3A_201 = arith.remsi %add3A_183, %jit3A_184 : i32
      %ne3A_202 = arith.constant 0 : i32
      %ne3A_203 = arith.cmpi ne, %rem3A_201, %ne3A_202 : i32
      %and3A_204 = arith.andi %ne3A_200, %ne3A_203 : i1
      %sub3A_205 = arith.constant 1 : i32
      %sub3A_206 = arith.subi %div3A_185, %sub3A_205 : i32
      %select_n3A_207 = arith.select %and3A_204, %sub3A_206, %div3A_185 : i32
      %jit3A_208 = arith.constant 8 : i32
      %eq3A_209 = arith.constant 0 : i32
      %eq3A_210 = arith.cmpi eq, %jit3A_208, %eq3A_209 : i32
      %jit3A_211 = arith.constant 1 : i32
      %select_n3A_212 = arith.select %eq3A_210, %jit3A_211, %jit3A_208 : i32
      %rem3A_213 = arith.remsi %add3A_183, %select_n3A_212 : i32
      %ne3A_214 = arith.constant 0 : i32
      %ne3A_215 = arith.cmpi ne, %rem3A_213, %ne3A_214 : i32
      %lt3A_216 = arith.constant 0 : i32
      %lt3A_217 = arith.cmpi slt, %rem3A_213, %lt3A_216 : i32
      %lt3A_218 = arith.constant 0 : i32
      %lt3A_219 = arith.cmpi slt, %select_n3A_212, %lt3A_218 : i32
      %ne3A_220 = arith.xori %lt3A_217, %lt3A_219 : i1
      %and3A_221 = arith.andi %ne3A_220, %ne3A_215 : i1
      %add3A_222 = arith.addi %rem3A_213, %select_n3A_212 : i32
      %select_n3A_223 = arith.select %and3A_221, %add3A_222, %rem3A_213 : i32
      %mul3A_224 = arith.constant 128 : i32
      %mul3A_225 = arith.muli %add3A_180, %mul3A_224 : i32
      %dma_wait3A_226 = tpu.memref_slice %arg7[%mul3A_225] : memref<6400xi32, #tpu.memory_space<vmem>> -> memref<128xi32, #tpu.memory_space<vmem>>
      %dma_wait3A_227 = arith.constant 0 : i32
      %dma_wait3A_228 = arith.constant 0 : i32
      %dma_wait3A_229 = tpu.memref_slice %arg2[%dma_wait3A_227, %dma_wait3A_228] : memref<1000000x64xf32, #tpu.memory_space<hbm>> -> memref<1000000x64xf32, #tpu.memory_space<hbm>>
      tpu.wait_indirect_dma semaphore(%arg12 : memref<!tpu.dma_semaphore, #tpu.memory_space<semaphore_mem>>) src(%dma_wait3A_229 : memref<1000000x64xf32, #tpu.memory_space<hbm>>) dst(%arg8 : memref<128x64xf32, #tpu.memory_space<vmem>>)
      %ge3A = arith.constant 2 : i32
      %ge3A_230 = arith.cmpi sge, %add3A_180, %ge3A : i32
      %convert_element_type3A = arith.extui %ge3A_230 : i1 to i32
      %cond3A = arith.constant 0 : i32
      %cond3A_231 = arith.cmpi ne, %convert_element_type3A, %cond3A : i32
      scf.if %cond3A_231 {
        %dma_wait3A_376 = arith.constant 0 : i32
        %dma_wait3A_377 = arith.constant 0 : i32
        %dma_wait3A_378 = arith.constant 0 : i32
        %dma_wait3A_379 = tpu.memref_slice %arg5[%select_n3A_207, %dma_wait3A_376, %select_n3A_223, %dma_wait3A_377, %dma_wait3A_378] : memref<200x8x8x8x128xf32, #tpu.memory_space<hbm>> -> memref<1x8x1x8x128xf32, #tpu.memory_space<hbm>>
        %dma_wait3A_380 = tpu.memref_squeeze %dma_wait3A_379 : memref<1x8x1x8x128xf32, #tpu.memory_space<hbm>> -> memref<8x8x128xf32, #tpu.memory_space<hbm>>
        %dma_wait3A_381 = arith.constant 0 : i32
        %dma_wait3A_382 = arith.constant 0 : i32
        %dma_wait3A_383 = arith.constant 0 : i32
        %dma_wait3A_384 = tpu.memref_slice %arg5[%select_n3A_207, %dma_wait3A_381, %select_n3A_223, %dma_wait3A_382, %dma_wait3A_383] : memref<200x8x8x8x128xf32, #tpu.memory_space<hbm>> -> memref<1x8x1x8x128xf32, #tpu.memory_space<hbm>>
        %dma_wait3A_385 = tpu.memref_squeeze %dma_wait3A_384 : memref<1x8x1x8x128xf32, #tpu.memory_space<hbm>> -> memref<8x8x128xf32, #tpu.memory_space<hbm>>
        tpu.wait_dma2 semaphore(%arg14 : memref<!tpu.dma_semaphore, #tpu.memory_space<semaphore_mem>>) src(%arg10 : memref<8x8x128xf32, #tpu.memory_space<vmem>>) dst(%dma_wait3A_385 : memref<8x8x128xf32, #tpu.memory_space<hbm>>)
      } else {
      }
      %mul3A_232 = arith.constant 64 : i32
      %mul3A_233 = arith.muli %select_n3A_207, %mul3A_232 : i32
      %add3A_234 = arith.constant 0 : i32
      %add3A_235 = arith.addi %mul3A_233, %add3A_234 : i32
      %get3A = arith.index_cast %add3A_235 : i32 to index
      %get3A_236 = tpu.vector_load %arg6[%get3A] {strides = array<i32>} : memref<12800xf32, #tpu.memory_space<vmem>>, vector<16xf32>,
      %mul3A_237 = arith.constant 64 : i32
      %mul3A_238 = arith.muli %select_n3A_207, %mul3A_237 : i32
      %add3A_239 = arith.constant 16 : i32
      %add3A_240 = arith.addi %mul3A_238, %add3A_239 : i32
      %get3A_241 = arith.index_cast %add3A_240 : i32 to index
      %get3A_242 = tpu.vector_load %arg6[%get3A_241] {strides = array<i32>} : memref<12800xf32, #tpu.memory_space<vmem>>, vector<16xf32>,
      %mul3A_243 = arith.constant 64 : i32
      %mul3A_244 = arith.muli %select_n3A_207, %mul3A_243 : i32
      %add3A_245 = arith.constant 32 : i32
      %add3A_246 = arith.addi %mul3A_244, %add3A_245 : i32
      %get3A_247 = arith.index_cast %add3A_246 : i32 to index
      %get3A_248 = tpu.vector_load %arg6[%get3A_247] {strides = array<i32>} : memref<12800xf32, #tpu.memory_space<vmem>>, vector<16xf32>,
      %mul3A_249 = arith.constant 64 : i32
      %mul3A_250 = arith.muli %select_n3A_207, %mul3A_249 : i32
      %add3A_251 = arith.constant 48 : i32
      %add3A_252 = arith.addi %mul3A_250, %add3A_251 : i32
      %get3A_253 = arith.index_cast %add3A_252 : i32 to index
      %get3A_254 = tpu.vector_load %arg6[%get3A_253] {strides = array<i32>} : memref<12800xf32, #tpu.memory_space<vmem>>, vector<16xf32>,
      %parallel_loop3A = arith.constant 0 : i32
      %parallel_loop3A_255 = arith.constant 16 : i32
      %parallel_loop3A_256 = arith.constant 1 : i32
      scf.for %parallel_loop3A_376 = %parallel_loop3A to %parallel_loop3A_255 step %parallel_loop3A_256  : i32 {
        %parallel_loop3A_377 = arith.constant 8 : i32
        %parallel_loop3A_378 = arith.muli %parallel_loop3A_376, %parallel_loop3A_377 : i32
        %parallel_loop3A_379 = arith.constant 0 : i32
        %parallel_loop3A_380 = arith.addi %parallel_loop3A_378, %parallel_loop3A_379 : i32
        %parallel_loop3A_381 = arith.index_cast %parallel_loop3A_380 : i32 to index
        %parallel_loop3A_382 = arith.constant 0 : index
        %parallel_loop3A_383 = tpu.vector_load %arg8[%parallel_loop3A_381, %parallel_loop3A_382] {strides = array<i32>} : memref<128x64xf32, #tpu.memory_space<vmem>>, vector<16xf32>,
        %parallel_loop3A_384 = vector.broadcast %parallel_loop3A_378 : i32 to vector<16xi32>
        %parallel_loop3A_385 = arith.addi %add3A_16, %parallel_loop3A_384 : vector<16xi32>
        %parallel_loop3A_386 = arith.addf %parallel_loop3A_383, %get3A_236 : vector<16xf32>
        tpu.vector_store_idx %arg10[%shift_right_logical3A_42, %and3A_45, %parallel_loop3A_385], %parallel_loop3A_386 : memref<8x8x128xf32, #tpu.memory_space<vmem>>[vector<16xi32>, vector<16xi32>, vector<16xi32>], vector<16xf32>,
        %parallel_loop3A_387 = arith.constant 0 : i32
        %parallel_loop3A_388 = arith.addi %parallel_loop3A_378, %parallel_loop3A_387 : i32
        %parallel_loop3A_389 = arith.index_cast %parallel_loop3A_388 : i32 to index
        %parallel_loop3A_390 = arith.constant 16 : index
        %parallel_loop3A_391 = tpu.vector_load %arg8[%parallel_loop3A_389, %parallel_loop3A_390] {strides = array<i32>} : memref<128x64xf32, #tpu.memory_space<vmem>>, vector<16xf32>,
        %parallel_loop3A_392 = vector.broadcast %parallel_loop3A_378 : i32 to vector<16xi32>
        %parallel_loop3A_393 = arith.addi %add3A_16, %parallel_loop3A_392 : vector<16xi32>
        %parallel_loop3A_394 = arith.addf %parallel_loop3A_391, %get3A_242 : vector<16xf32>
        tpu.vector_store_idx %arg10[%shift_right_logical3A_51, %and3A_54, %parallel_loop3A_393], %parallel_loop3A_394 : memref<8x8x128xf32, #tpu.memory_space<vmem>>[vector<16xi32>, vector<16xi32>, vector<16xi32>], vector<16xf32>,
        %parallel_loop3A_395 = arith.constant 0 : i32
        %parallel_loop3A_396 = arith.addi %parallel_loop3A_378, %parallel_loop3A_395 : i32
        %parallel_loop3A_397 = arith.index_cast %parallel_loop3A_396 : i32 to index
        %parallel_loop3A_398 = arith.constant 32 : index
        %parallel_loop3A_399 = tpu.vector_load %arg8[%parallel_loop3A_397, %parallel_loop3A_398] {strides = array<i32>} : memref<128x64xf32, #tpu.memory_space<vmem>>, vector<16xf32>,
        %parallel_loop3A_400 = vector.broadcast %parallel_loop3A_378 : i32 to vector<16xi32>
        %parallel_loop3A_401 = arith.addi %add3A_16, %parallel_loop3A_400 : vector<16xi32>
        %parallel_loop3A_402 = arith.addf %parallel_loop3A_399, %get3A_248 : vector<16xf32>
        tpu.vector_store_idx %arg10[%shift_right_logical3A_60, %and3A_63, %parallel_loop3A_401], %parallel_loop3A_402 : memref<8x8x128xf32, #tpu.memory_space<vmem>>[vector<16xi32>, vector<16xi32>, vector<16xi32>], vector<16xf32>,
        %parallel_loop3A_403 = arith.constant 0 : i32
        %parallel_loop3A_404 = arith.addi %parallel_loop3A_378, %parallel_loop3A_403 : i32
        %parallel_loop3A_405 = arith.index_cast %parallel_loop3A_404 : i32 to index
        %parallel_loop3A_406 = arith.constant 48 : index
        %parallel_loop3A_407 = tpu.vector_load %arg8[%parallel_loop3A_405, %parallel_loop3A_406] {strides = array<i32>} : memref<128x64xf32, #tpu.memory_space<vmem>>, vector<16xf32>,
        %parallel_loop3A_408 = vector.broadcast %parallel_loop3A_378 : i32 to vector<16xi32>
        %parallel_loop3A_409 = arith.addi %add3A_16, %parallel_loop3A_408 : vector<16xi32>
        %parallel_loop3A_410 = arith.addf %parallel_loop3A_407, %get3A_254 : vector<16xf32>
        tpu.vector_store_idx %arg10[%shift_right_logical3A_69, %and3A_72, %parallel_loop3A_409], %parallel_loop3A_410 : memref<8x8x128xf32, #tpu.memory_space<vmem>>[vector<16xi32>, vector<16xi32>, vector<16xi32>], vector<16xf32>,
        %parallel_loop3A_411 = arith.constant 1 : i32
        %parallel_loop3A_412 = arith.addi %parallel_loop3A_378, %parallel_loop3A_411 : i32
        %parallel_loop3A_413 = arith.index_cast %parallel_loop3A_412 : i32 to index
        %parallel_loop3A_414 = arith.constant 0 : index
        %parallel_loop3A_415 = tpu.vector_load %arg8[%parallel_loop3A_413, %parallel_loop3A_414] {strides = array<i32>} : memref<128x64xf32, #tpu.memory_space<vmem>>, vector<16xf32>,
        %parallel_loop3A_416 = vector.broadcast %parallel_loop3A_378 : i32 to vector<16xi32>
        %parallel_loop3A_417 = arith.addi %add3A_19, %parallel_loop3A_416 : vector<16xi32>
        %parallel_loop3A_418 = arith.addf %parallel_loop3A_415, %get3A_236 : vector<16xf32>
        tpu.vector_store_idx %arg10[%shift_right_logical3A_42, %and3A_45, %parallel_loop3A_417], %parallel_loop3A_418 : memref<8x8x128xf32, #tpu.memory_space<vmem>>[vector<16xi32>, vector<16xi32>, vector<16xi32>], vector<16xf32>,
        %parallel_loop3A_419 = arith.constant 1 : i32
        %parallel_loop3A_420 = arith.addi %parallel_loop3A_378, %parallel_loop3A_419 : i32
        %parallel_loop3A_421 = arith.index_cast %parallel_loop3A_420 : i32 to index
        %parallel_loop3A_422 = arith.constant 16 : index
        %parallel_loop3A_423 = tpu.vector_load %arg8[%parallel_loop3A_421, %parallel_loop3A_422] {strides = array<i32>} : memref<128x64xf32, #tpu.memory_space<vmem>>, vector<16xf32>,
        %parallel_loop3A_424 = vector.broadcast %parallel_loop3A_378 : i32 to vector<16xi32>
        %parallel_loop3A_425 = arith.addi %add3A_19, %parallel_loop3A_424 : vector<16xi32>
        %parallel_loop3A_426 = arith.addf %parallel_loop3A_423, %get3A_242 : vector<16xf32>
        tpu.vector_store_idx %arg10[%shift_right_logical3A_51, %and3A_54, %parallel_loop3A_425], %parallel_loop3A_426 : memref<8x8x128xf32, #tpu.memory_space<vmem>>[vector<16xi32>, vector<16xi32>, vector<16xi32>], vector<16xf32>,
        %parallel_loop3A_427 = arith.constant 1 : i32
        %parallel_loop3A_428 = arith.addi %parallel_loop3A_378, %parallel_loop3A_427 : i32
        %parallel_loop3A_429 = arith.index_cast %parallel_loop3A_428 : i32 to index
        %parallel_loop3A_430 = arith.constant 32 : index
        %parallel_loop3A_431 = tpu.vector_load %arg8[%parallel_loop3A_429, %parallel_loop3A_430] {strides = array<i32>} : memref<128x64xf32, #tpu.memory_space<vmem>>, vector<16xf32>,
        %parallel_loop3A_432 = vector.broadcast %parallel_loop3A_378 : i32 to vector<16xi32>
        %parallel_loop3A_433 = arith.addi %add3A_19, %parallel_loop3A_432 : vector<16xi32>
        %parallel_loop3A_434 = arith.addf %parallel_loop3A_431, %get3A_248 : vector<16xf32>
        tpu.vector_store_idx %arg10[%shift_right_logical3A_60, %and3A_63, %parallel_loop3A_433], %parallel_loop3A_434 : memref<8x8x128xf32, #tpu.memory_space<vmem>>[vector<16xi32>, vector<16xi32>, vector<16xi32>], vector<16xf32>,
        %parallel_loop3A_435 = arith.constant 1 : i32
        %parallel_loop3A_436 = arith.addi %parallel_loop3A_378, %parallel_loop3A_435 : i32
        %parallel_loop3A_437 = arith.index_cast %parallel_loop3A_436 : i32 to index
        %parallel_loop3A_438 = arith.constant 48 : index
        %parallel_loop3A_439 = tpu.vector_load %arg8[%parallel_loop3A_437, %parallel_loop3A_438] {strides = array<i32>} : memref<128x64xf32, #tpu.memory_space<vmem>>, vector<16xf32>,
        %parallel_loop3A_440 = vector.broadcast %parallel_loop3A_378 : i32 to vector<16xi32>
        %parallel_loop3A_441 = arith.addi %add3A_19, %parallel_loop3A_440 : vector<16xi32>
        %parallel_loop3A_442 = arith.addf %parallel_loop3A_439, %get3A_254 : vector<16xf32>
        tpu.vector_store_idx %arg10[%shift_right_logical3A_69, %and3A_72, %parallel_loop3A_441], %parallel_loop3A_442 : memref<8x8x128xf32, #tpu.memory_space<vmem>>[vector<16xi32>, vector<16xi32>, vector<16xi32>], vector<16xf32>,
        %parallel_loop3A_443 = arith.constant 2 : i32
        %parallel_loop3A_444 = arith.addi %parallel_loop3A_378, %parallel_loop3A_443 : i32
        %parallel_loop3A_445 = arith.index_cast %parallel_loop3A_444 : i32 to index
        %parallel_loop3A_446 = arith.constant 0 : index
        %parallel_loop3A_447 = tpu.vector_load %arg8[%parallel_loop3A_445, %parallel_loop3A_446] {strides = array<i32>} : memref<128x64xf32, #tpu.memory_space<vmem>>, vector<16xf32>,
        %parallel_loop3A_448 = vector.broadcast %parallel_loop3A_378 : i32 to vector<16xi32>
        %parallel_loop3A_449 = arith.addi %add3A_22, %parallel_loop3A_448 : vector<16xi32>
        %parallel_loop3A_450 = arith.addf %parallel_loop3A_447, %get3A_236 : vector<16xf32>
        tpu.vector_store_idx %arg10[%shift_right_logical3A_42, %and3A_45, %parallel_loop3A_449], %parallel_loop3A_450 : memref<8x8x128xf32, #tpu.memory_space<vmem>>[vector<16xi32>, vector<16xi32>, vector<16xi32>], vector<16xf32>,
        %parallel_loop3A_451 = arith.constant 2 : i32
        %parallel_loop3A_452 = arith.addi %parallel_loop3A_378, %parallel_loop3A_451 : i32
        %parallel_loop3A_453 = arith.index_cast %parallel_loop3A_452 : i32 to index
        %parallel_loop3A_454 = arith.constant 16 : index
        %parallel_loop3A_455 = tpu.vector_load %arg8[%parallel_loop3A_453, %parallel_loop3A_454] {strides = array<i32>} : memref<128x64xf32, #tpu.memory_space<vmem>>, vector<16xf32>,
        %parallel_loop3A_456 = vector.broadcast %parallel_loop3A_378 : i32 to vector<16xi32>
        %parallel_loop3A_457 = arith.addi %add3A_22, %parallel_loop3A_456 : vector<16xi32>
        %parallel_loop3A_458 = arith.addf %parallel_loop3A_455, %get3A_242 : vector<16xf32>
        tpu.vector_store_idx %arg10[%shift_right_logical3A_51, %and3A_54, %parallel_loop3A_457], %parallel_loop3A_458 : memref<8x8x128xf32, #tpu.memory_space<vmem>>[vector<16xi32>, vector<16xi32>, vector<16xi32>], vector<16xf32>,
        %parallel_loop3A_459 = arith.constant 2 : i32
        %parallel_loop3A_460 = arith.addi %parallel_loop3A_378, %parallel_loop3A_459 : i32
        %parallel_loop3A_461 = arith.index_cast %parallel_loop3A_460 : i32 to index
        %parallel_loop3A_462 = arith.constant 32 : index
        %parallel_loop3A_463 = tpu.vector_load %arg8[%parallel_loop3A_461, %parallel_loop3A_462] {strides = array<i32>} : memref<128x64xf32, #tpu.memory_space<vmem>>, vector<16xf32>,
        %parallel_loop3A_464 = vector.broadcast %parallel_loop3A_378 : i32 to vector<16xi32>
        %parallel_loop3A_465 = arith.addi %add3A_22, %parallel_loop3A_464 : vector<16xi32>
        %parallel_loop3A_466 = arith.addf %parallel_loop3A_463, %get3A_248 : vector<16xf32>
        tpu.vector_store_idx %arg10[%shift_right_logical3A_60, %and3A_63, %parallel_loop3A_465], %parallel_loop3A_466 : memref<8x8x128xf32, #tpu.memory_space<vmem>>[vector<16xi32>, vector<16xi32>, vector<16xi32>], vector<16xf32>,
        %parallel_loop3A_467 = arith.constant 2 : i32
        %parallel_loop3A_468 = arith.addi %parallel_loop3A_378, %parallel_loop3A_467 : i32
        %parallel_loop3A_469 = arith.index_cast %parallel_loop3A_468 : i32 to index
        %parallel_loop3A_470 = arith.constant 48 : index
        %parallel_loop3A_471 = tpu.vector_load %arg8[%parallel_loop3A_469, %parallel_loop3A_470] {strides = array<i32>} : memref<128x64xf32, #tpu.memory_space<vmem>>, vector<16xf32>,
        %parallel_loop3A_472 = vector.broadcast %parallel_loop3A_378 : i32 to vector<16xi32>
        %parallel_loop3A_473 = arith.addi %add3A_22, %parallel_loop3A_472 : vector<16xi32>
        %parallel_loop3A_474 = arith.addf %parallel_loop3A_471, %get3A_254 : vector<16xf32>
        tpu.vector_store_idx %arg10[%shift_right_logical3A_69, %and3A_72, %parallel_loop3A_473], %parallel_loop3A_474 : memref<8x8x128xf32, #tpu.memory_space<vmem>>[vector<16xi32>, vector<16xi32>, vector<16xi32>], vector<16xf32>,
        %parallel_loop3A_475 = arith.constant 3 : i32
        %parallel_loop3A_476 = arith.addi %parallel_loop3A_378, %parallel_loop3A_475 : i32
        %parallel_loop3A_477 = arith.index_cast %parallel_loop3A_476 : i32 to index
        %parallel_loop3A_478 = arith.constant 0 : index
        %parallel_loop3A_479 = tpu.vector_load %arg8[%parallel_loop3A_477, %parallel_loop3A_478] {strides = array<i32>} : memref<128x64xf32, #tpu.memory_space<vmem>>, vector<16xf32>,
        %parallel_loop3A_480 = vector.broadcast %parallel_loop3A_378 : i32 to vector<16xi32>
        %parallel_loop3A_481 = arith.addi %add3A_25, %parallel_loop3A_480 : vector<16xi32>
        %parallel_loop3A_482 = arith.addf %parallel_loop3A_479, %get3A_236 : vector<16xf32>
        tpu.vector_store_idx %arg10[%shift_right_logical3A_42, %and3A_45, %parallel_loop3A_481], %parallel_loop3A_482 : memref<8x8x128xf32, #tpu.memory_space<vmem>>[vector<16xi32>, vector<16xi32>, vector<16xi32>], vector<16xf32>,
        %parallel_loop3A_483 = arith.constant 3 : i32
        %parallel_loop3A_484 = arith.addi %parallel_loop3A_378, %parallel_loop3A_483 : i32
        %parallel_loop3A_485 = arith.index_cast %parallel_loop3A_484 : i32 to index
        %parallel_loop3A_486 = arith.constant 16 : index
        %parallel_loop3A_487 = tpu.vector_load %arg8[%parallel_loop3A_485, %parallel_loop3A_486] {strides = array<i32>} : memref<128x64xf32, #tpu.memory_space<vmem>>, vector<16xf32>,
        %parallel_loop3A_488 = vector.broadcast %parallel_loop3A_378 : i32 to vector<16xi32>
        %parallel_loop3A_489 = arith.addi %add3A_25, %parallel_loop3A_488 : vector<16xi32>
        %parallel_loop3A_490 = arith.addf %parallel_loop3A_487, %get3A_242 : vector<16xf32>
        tpu.vector_store_idx %arg10[%shift_right_logical3A_51, %and3A_54, %parallel_loop3A_489], %parallel_loop3A_490 : memref<8x8x128xf32, #tpu.memory_space<vmem>>[vector<16xi32>, vector<16xi32>, vector<16xi32>], vector<16xf32>,
        %parallel_loop3A_491 = arith.constant 3 : i32
        %parallel_loop3A_492 = arith.addi %parallel_loop3A_378, %parallel_loop3A_491 : i32
        %parallel_loop3A_493 = arith.index_cast %parallel_loop3A_492 : i32 to index
        %parallel_loop3A_494 = arith.constant 32 : index
        %parallel_loop3A_495 = tpu.vector_load %arg8[%parallel_loop3A_493, %parallel_loop3A_494] {strides = array<i32>} : memref<128x64xf32, #tpu.memory_space<vmem>>, vector<16xf32>,
        %parallel_loop3A_496 = vector.broadcast %parallel_loop3A_378 : i32 to vector<16xi32>
        %parallel_loop3A_497 = arith.addi %add3A_25, %parallel_loop3A_496 : vector<16xi32>
        %parallel_loop3A_498 = arith.addf %parallel_loop3A_495, %get3A_248 : vector<16xf32>
        tpu.vector_store_idx %arg10[%shift_right_logical3A_60, %and3A_63, %parallel_loop3A_497], %parallel_loop3A_498 : memref<8x8x128xf32, #tpu.memory_space<vmem>>[vector<16xi32>, vector<16xi32>, vector<16xi32>], vector<16xf32>,
        %parallel_loop3A_499 = arith.constant 3 : i32
        %parallel_loop3A_500 = arith.addi %parallel_loop3A_378, %parallel_loop3A_499 : i32
        %parallel_loop3A_501 = arith.index_cast %parallel_loop3A_500 : i32 to index
        %parallel_loop3A_502 = arith.constant 48 : index
        %parallel_loop3A_503 = tpu.vector_load %arg8[%parallel_loop3A_501, %parallel_loop3A_502] {strides = array<i32>} : memref<128x64xf32, #tpu.memory_space<vmem>>, vector<16xf32>,
        %parallel_loop3A_504 = vector.broadcast %parallel_loop3A_378 : i32 to vector<16xi32>
        %parallel_loop3A_505 = arith.addi %add3A_25, %parallel_loop3A_504 : vector<16xi32>
        %parallel_loop3A_506 = arith.addf %parallel_loop3A_503, %get3A_254 : vector<16xf32>
        tpu.vector_store_idx %arg10[%shift_right_logical3A_69, %and3A_72, %parallel_loop3A_505], %parallel_loop3A_506 : memref<8x8x128xf32, #tpu.memory_space<vmem>>[vector<16xi32>, vector<16xi32>, vector<16xi32>], vector<16xf32>,
        %parallel_loop3A_507 = arith.constant 4 : i32
        %parallel_loop3A_508 = arith.addi %parallel_loop3A_378, %parallel_loop3A_507 : i32
        %parallel_loop3A_509 = arith.index_cast %parallel_loop3A_508 : i32 to index
        %parallel_loop3A_510 = arith.constant 0 : index
        %parallel_loop3A_511 = tpu.vector_load %arg8[%parallel_loop3A_509, %parallel_loop3A_510] {strides = array<i32>} : memref<128x64xf32, #tpu.memory_space<vmem>>, vector<16xf32>,
        %parallel_loop3A_512 = vector.broadcast %parallel_loop3A_378 : i32 to vector<16xi32>
        %parallel_loop3A_513 = arith.addi %add3A_28, %parallel_loop3A_512 : vector<16xi32>
        %parallel_loop3A_514 = arith.addf %parallel_loop3A_511, %get3A_236 : vector<16xf32>
        tpu.vector_store_idx %arg10[%shift_right_logical3A_42, %and3A_45, %parallel_loop3A_513], %parallel_loop3A_514 : memref<8x8x128xf32, #tpu.memory_space<vmem>>[vector<16xi32>, vector<16xi32>, vector<16xi32>], vector<16xf32>,
        %parallel_loop3A_515 = arith.constant 4 : i32
        %parallel_loop3A_516 = arith.addi %parallel_loop3A_378, %parallel_loop3A_515 : i32
        %parallel_loop3A_517 = arith.index_cast %parallel_loop3A_516 : i32 to index
        %parallel_loop3A_518 = arith.constant 16 : index
        %parallel_loop3A_519 = tpu.vector_load %arg8[%parallel_loop3A_517, %parallel_loop3A_518] {strides = array<i32>} : memref<128x64xf32, #tpu.memory_space<vmem>>, vector<16xf32>,
        %parallel_loop3A_520 = vector.broadcast %parallel_loop3A_378 : i32 to vector<16xi32>
        %parallel_loop3A_521 = arith.addi %add3A_28, %parallel_loop3A_520 : vector<16xi32>
        %parallel_loop3A_522 = arith.addf %parallel_loop3A_519, %get3A_242 : vector<16xf32>
        tpu.vector_store_idx %arg10[%shift_right_logical3A_51, %and3A_54, %parallel_loop3A_521], %parallel_loop3A_522 : memref<8x8x128xf32, #tpu.memory_space<vmem>>[vector<16xi32>, vector<16xi32>, vector<16xi32>], vector<16xf32>,
        %parallel_loop3A_523 = arith.constant 4 : i32
        %parallel_loop3A_524 = arith.addi %parallel_loop3A_378, %parallel_loop3A_523 : i32
        %parallel_loop3A_525 = arith.index_cast %parallel_loop3A_524 : i32 to index
        %parallel_loop3A_526 = arith.constant 32 : index
        %parallel_loop3A_527 = tpu.vector_load %arg8[%parallel_loop3A_525, %parallel_loop3A_526] {strides = array<i32>} : memref<128x64xf32, #tpu.memory_space<vmem>>, vector<16xf32>,
        %parallel_loop3A_528 = vector.broadcast %parallel_loop3A_378 : i32 to vector<16xi32>
        %parallel_loop3A_529 = arith.addi %add3A_28, %parallel_loop3A_528 : vector<16xi32>
        %parallel_loop3A_530 = arith.addf %parallel_loop3A_527, %get3A_248 : vector<16xf32>
        tpu.vector_store_idx %arg10[%shift_right_logical3A_60, %and3A_63, %parallel_loop3A_529], %parallel_loop3A_530 : memref<8x8x128xf32, #tpu.memory_space<vmem>>[vector<16xi32>, vector<16xi32>, vector<16xi32>], vector<16xf32>,
        %parallel_loop3A_531 = arith.constant 4 : i32
        %parallel_loop3A_532 = arith.addi %parallel_loop3A_378, %parallel_loop3A_531 : i32
        %parallel_loop3A_533 = arith.index_cast %parallel_loop3A_532 : i32 to index
        %parallel_loop3A_534 = arith.constant 48 : index
        %parallel_loop3A_535 = tpu.vector_load %arg8[%parallel_loop3A_533, %parallel_loop3A_534] {strides = array<i32>} : memref<128x64xf32, #tpu.memory_space<vmem>>, vector<16xf32>,
        %parallel_loop3A_536 = vector.broadcast %parallel_loop3A_378 : i32 to vector<16xi32>
        %parallel_loop3A_537 = arith.addi %add3A_28, %parallel_loop3A_536 : vector<16xi32>
        %parallel_loop3A_538 = arith.addf %parallel_loop3A_535, %get3A_254 : vector<16xf32>
        tpu.vector_store_idx %arg10[%shift_right_logical3A_69, %and3A_72, %parallel_loop3A_537], %parallel_loop3A_538 : memref<8x8x128xf32, #tpu.memory_space<vmem>>[vector<16xi32>, vector<16xi32>, vector<16xi32>], vector<16xf32>,
        %parallel_loop3A_539 = arith.constant 5 : i32
        %parallel_loop3A_540 = arith.addi %parallel_loop3A_378, %parallel_loop3A_539 : i32
        %parallel_loop3A_541 = arith.index_cast %parallel_loop3A_540 : i32 to index
        %parallel_loop3A_542 = arith.constant 0 : index
        %parallel_loop3A_543 = tpu.vector_load %arg8[%parallel_loop3A_541, %parallel_loop3A_542] {strides = array<i32>} : memref<128x64xf32, #tpu.memory_space<vmem>>, vector<16xf32>,
        %parallel_loop3A_544 = vector.broadcast %parallel_loop3A_378 : i32 to vector<16xi32>
        %parallel_loop3A_545 = arith.addi %add3A_31, %parallel_loop3A_544 : vector<16xi32>
        %parallel_loop3A_546 = arith.addf %parallel_loop3A_543, %get3A_236 : vector<16xf32>
        tpu.vector_store_idx %arg10[%shift_right_logical3A_42, %and3A_45, %parallel_loop3A_545], %parallel_loop3A_546 : memref<8x8x128xf32, #tpu.memory_space<vmem>>[vector<16xi32>, vector<16xi32>, vector<16xi32>], vector<16xf32>,
        %parallel_loop3A_547 = arith.constant 5 : i32
        %parallel_loop3A_548 = arith.addi %parallel_loop3A_378, %parallel_loop3A_547 : i32
        %parallel_loop3A_549 = arith.index_cast %parallel_loop3A_548 : i32 to index
        %parallel_loop3A_550 = arith.constant 16 : index
        %parallel_loop3A_551 = tpu.vector_load %arg8[%parallel_loop3A_549, %parallel_loop3A_550] {strides = array<i32>} : memref<128x64xf32, #tpu.memory_space<vmem>>, vector<16xf32>,
        %parallel_loop3A_552 = vector.broadcast %parallel_loop3A_378 : i32 to vector<16xi32>
        %parallel_loop3A_553 = arith.addi %add3A_31, %parallel_loop3A_552 : vector<16xi32>
        %parallel_loop3A_554 = arith.addf %parallel_loop3A_551, %get3A_242 : vector<16xf32>
        tpu.vector_store_idx %arg10[%shift_right_logical3A_51, %and3A_54, %parallel_loop3A_553], %parallel_loop3A_554 : memref<8x8x128xf32, #tpu.memory_space<vmem>>[vector<16xi32>, vector<16xi32>, vector<16xi32>], vector<16xf32>,
        %parallel_loop3A_555 = arith.constant 5 : i32
        %parallel_loop3A_556 = arith.addi %parallel_loop3A_378, %parallel_loop3A_555 : i32
        %parallel_loop3A_557 = arith.index_cast %parallel_loop3A_556 : i32 to index
        %parallel_loop3A_558 = arith.constant 32 : index
        %parallel_loop3A_559 = tpu.vector_load %arg8[%parallel_loop3A_557, %parallel_loop3A_558] {strides = array<i32>} : memref<128x64xf32, #tpu.memory_space<vmem>>, vector<16xf32>,
        %parallel_loop3A_560 = vector.broadcast %parallel_loop3A_378 : i32 to vector<16xi32>
        %parallel_loop3A_561 = arith.addi %add3A_31, %parallel_loop3A_560 : vector<16xi32>
        %parallel_loop3A_562 = arith.addf %parallel_loop3A_559, %get3A_248 : vector<16xf32>
        tpu.vector_store_idx %arg10[%shift_right_logical3A_60, %and3A_63, %parallel_loop3A_561], %parallel_loop3A_562 : memref<8x8x128xf32, #tpu.memory_space<vmem>>[vector<16xi32>, vector<16xi32>, vector<16xi32>], vector<16xf32>,
        %parallel_loop3A_563 = arith.constant 5 : i32
        %parallel_loop3A_564 = arith.addi %parallel_loop3A_378, %parallel_loop3A_563 : i32
        %parallel_loop3A_565 = arith.index_cast %parallel_loop3A_564 : i32 to index
        %parallel_loop3A_566 = arith.constant 48 : index
        %parallel_loop3A_567 = tpu.vector_load %arg8[%parallel_loop3A_565, %parallel_loop3A_566] {strides = array<i32>} : memref<128x64xf32, #tpu.memory_space<vmem>>, vector<16xf32>,
        %parallel_loop3A_568 = vector.broadcast %parallel_loop3A_378 : i32 to vector<16xi32>
        %parallel_loop3A_569 = arith.addi %add3A_31, %parallel_loop3A_568 : vector<16xi32>
        %parallel_loop3A_570 = arith.addf %parallel_loop3A_567, %get3A_254 : vector<16xf32>
        tpu.vector_store_idx %arg10[%shift_right_logical3A_69, %and3A_72, %parallel_loop3A_569], %parallel_loop3A_570 : memref<8x8x128xf32, #tpu.memory_space<vmem>>[vector<16xi32>, vector<16xi32>, vector<16xi32>], vector<16xf32>,
        %parallel_loop3A_571 = arith.constant 6 : i32
        %parallel_loop3A_572 = arith.addi %parallel_loop3A_378, %parallel_loop3A_571 : i32
        %parallel_loop3A_573 = arith.index_cast %parallel_loop3A_572 : i32 to index
        %parallel_loop3A_574 = arith.constant 0 : index
        %parallel_loop3A_575 = tpu.vector_load %arg8[%parallel_loop3A_573, %parallel_loop3A_574] {strides = array<i32>} : memref<128x64xf32, #tpu.memory_space<vmem>>, vector<16xf32>,
        %parallel_loop3A_576 = vector.broadcast %parallel_loop3A_378 : i32 to vector<16xi32>
        %parallel_loop3A_577 = arith.addi %add3A_34, %parallel_loop3A_576 : vector<16xi32>
        %parallel_loop3A_578 = arith.addf %parallel_loop3A_575, %get3A_236 : vector<16xf32>
        tpu.vector_store_idx %arg10[%shift_right_logical3A_42, %and3A_45, %parallel_loop3A_577], %parallel_loop3A_578 : memref<8x8x128xf32, #tpu.memory_space<vmem>>[vector<16xi32>, vector<16xi32>, vector<16xi32>], vector<16xf32>,
        %parallel_loop3A_579 = arith.constant 6 : i32
        %parallel_loop3A_580 = arith.addi %parallel_loop3A_378, %parallel_loop3A_579 : i32
        %parallel_loop3A_581 = arith.index_cast %parallel_loop3A_580 : i32 to index
        %parallel_loop3A_582 = arith.constant 16 : index
        %parallel_loop3A_583 = tpu.vector_load %arg8[%parallel_loop3A_581, %parallel_loop3A_582] {strides = array<i32>} : memref<128x64xf32, #tpu.memory_space<vmem>>, vector<16xf32>,
        %parallel_loop3A_584 = vector.broadcast %parallel_loop3A_378 : i32 to vector<16xi32>
        %parallel_loop3A_585 = arith.addi %add3A_34, %parallel_loop3A_584 : vector<16xi32>
        %parallel_loop3A_586 = arith.addf %parallel_loop3A_583, %get3A_242 : vector<16xf32>
        tpu.vector_store_idx %arg10[%shift_right_logical3A_51, %and3A_54, %parallel_loop3A_585], %parallel_loop3A_586 : memref<8x8x128xf32, #tpu.memory_space<vmem>>[vector<16xi32>, vector<16xi32>, vector<16xi32>], vector<16xf32>,
        %parallel_loop3A_587 = arith.constant 6 : i32
        %parallel_loop3A_588 = arith.addi %parallel_loop3A_378, %parallel_loop3A_587 : i32
        %parallel_loop3A_589 = arith.index_cast %parallel_loop3A_588 : i32 to index
        %parallel_loop3A_590 = arith.constant 32 : index
        %parallel_loop3A_591 = tpu.vector_load %arg8[%parallel_loop3A_589, %parallel_loop3A_590] {strides = array<i32>} : memref<128x64xf32, #tpu.memory_space<vmem>>, vector<16xf32>,
        %parallel_loop3A_592 = vector.broadcast %parallel_loop3A_378 : i32 to vector<16xi32>
        %parallel_loop3A_593 = arith.addi %add3A_34, %parallel_loop3A_592 : vector<16xi32>
        %parallel_loop3A_594 = arith.addf %parallel_loop3A_591, %get3A_248 : vector<16xf32>
        tpu.vector_store_idx %arg10[%shift_right_logical3A_60, %and3A_63, %parallel_loop3A_593], %parallel_loop3A_594 : memref<8x8x128xf32, #tpu.memory_space<vmem>>[vector<16xi32>, vector<16xi32>, vector<16xi32>], vector<16xf32>,
        %parallel_loop3A_595 = arith.constant 6 : i32
        %parallel_loop3A_596 = arith.addi %parallel_loop3A_378, %parallel_loop3A_595 : i32
        %parallel_loop3A_597 = arith.index_cast %parallel_loop3A_596 : i32 to index
        %parallel_loop3A_598 = arith.constant 48 : index
        %parallel_loop3A_599 = tpu.vector_load %arg8[%parallel_loop3A_597, %parallel_loop3A_598] {strides = array<i32>} : memref<128x64xf32, #tpu.memory_space<vmem>>, vector<16xf32>,
        %parallel_loop3A_600 = vector.broadcast %parallel_loop3A_378 : i32 to vector<16xi32>
        %parallel_loop3A_601 = arith.addi %add3A_34, %parallel_loop3A_600 : vector<16xi32>
        %parallel_loop3A_602 = arith.addf %parallel_loop3A_599, %get3A_254 : vector<16xf32>
        tpu.vector_store_idx %arg10[%shift_right_logical3A_69, %and3A_72, %parallel_loop3A_601], %parallel_loop3A_602 : memref<8x8x128xf32, #tpu.memory_space<vmem>>[vector<16xi32>, vector<16xi32>, vector<16xi32>], vector<16xf32>,
        %parallel_loop3A_603 = arith.constant 7 : i32
        %parallel_loop3A_604 = arith.addi %parallel_loop3A_378, %parallel_loop3A_603 : i32
        %parallel_loop3A_605 = arith.index_cast %parallel_loop3A_604 : i32 to index
        %parallel_loop3A_606 = arith.constant 0 : index
        %parallel_loop3A_607 = tpu.vector_load %arg8[%parallel_loop3A_605, %parallel_loop3A_606] {strides = array<i32>} : memref<128x64xf32, #tpu.memory_space<vmem>>, vector<16xf32>,
        %parallel_loop3A_608 = vector.broadcast %parallel_loop3A_378 : i32 to vector<16xi32>
        %parallel_loop3A_609 = arith.addi %add3A_37, %parallel_loop3A_608 : vector<16xi32>
        %parallel_loop3A_610 = arith.addf %parallel_loop3A_607, %get3A_236 : vector<16xf32>
        tpu.vector_store_idx %arg10[%shift_right_logical3A_42, %and3A_45, %parallel_loop3A_609], %parallel_loop3A_610 : memref<8x8x128xf32, #tpu.memory_space<vmem>>[vector<16xi32>, vector<16xi32>, vector<16xi32>], vector<16xf32>,
        %parallel_loop3A_611 = arith.constant 7 : i32
        %parallel_loop3A_612 = arith.addi %parallel_loop3A_378, %parallel_loop3A_611 : i32
        %parallel_loop3A_613 = arith.index_cast %parallel_loop3A_612 : i32 to index
        %parallel_loop3A_614 = arith.constant 16 : index
        %parallel_loop3A_615 = tpu.vector_load %arg8[%parallel_loop3A_613, %parallel_loop3A_614] {strides = array<i32>} : memref<128x64xf32, #tpu.memory_space<vmem>>, vector<16xf32>,
        %parallel_loop3A_616 = vector.broadcast %parallel_loop3A_378 : i32 to vector<16xi32>
        %parallel_loop3A_617 = arith.addi %add3A_37, %parallel_loop3A_616 : vector<16xi32>
        %parallel_loop3A_618 = arith.addf %parallel_loop3A_615, %get3A_242 : vector<16xf32>
        tpu.vector_store_idx %arg10[%shift_right_logical3A_51, %and3A_54, %parallel_loop3A_617], %parallel_loop3A_618 : memref<8x8x128xf32, #tpu.memory_space<vmem>>[vector<16xi32>, vector<16xi32>, vector<16xi32>], vector<16xf32>,
        %parallel_loop3A_619 = arith.constant 7 : i32
        %parallel_loop3A_620 = arith.addi %parallel_loop3A_378, %parallel_loop3A_619 : i32
        %parallel_loop3A_621 = arith.index_cast %parallel_loop3A_620 : i32 to index
        %parallel_loop3A_622 = arith.constant 32 : index
        %parallel_loop3A_623 = tpu.vector_load %arg8[%parallel_loop3A_621, %parallel_loop3A_622] {strides = array<i32>} : memref<128x64xf32, #tpu.memory_space<vmem>>, vector<16xf32>,
        %parallel_loop3A_624 = vector.broadcast %parallel_loop3A_378 : i32 to vector<16xi32>
        %parallel_loop3A_625 = arith.addi %add3A_37, %parallel_loop3A_624 : vector<16xi32>
        %parallel_loop3A_626 = arith.addf %parallel_loop3A_623, %get3A_248 : vector<16xf32>
        tpu.vector_store_idx %arg10[%shift_right_logical3A_60, %and3A_63, %parallel_loop3A_625], %parallel_loop3A_626 : memref<8x8x128xf32, #tpu.memory_space<vmem>>[vector<16xi32>, vector<16xi32>, vector<16xi32>], vector<16xf32>,
        %parallel_loop3A_627 = arith.constant 7 : i32
        %parallel_loop3A_628 = arith.addi %parallel_loop3A_378, %parallel_loop3A_627 : i32
        %parallel_loop3A_629 = arith.index_cast %parallel_loop3A_628 : i32 to index
        %parallel_loop3A_630 = arith.constant 48 : index
        %parallel_loop3A_631 = tpu.vector_load %arg8[%parallel_loop3A_629, %parallel_loop3A_630] {strides = array<i32>} : memref<128x64xf32, #tpu.memory_space<vmem>>, vector<16xf32>,
        %parallel_loop3A_632 = vector.broadcast %parallel_loop3A_378 : i32 to vector<16xi32>
        %parallel_loop3A_633 = arith.addi %add3A_37, %parallel_loop3A_632 : vector<16xi32>
        %parallel_loop3A_634 = arith.addf %parallel_loop3A_631, %get3A_254 : vector<16xf32>
        tpu.vector_store_idx %arg10[%shift_right_logical3A_69, %and3A_72, %parallel_loop3A_633], %parallel_loop3A_634 : memref<8x8x128xf32, #tpu.memory_space<vmem>>[vector<16xi32>, vector<16xi32>, vector<16xi32>], vector<16xf32>,
      } {sc.loop_unroll_factor = 2 : i64, sc.parallel_access}
      %add3A_257 = arith.constant 2 : i32
      %add3A_258 = arith.addi %add3A_180, %add3A_257 : i32
      %lt3A_259 = arith.constant 50 : i32
      %lt3A_260 = arith.cmpi slt, %add3A_258, %lt3A_259 : i32
      %convert_element_type3A_261 = arith.extui %lt3A_260 : i1 to i32
      %cond3A_262 = arith.constant 0 : i32
      %cond3A_263 = arith.cmpi ne, %convert_element_type3A_261, %cond3A_262 : i32
      scf.if %cond3A_263 {
        %mul3A_376 = arith.constant 128 : i32
        %mul3A_377 = arith.muli %add3A_258, %mul3A_376 : i32
        %dma_start3A_378 = tpu.memref_slice %arg7[%mul3A_377] : memref<6400xi32, #tpu.memory_space<vmem>> -> memref<128xi32, #tpu.memory_space<vmem>>
        %dma_start3A_379 = arith.constant 0 : i32
        %dma_start3A_380 = arith.constant 0 : i32
        %dma_start3A_381 = tpu.memref_slice %arg2[%dma_start3A_379, %dma_start3A_380] : memref<1000000x64xf32, #tpu.memory_space<hbm>> -> memref<1000000x64xf32, #tpu.memory_space<hbm>>
        tpu.enqueue_indirect_dma source(%dma_start3A_381 : memref<1000000x64xf32, #tpu.memory_space<hbm>>) target(%arg8 : memref<128x64xf32, #tpu.memory_space<vmem>>) offsets(%dma_start3A_378 : memref<128xi32, #tpu.memory_space<vmem>>) semaphore(%arg12 : memref<!tpu.dma_semaphore, #tpu.memory_space<semaphore_mem>>)
      } else {
      }
      %dma_start3A_264 = arith.constant 0 : i32
      %dma_start3A_265 = arith.constant 0 : i32
      %dma_start3A_266 = arith.constant 0 : i32
      %dma_start3A_267 = tpu.memref_slice %arg5[%select_n3A_207, %dma_start3A_264, %select_n3A_223, %dma_start3A_265, %dma_start3A_266] : memref<200x8x8x8x128xf32, #tpu.memory_space<hbm>> -> memref<1x8x1x8x128xf32, #tpu.memory_space<hbm>>
      %dma_start3A_268 = tpu.memref_squeeze %dma_start3A_267 : memref<1x8x1x8x128xf32, #tpu.memory_space<hbm>> -> memref<8x8x128xf32, #tpu.memory_space<hbm>>
      %dma_start3A_269 = arith.constant 0 : i32
      %dma_start3A_270 = arith.constant 0 : i32
      %dma_start3A_271 = arith.constant 0 : i32
      %dma_start3A_272 = tpu.memref_slice %arg5[%select_n3A_207, %dma_start3A_269, %select_n3A_223, %dma_start3A_270, %dma_start3A_271] : memref<200x8x8x8x128xf32, #tpu.memory_space<hbm>> -> memref<1x8x1x8x128xf32, #tpu.memory_space<hbm>>
      %dma_start3A_273 = tpu.memref_squeeze %dma_start3A_272 : memref<1x8x1x8x128xf32, #tpu.memory_space<hbm>> -> memref<8x8x128xf32, #tpu.memory_space<hbm>>
      tpu.enqueue_dma source(%arg10 : memref<8x8x128xf32, #tpu.memory_space<vmem>>) target(%dma_start3A_273 : memref<8x8x128xf32, #tpu.memory_space<hbm>>) target_semaphore(%arg14 : memref<!tpu.dma_semaphore, #tpu.memory_space<semaphore_mem>>)
      %mul3A_274 = arith.constant 2 : i32
      %mul3A_275 = arith.muli %mul3A_274, %scan3A_176 : i32
      %add3A_276 = arith.constant 1 : i32
      %add3A_277 = arith.addi %mul3A_275, %add3A_276 : i32
      %mul3A_278 = arith.constant 50 : i32
      %mul3A_279 = arith.muli %add3A, %mul3A_278 : i32
      %add3A_280 = arith.addi %mul3A_279, %add3A_277 : i32
      %jit3A_281 = arith.constant 8 : i32
      %div3A_282 = arith.divsi %add3A_280, %jit3A_281 : i32
      %sign3A_283 = arith.constant 0 : i32
      %sign3A_284 = arith.cmpi sgt, %add3A_280, %sign3A_283 : i32
      %sign3A_285 = arith.extui %sign3A_284 : i1 to i32
      %sign3A_286 = arith.constant 0 : i32
      %sign3A_287 = arith.cmpi slt, %add3A_280, %sign3A_286 : i32
      %sign3A_288 = arith.extui %sign3A_287 : i1 to i32
      %sign3A_289 = arith.subi %sign3A_285, %sign3A_288 : i32
      %sign3A_290 = arith.constant 0 : i32
      %sign3A_291 = arith.cmpi sgt, %jit3A_281, %sign3A_290 : i32
      %sign3A_292 = arith.extui %sign3A_291 : i1 to i32
      %sign3A_293 = arith.constant 0 : i32
      %sign3A_294 = arith.cmpi slt, %jit3A_281, %sign3A_293 : i32
      %sign3A_295 = arith.extui %sign3A_294 : i1 to i32
      %sign3A_296 = arith.subi %sign3A_292, %sign3A_295 : i32
      %ne3A_297 = arith.cmpi ne, %sign3A_289, %sign3A_296 : i32
      %rem3A_298 = arith.remsi %add3A_280, %jit3A_281 : i32
      %ne3A_299 = arith.constant 0 : i32
      %ne3A_300 = arith.cmpi ne, %rem3A_298, %ne3A_299 : i32
      %and3A_301 = arith.andi %ne3A_297, %ne3A_300 : i1
      %sub3A_302 = arith.constant 1 : i32
      %sub3A_303 = arith.subi %div3A_282, %sub3A_302 : i32
      %select_n3A_304 = arith.select %and3A_301, %sub3A_303, %div3A_282 : i32
      %jit3A_305 = arith.constant 8 : i32
      %eq3A_306 = arith.constant 0 : i32
      %eq3A_307 = arith.cmpi eq, %jit3A_305, %eq3A_306 : i32
      %jit3A_308 = arith.constant 1 : i32
      %select_n3A_309 = arith.select %eq3A_307, %jit3A_308, %jit3A_305 : i32
      %rem3A_310 = arith.remsi %add3A_280, %select_n3A_309 : i32
      %ne3A_311 = arith.constant 0 : i32
      %ne3A_312 = arith.cmpi ne, %rem3A_310, %ne3A_311 : i32
      %lt3A_313 = arith.constant 0 : i32
      %lt3A_314 = arith.cmpi slt, %rem3A_310, %lt3A_313 : i32
      %lt3A_315 = arith.constant 0 : i32
      %lt3A_316 = arith.cmpi slt, %select_n3A_309, %lt3A_315 : i32
      %ne3A_317 = arith.xori %lt3A_314, %lt3A_316 : i1
      %and3A_318 = arith.andi %ne3A_317, %ne3A_312 : i1
      %add3A_319 = arith.addi %rem3A_310, %select_n3A_309 : i32
      %select_n3A_320 = arith.select %and3A_318, %add3A_319, %rem3A_310 : i32
      %mul3A_321 = arith.constant 128 : i32
      %mul3A_322 = arith.muli %add3A_277, %mul3A_321 : i32
      %dma_wait3A_323 = tpu.memref_slice %arg7[%mul3A_322] : memref<6400xi32, #tpu.memory_space<vmem>> -> memref<128xi32, #tpu.memory_space<vmem>>
      %dma_wait3A_324 = arith.constant 0 : i32
      %dma_wait3A_325 = arith.constant 0 : i32
      %dma_wait3A_326 = tpu.memref_slice %arg2[%dma_wait3A_324, %dma_wait3A_325] : memref<1000000x64xf32, #tpu.memory_space<hbm>> -> memref<1000000x64xf32, #tpu.memory_space<hbm>>
      tpu.wait_indirect_dma semaphore(%arg13 : memref<!tpu.dma_semaphore, #tpu.memory_space<semaphore_mem>>) src(%dma_wait3A_326 : memref<1000000x64xf32, #tpu.memory_space<hbm>>) dst(%arg9 : memref<128x64xf32, #tpu.memory_space<vmem>>)
      %ge3A_327 = arith.constant 2 : i32
      %ge3A_328 = arith.cmpi sge, %add3A_277, %ge3A_327 : i32
      %convert_element_type3A_329 = arith.extui %ge3A_328 : i1 to i32
      %cond3A_330 = arith.constant 0 : i32
      %cond3A_331 = arith.cmpi ne, %convert_element_type3A_329, %cond3A_330 : i32
      scf.if %cond3A_331 {
        %dma_wait3A_376 = arith.constant 0 : i32
        %dma_wait3A_377 = arith.constant 0 : i32
        %dma_wait3A_378 = arith.constant 0 : i32
        %dma_wait3A_379 = tpu.memref_slice %arg5[%select_n3A_304, %dma_wait3A_376, %select_n3A_320, %dma_wait3A_377, %dma_wait3A_378] : memref<200x8x8x8x128xf32, #tpu.memory_space<hbm>> -> memref<1x8x1x8x128xf32, #tpu.memory_space<hbm>>
        %dma_wait3A_380 = tpu.memref_squeeze %dma_wait3A_379 : memref<1x8x1x8x128xf32, #tpu.memory_space<hbm>> -> memref<8x8x128xf32, #tpu.memory_space<hbm>>
        %dma_wait3A_381 = arith.constant 0 : i32
        %dma_wait3A_382 = arith.constant 0 : i32
        %dma_wait3A_383 = arith.constant 0 : i32
        %dma_wait3A_384 = tpu.memref_slice %arg5[%select_n3A_304, %dma_wait3A_381, %select_n3A_320, %dma_wait3A_382, %dma_wait3A_383] : memref<200x8x8x8x128xf32, #tpu.memory_space<hbm>> -> memref<1x8x1x8x128xf32, #tpu.memory_space<hbm>>
        %dma_wait3A_385 = tpu.memref_squeeze %dma_wait3A_384 : memref<1x8x1x8x128xf32, #tpu.memory_space<hbm>> -> memref<8x8x128xf32, #tpu.memory_space<hbm>>
        tpu.wait_dma2 semaphore(%arg15 : memref<!tpu.dma_semaphore, #tpu.memory_space<semaphore_mem>>) src(%arg11 : memref<8x8x128xf32, #tpu.memory_space<vmem>>) dst(%dma_wait3A_385 : memref<8x8x128xf32, #tpu.memory_space<hbm>>)
      } else {
      }
      %mul3A_332 = arith.constant 64 : i32
      %mul3A_333 = arith.muli %select_n3A_304, %mul3A_332 : i32
      %add3A_334 = arith.constant 0 : i32
      %add3A_335 = arith.addi %mul3A_333, %add3A_334 : i32
      %get3A_336 = arith.index_cast %add3A_335 : i32 to index
      %get3A_337 = tpu.vector_load %arg6[%get3A_336] {strides = array<i32>} : memref<12800xf32, #tpu.memory_space<vmem>>, vector<16xf32>,
      %mul3A_338 = arith.constant 64 : i32
      %mul3A_339 = arith.muli %select_n3A_304, %mul3A_338 : i32
      %add3A_340 = arith.constant 16 : i32
      %add3A_341 = arith.addi %mul3A_339, %add3A_340 : i32
      %get3A_342 = arith.index_cast %add3A_341 : i32 to index
      %get3A_343 = tpu.vector_load %arg6[%get3A_342] {strides = array<i32>} : memref<12800xf32, #tpu.memory_space<vmem>>, vector<16xf32>,
      %mul3A_344 = arith.constant 64 : i32
      %mul3A_345 = arith.muli %select_n3A_304, %mul3A_344 : i32
      %add3A_346 = arith.constant 32 : i32
      %add3A_347 = arith.addi %mul3A_345, %add3A_346 : i32
      %get3A_348 = arith.index_cast %add3A_347 : i32 to index
      %get3A_349 = tpu.vector_load %arg6[%get3A_348] {strides = array<i32>} : memref<12800xf32, #tpu.memory_space<vmem>>, vector<16xf32>,
      %mul3A_350 = arith.constant 64 : i32
      %mul3A_351 = arith.muli %select_n3A_304, %mul3A_350 : i32
      %add3A_352 = arith.constant 48 : i32
      %add3A_353 = arith.addi %mul3A_351, %add3A_352 : i32
      %get3A_354 = arith.index_cast %add3A_353 : i32 to index
      %get3A_355 = tpu.vector_load %arg6[%get3A_354] {strides = array<i32>} : memref<12800xf32, #tpu.memory_space<vmem>>, vector<16xf32>,
      %parallel_loop3A_356 = arith.constant 0 : i32
      %parallel_loop3A_357 = arith.constant 16 : i32
      %parallel_loop3A_358 = arith.constant 1 : i32
      scf.for %parallel_loop3A_376 = %parallel_loop3A_356 to %parallel_loop3A_357 step %parallel_loop3A_358  : i32 {
        %parallel_loop3A_377 = arith.constant 8 : i32
        %parallel_loop3A_378 = arith.muli %parallel_loop3A_376, %parallel_loop3A_377 : i32
        %parallel_loop3A_379 = arith.constant 0 : i32
        %parallel_loop3A_380 = arith.addi %parallel_loop3A_378, %parallel_loop3A_379 : i32
        %parallel_loop3A_381 = arith.index_cast %parallel_loop3A_380 : i32 to index
        %parallel_loop3A_382 = arith.constant 0 : index
        %parallel_loop3A_383 = tpu.vector_load %arg9[%parallel_loop3A_381, %parallel_loop3A_382] {strides = array<i32>} : memref<128x64xf32, #tpu.memory_space<vmem>>, vector<16xf32>,
        %parallel_loop3A_384 = vector.broadcast %parallel_loop3A_378 : i32 to vector<16xi32>
        %parallel_loop3A_385 = arith.addi %add3A_16, %parallel_loop3A_384 : vector<16xi32>
        %parallel_loop3A_386 = arith.addf %parallel_loop3A_383, %get3A_337 : vector<16xf32>
        tpu.vector_store_idx %arg11[%shift_right_logical3A_42, %and3A_45, %parallel_loop3A_385], %parallel_loop3A_386 : memref<8x8x128xf32, #tpu.memory_space<vmem>>[vector<16xi32>, vector<16xi32>, vector<16xi32>], vector<16xf32>,
        %parallel_loop3A_387 = arith.constant 0 : i32
        %parallel_loop3A_388 = arith.addi %parallel_loop3A_378, %parallel_loop3A_387 : i32
        %parallel_loop3A_389 = arith.index_cast %parallel_loop3A_388 : i32 to index
        %parallel_loop3A_390 = arith.constant 16 : index
        %parallel_loop3A_391 = tpu.vector_load %arg9[%parallel_loop3A_389, %parallel_loop3A_390] {strides = array<i32>} : memref<128x64xf32, #tpu.memory_space<vmem>>, vector<16xf32>,
        %parallel_loop3A_392 = vector.broadcast %parallel_loop3A_378 : i32 to vector<16xi32>
        %parallel_loop3A_393 = arith.addi %add3A_16, %parallel_loop3A_392 : vector<16xi32>
        %parallel_loop3A_394 = arith.addf %parallel_loop3A_391, %get3A_343 : vector<16xf32>
        tpu.vector_store_idx %arg11[%shift_right_logical3A_51, %and3A_54, %parallel_loop3A_393], %parallel_loop3A_394 : memref<8x8x128xf32, #tpu.memory_space<vmem>>[vector<16xi32>, vector<16xi32>, vector<16xi32>], vector<16xf32>,
        %parallel_loop3A_395 = arith.constant 0 : i32
        %parallel_loop3A_396 = arith.addi %parallel_loop3A_378, %parallel_loop3A_395 : i32
        %parallel_loop3A_397 = arith.index_cast %parallel_loop3A_396 : i32 to index
        %parallel_loop3A_398 = arith.constant 32 : index
        %parallel_loop3A_399 = tpu.vector_load %arg9[%parallel_loop3A_397, %parallel_loop3A_398] {strides = array<i32>} : memref<128x64xf32, #tpu.memory_space<vmem>>, vector<16xf32>,
        %parallel_loop3A_400 = vector.broadcast %parallel_loop3A_378 : i32 to vector<16xi32>
        %parallel_loop3A_401 = arith.addi %add3A_16, %parallel_loop3A_400 : vector<16xi32>
        %parallel_loop3A_402 = arith.addf %parallel_loop3A_399, %get3A_349 : vector<16xf32>
        tpu.vector_store_idx %arg11[%shift_right_logical3A_60, %and3A_63, %parallel_loop3A_401], %parallel_loop3A_402 : memref<8x8x128xf32, #tpu.memory_space<vmem>>[vector<16xi32>, vector<16xi32>, vector<16xi32>], vector<16xf32>,
        %parallel_loop3A_403 = arith.constant 0 : i32
        %parallel_loop3A_404 = arith.addi %parallel_loop3A_378, %parallel_loop3A_403 : i32
        %parallel_loop3A_405 = arith.index_cast %parallel_loop3A_404 : i32 to index
        %parallel_loop3A_406 = arith.constant 48 : index
        %parallel_loop3A_407 = tpu.vector_load %arg9[%parallel_loop3A_405, %parallel_loop3A_406] {strides = array<i32>} : memref<128x64xf32, #tpu.memory_space<vmem>>, vector<16xf32>,
        %parallel_loop3A_408 = vector.broadcast %parallel_loop3A_378 : i32 to vector<16xi32>
        %parallel_loop3A_409 = arith.addi %add3A_16, %parallel_loop3A_408 : vector<16xi32>
        %parallel_loop3A_410 = arith.addf %parallel_loop3A_407, %get3A_355 : vector<16xf32>
        tpu.vector_store_idx %arg11[%shift_right_logical3A_69, %and3A_72, %parallel_loop3A_409], %parallel_loop3A_410 : memref<8x8x128xf32, #tpu.memory_space<vmem>>[vector<16xi32>, vector<16xi32>, vector<16xi32>], vector<16xf32>,
        %parallel_loop3A_411 = arith.constant 1 : i32
        %parallel_loop3A_412 = arith.addi %parallel_loop3A_378, %parallel_loop3A_411 : i32
        %parallel_loop3A_413 = arith.index_cast %parallel_loop3A_412 : i32 to index
        %parallel_loop3A_414 = arith.constant 0 : index
        %parallel_loop3A_415 = tpu.vector_load %arg9[%parallel_loop3A_413, %parallel_loop3A_414] {strides = array<i32>} : memref<128x64xf32, #tpu.memory_space<vmem>>, vector<16xf32>,
        %parallel_loop3A_416 = vector.broadcast %parallel_loop3A_378 : i32 to vector<16xi32>
        %parallel_loop3A_417 = arith.addi %add3A_19, %parallel_loop3A_416 : vector<16xi32>
        %parallel_loop3A_418 = arith.addf %parallel_loop3A_415, %get3A_337 : vector<16xf32>
        tpu.vector_store_idx %arg11[%shift_right_logical3A_42, %and3A_45, %parallel_loop3A_417], %parallel_loop3A_418 : memref<8x8x128xf32, #tpu.memory_space<vmem>>[vector<16xi32>, vector<16xi32>, vector<16xi32>], vector<16xf32>,
        %parallel_loop3A_419 = arith.constant 1 : i32
        %parallel_loop3A_420 = arith.addi %parallel_loop3A_378, %parallel_loop3A_419 : i32
        %parallel_loop3A_421 = arith.index_cast %parallel_loop3A_420 : i32 to index
        %parallel_loop3A_422 = arith.constant 16 : index
        %parallel_loop3A_423 = tpu.vector_load %arg9[%parallel_loop3A_421, %parallel_loop3A_422] {strides = array<i32>} : memref<128x64xf32, #tpu.memory_space<vmem>>, vector<16xf32>,
        %parallel_loop3A_424 = vector.broadcast %parallel_loop3A_378 : i32 to vector<16xi32>
        %parallel_loop3A_425 = arith.addi %add3A_19, %parallel_loop3A_424 : vector<16xi32>
        %parallel_loop3A_426 = arith.addf %parallel_loop3A_423, %get3A_343 : vector<16xf32>
        tpu.vector_store_idx %arg11[%shift_right_logical3A_51, %and3A_54, %parallel_loop3A_425], %parallel_loop3A_426 : memref<8x8x128xf32, #tpu.memory_space<vmem>>[vector<16xi32>, vector<16xi32>, vector<16xi32>], vector<16xf32>,
        %parallel_loop3A_427 = arith.constant 1 : i32
        %parallel_loop3A_428 = arith.addi %parallel_loop3A_378, %parallel_loop3A_427 : i32
        %parallel_loop3A_429 = arith.index_cast %parallel_loop3A_428 : i32 to index
        %parallel_loop3A_430 = arith.constant 32 : index
        %parallel_loop3A_431 = tpu.vector_load %arg9[%parallel_loop3A_429, %parallel_loop3A_430] {strides = array<i32>} : memref<128x64xf32, #tpu.memory_space<vmem>>, vector<16xf32>,
        %parallel_loop3A_432 = vector.broadcast %parallel_loop3A_378 : i32 to vector<16xi32>
        %parallel_loop3A_433 = arith.addi %add3A_19, %parallel_loop3A_432 : vector<16xi32>
        %parallel_loop3A_434 = arith.addf %parallel_loop3A_431, %get3A_349 : vector<16xf32>
        tpu.vector_store_idx %arg11[%shift_right_logical3A_60, %and3A_63, %parallel_loop3A_433], %parallel_loop3A_434 : memref<8x8x128xf32, #tpu.memory_space<vmem>>[vector<16xi32>, vector<16xi32>, vector<16xi32>], vector<16xf32>,
        %parallel_loop3A_435 = arith.constant 1 : i32
        %parallel_loop3A_436 = arith.addi %parallel_loop3A_378, %parallel_loop3A_435 : i32
        %parallel_loop3A_437 = arith.index_cast %parallel_loop3A_436 : i32 to index
        %parallel_loop3A_438 = arith.constant 48 : index
        %parallel_loop3A_439 = tpu.vector_load %arg9[%parallel_loop3A_437, %parallel_loop3A_438] {strides = array<i32>} : memref<128x64xf32, #tpu.memory_space<vmem>>, vector<16xf32>,
        %parallel_loop3A_440 = vector.broadcast %parallel_loop3A_378 : i32 to vector<16xi32>
        %parallel_loop3A_441 = arith.addi %add3A_19, %parallel_loop3A_440 : vector<16xi32>
        %parallel_loop3A_442 = arith.addf %parallel_loop3A_439, %get3A_355 : vector<16xf32>
        tpu.vector_store_idx %arg11[%shift_right_logical3A_69, %and3A_72, %parallel_loop3A_441], %parallel_loop3A_442 : memref<8x8x128xf32, #tpu.memory_space<vmem>>[vector<16xi32>, vector<16xi32>, vector<16xi32>], vector<16xf32>,
        %parallel_loop3A_443 = arith.constant 2 : i32
        %parallel_loop3A_444 = arith.addi %parallel_loop3A_378, %parallel_loop3A_443 : i32
        %parallel_loop3A_445 = arith.index_cast %parallel_loop3A_444 : i32 to index
        %parallel_loop3A_446 = arith.constant 0 : index
        %parallel_loop3A_447 = tpu.vector_load %arg9[%parallel_loop3A_445, %parallel_loop3A_446] {strides = array<i32>} : memref<128x64xf32, #tpu.memory_space<vmem>>, vector<16xf32>,
        %parallel_loop3A_448 = vector.broadcast %parallel_loop3A_378 : i32 to vector<16xi32>
        %parallel_loop3A_449 = arith.addi %add3A_22, %parallel_loop3A_448 : vector<16xi32>
        %parallel_loop3A_450 = arith.addf %parallel_loop3A_447, %get3A_337 : vector<16xf32>
        tpu.vector_store_idx %arg11[%shift_right_logical3A_42, %and3A_45, %parallel_loop3A_449], %parallel_loop3A_450 : memref<8x8x128xf32, #tpu.memory_space<vmem>>[vector<16xi32>, vector<16xi32>, vector<16xi32>], vector<16xf32>,
        %parallel_loop3A_451 = arith.constant 2 : i32
        %parallel_loop3A_452 = arith.addi %parallel_loop3A_378, %parallel_loop3A_451 : i32
        %parallel_loop3A_453 = arith.index_cast %parallel_loop3A_452 : i32 to index
        %parallel_loop3A_454 = arith.constant 16 : index
        %parallel_loop3A_455 = tpu.vector_load %arg9[%parallel_loop3A_453, %parallel_loop3A_454] {strides = array<i32>} : memref<128x64xf32, #tpu.memory_space<vmem>>, vector<16xf32>,
        %parallel_loop3A_456 = vector.broadcast %parallel_loop3A_378 : i32 to vector<16xi32>
        %parallel_loop3A_457 = arith.addi %add3A_22, %parallel_loop3A_456 : vector<16xi32>
        %parallel_loop3A_458 = arith.addf %parallel_loop3A_455, %get3A_343 : vector<16xf32>
        tpu.vector_store_idx %arg11[%shift_right_logical3A_51, %and3A_54, %parallel_loop3A_457], %parallel_loop3A_458 : memref<8x8x128xf32, #tpu.memory_space<vmem>>[vector<16xi32>, vector<16xi32>, vector<16xi32>], vector<16xf32>,
        %parallel_loop3A_459 = arith.constant 2 : i32
        %parallel_loop3A_460 = arith.addi %parallel_loop3A_378, %parallel_loop3A_459 : i32
        %parallel_loop3A_461 = arith.index_cast %parallel_loop3A_460 : i32 to index
        %parallel_loop3A_462 = arith.constant 32 : index
        %parallel_loop3A_463 = tpu.vector_load %arg9[%parallel_loop3A_461, %parallel_loop3A_462] {strides = array<i32>} : memref<128x64xf32, #tpu.memory_space<vmem>>, vector<16xf32>,
        %parallel_loop3A_464 = vector.broadcast %parallel_loop3A_378 : i32 to vector<16xi32>
        %parallel_loop3A_465 = arith.addi %add3A_22, %parallel_loop3A_464 : vector<16xi32>
        %parallel_loop3A_466 = arith.addf %parallel_loop3A_463, %get3A_349 : vector<16xf32>
        tpu.vector_store_idx %arg11[%shift_right_logical3A_60, %and3A_63, %parallel_loop3A_465], %parallel_loop3A_466 : memref<8x8x128xf32, #tpu.memory_space<vmem>>[vector<16xi32>, vector<16xi32>, vector<16xi32>], vector<16xf32>,
        %parallel_loop3A_467 = arith.constant 2 : i32
        %parallel_loop3A_468 = arith.addi %parallel_loop3A_378, %parallel_loop3A_467 : i32
        %parallel_loop3A_469 = arith.index_cast %parallel_loop3A_468 : i32 to index
        %parallel_loop3A_470 = arith.constant 48 : index
        %parallel_loop3A_471 = tpu.vector_load %arg9[%parallel_loop3A_469, %parallel_loop3A_470] {strides = array<i32>} : memref<128x64xf32, #tpu.memory_space<vmem>>, vector<16xf32>,
        %parallel_loop3A_472 = vector.broadcast %parallel_loop3A_378 : i32 to vector<16xi32>
        %parallel_loop3A_473 = arith.addi %add3A_22, %parallel_loop3A_472 : vector<16xi32>
        %parallel_loop3A_474 = arith.addf %parallel_loop3A_471, %get3A_355 : vector<16xf32>
        tpu.vector_store_idx %arg11[%shift_right_logical3A_69, %and3A_72, %parallel_loop3A_473], %parallel_loop3A_474 : memref<8x8x128xf32, #tpu.memory_space<vmem>>[vector<16xi32>, vector<16xi32>, vector<16xi32>], vector<16xf32>,
        %parallel_loop3A_475 = arith.constant 3 : i32
        %parallel_loop3A_476 = arith.addi %parallel_loop3A_378, %parallel_loop3A_475 : i32
        %parallel_loop3A_477 = arith.index_cast %parallel_loop3A_476 : i32 to index
        %parallel_loop3A_478 = arith.constant 0 : index
        %parallel_loop3A_479 = tpu.vector_load %arg9[%parallel_loop3A_477, %parallel_loop3A_478] {strides = array<i32>} : memref<128x64xf32, #tpu.memory_space<vmem>>, vector<16xf32>,
        %parallel_loop3A_480 = vector.broadcast %parallel_loop3A_378 : i32 to vector<16xi32>
        %parallel_loop3A_481 = arith.addi %add3A_25, %parallel_loop3A_480 : vector<16xi32>
        %parallel_loop3A_482 = arith.addf %parallel_loop3A_479, %get3A_337 : vector<16xf32>
        tpu.vector_store_idx %arg11[%shift_right_logical3A_42, %and3A_45, %parallel_loop3A_481], %parallel_loop3A_482 : memref<8x8x128xf32, #tpu.memory_space<vmem>>[vector<16xi32>, vector<16xi32>, vector<16xi32>], vector<16xf32>,
        %parallel_loop3A_483 = arith.constant 3 : i32
        %parallel_loop3A_484 = arith.addi %parallel_loop3A_378, %parallel_loop3A_483 : i32
        %parallel_loop3A_485 = arith.index_cast %parallel_loop3A_484 : i32 to index
        %parallel_loop3A_486 = arith.constant 16 : index
        %parallel_loop3A_487 = tpu.vector_load %arg9[%parallel_loop3A_485, %parallel_loop3A_486] {strides = array<i32>} : memref<128x64xf32, #tpu.memory_space<vmem>>, vector<16xf32>,
        %parallel_loop3A_488 = vector.broadcast %parallel_loop3A_378 : i32 to vector<16xi32>
        %parallel_loop3A_489 = arith.addi %add3A_25, %parallel_loop3A_488 : vector<16xi32>
        %parallel_loop3A_490 = arith.addf %parallel_loop3A_487, %get3A_343 : vector<16xf32>
        tpu.vector_store_idx %arg11[%shift_right_logical3A_51, %and3A_54, %parallel_loop3A_489], %parallel_loop3A_490 : memref<8x8x128xf32, #tpu.memory_space<vmem>>[vector<16xi32>, vector<16xi32>, vector<16xi32>], vector<16xf32>,
        %parallel_loop3A_491 = arith.constant 3 : i32
        %parallel_loop3A_492 = arith.addi %parallel_loop3A_378, %parallel_loop3A_491 : i32
        %parallel_loop3A_493 = arith.index_cast %parallel_loop3A_492 : i32 to index
        %parallel_loop3A_494 = arith.constant 32 : index
        %parallel_loop3A_495 = tpu.vector_load %arg9[%parallel_loop3A_493, %parallel_loop3A_494] {strides = array<i32>} : memref<128x64xf32, #tpu.memory_space<vmem>>, vector<16xf32>,
        %parallel_loop3A_496 = vector.broadcast %parallel_loop3A_378 : i32 to vector<16xi32>
        %parallel_loop3A_497 = arith.addi %add3A_25, %parallel_loop3A_496 : vector<16xi32>
        %parallel_loop3A_498 = arith.addf %parallel_loop3A_495, %get3A_349 : vector<16xf32>
        tpu.vector_store_idx %arg11[%shift_right_logical3A_60, %and3A_63, %parallel_loop3A_497], %parallel_loop3A_498 : memref<8x8x128xf32, #tpu.memory_space<vmem>>[vector<16xi32>, vector<16xi32>, vector<16xi32>], vector<16xf32>,
        %parallel_loop3A_499 = arith.constant 3 : i32
        %parallel_loop3A_500 = arith.addi %parallel_loop3A_378, %parallel_loop3A_499 : i32
        %parallel_loop3A_501 = arith.index_cast %parallel_loop3A_500 : i32 to index
        %parallel_loop3A_502 = arith.constant 48 : index
        %parallel_loop3A_503 = tpu.vector_load %arg9[%parallel_loop3A_501, %parallel_loop3A_502] {strides = array<i32>} : memref<128x64xf32, #tpu.memory_space<vmem>>, vector<16xf32>,
        %parallel_loop3A_504 = vector.broadcast %parallel_loop3A_378 : i32 to vector<16xi32>
        %parallel_loop3A_505 = arith.addi %add3A_25, %parallel_loop3A_504 : vector<16xi32>
        %parallel_loop3A_506 = arith.addf %parallel_loop3A_503, %get3A_355 : vector<16xf32>
        tpu.vector_store_idx %arg11[%shift_right_logical3A_69, %and3A_72, %parallel_loop3A_505], %parallel_loop3A_506 : memref<8x8x128xf32, #tpu.memory_space<vmem>>[vector<16xi32>, vector<16xi32>, vector<16xi32>], vector<16xf32>,
        %parallel_loop3A_507 = arith.constant 4 : i32
        %parallel_loop3A_508 = arith.addi %parallel_loop3A_378, %parallel_loop3A_507 : i32
        %parallel_loop3A_509 = arith.index_cast %parallel_loop3A_508 : i32 to index
        %parallel_loop3A_510 = arith.constant 0 : index
        %parallel_loop3A_511 = tpu.vector_load %arg9[%parallel_loop3A_509, %parallel_loop3A_510] {strides = array<i32>} : memref<128x64xf32, #tpu.memory_space<vmem>>, vector<16xf32>,
        %parallel_loop3A_512 = vector.broadcast %parallel_loop3A_378 : i32 to vector<16xi32>
        %parallel_loop3A_513 = arith.addi %add3A_28, %parallel_loop3A_512 : vector<16xi32>
        %parallel_loop3A_514 = arith.addf %parallel_loop3A_511, %get3A_337 : vector<16xf32>
        tpu.vector_store_idx %arg11[%shift_right_logical3A_42, %and3A_45, %parallel_loop3A_513], %parallel_loop3A_514 : memref<8x8x128xf32, #tpu.memory_space<vmem>>[vector<16xi32>, vector<16xi32>, vector<16xi32>], vector<16xf32>,
        %parallel_loop3A_515 = arith.constant 4 : i32
        %parallel_loop3A_516 = arith.addi %parallel_loop3A_378, %parallel_loop3A_515 : i32
        %parallel_loop3A_517 = arith.index_cast %parallel_loop3A_516 : i32 to index
        %parallel_loop3A_518 = arith.constant 16 : index
        %parallel_loop3A_519 = tpu.vector_load %arg9[%parallel_loop3A_517, %parallel_loop3A_518] {strides = array<i32>} : memref<128x64xf32, #tpu.memory_space<vmem>>, vector<16xf32>,
        %parallel_loop3A_520 = vector.broadcast %parallel_loop3A_378 : i32 to vector<16xi32>
        %parallel_loop3A_521 = arith.addi %add3A_28, %parallel_loop3A_520 : vector<16xi32>
        %parallel_loop3A_522 = arith.addf %parallel_loop3A_519, %get3A_343 : vector<16xf32>
        tpu.vector_store_idx %arg11[%shift_right_logical3A_51, %and3A_54, %parallel_loop3A_521], %parallel_loop3A_522 : memref<8x8x128xf32, #tpu.memory_space<vmem>>[vector<16xi32>, vector<16xi32>, vector<16xi32>], vector<16xf32>,
        %parallel_loop3A_523 = arith.constant 4 : i32
        %parallel_loop3A_524 = arith.addi %parallel_loop3A_378, %parallel_loop3A_523 : i32
        %parallel_loop3A_525 = arith.index_cast %parallel_loop3A_524 : i32 to index
        %parallel_loop3A_526 = arith.constant 32 : index
        %parallel_loop3A_527 = tpu.vector_load %arg9[%parallel_loop3A_525, %parallel_loop3A_526] {strides = array<i32>} : memref<128x64xf32, #tpu.memory_space<vmem>>, vector<16xf32>,
        %parallel_loop3A_528 = vector.broadcast %parallel_loop3A_378 : i32 to vector<16xi32>
        %parallel_loop3A_529 = arith.addi %add3A_28, %parallel_loop3A_528 : vector<16xi32>
        %parallel_loop3A_530 = arith.addf %parallel_loop3A_527, %get3A_349 : vector<16xf32>
        tpu.vector_store_idx %arg11[%shift_right_logical3A_60, %and3A_63, %parallel_loop3A_529], %parallel_loop3A_530 : memref<8x8x128xf32, #tpu.memory_space<vmem>>[vector<16xi32>, vector<16xi32>, vector<16xi32>], vector<16xf32>,
        %parallel_loop3A_531 = arith.constant 4 : i32
        %parallel_loop3A_532 = arith.addi %parallel_loop3A_378, %parallel_loop3A_531 : i32
        %parallel_loop3A_533 = arith.index_cast %parallel_loop3A_532 : i32 to index
        %parallel_loop3A_534 = arith.constant 48 : index
        %parallel_loop3A_535 = tpu.vector_load %arg9[%parallel_loop3A_533, %parallel_loop3A_534] {strides = array<i32>} : memref<128x64xf32, #tpu.memory_space<vmem>>, vector<16xf32>,
        %parallel_loop3A_536 = vector.broadcast %parallel_loop3A_378 : i32 to vector<16xi32>
        %parallel_loop3A_537 = arith.addi %add3A_28, %parallel_loop3A_536 : vector<16xi32>
        %parallel_loop3A_538 = arith.addf %parallel_loop3A_535, %get3A_355 : vector<16xf32>
        tpu.vector_store_idx %arg11[%shift_right_logical3A_69, %and3A_72, %parallel_loop3A_537], %parallel_loop3A_538 : memref<8x8x128xf32, #tpu.memory_space<vmem>>[vector<16xi32>, vector<16xi32>, vector<16xi32>], vector<16xf32>,
        %parallel_loop3A_539 = arith.constant 5 : i32
        %parallel_loop3A_540 = arith.addi %parallel_loop3A_378, %parallel_loop3A_539 : i32
        %parallel_loop3A_541 = arith.index_cast %parallel_loop3A_540 : i32 to index
        %parallel_loop3A_542 = arith.constant 0 : index
        %parallel_loop3A_543 = tpu.vector_load %arg9[%parallel_loop3A_541, %parallel_loop3A_542] {strides = array<i32>} : memref<128x64xf32, #tpu.memory_space<vmem>>, vector<16xf32>,
        %parallel_loop3A_544 = vector.broadcast %parallel_loop3A_378 : i32 to vector<16xi32>
        %parallel_loop3A_545 = arith.addi %add3A_31, %parallel_loop3A_544 : vector<16xi32>
        %parallel_loop3A_546 = arith.addf %parallel_loop3A_543, %get3A_337 : vector<16xf32>
        tpu.vector_store_idx %arg11[%shift_right_logical3A_42, %and3A_45, %parallel_loop3A_545], %parallel_loop3A_546 : memref<8x8x128xf32, #tpu.memory_space<vmem>>[vector<16xi32>, vector<16xi32>, vector<16xi32>], vector<16xf32>,
        %parallel_loop3A_547 = arith.constant 5 : i32
        %parallel_loop3A_548 = arith.addi %parallel_loop3A_378, %parallel_loop3A_547 : i32
        %parallel_loop3A_549 = arith.index_cast %parallel_loop3A_548 : i32 to index
        %parallel_loop3A_550 = arith.constant 16 : index
        %parallel_loop3A_551 = tpu.vector_load %arg9[%parallel_loop3A_549, %parallel_loop3A_550] {strides = array<i32>} : memref<128x64xf32, #tpu.memory_space<vmem>>, vector<16xf32>,
        %parallel_loop3A_552 = vector.broadcast %parallel_loop3A_378 : i32 to vector<16xi32>
        %parallel_loop3A_553 = arith.addi %add3A_31, %parallel_loop3A_552 : vector<16xi32>
        %parallel_loop3A_554 = arith.addf %parallel_loop3A_551, %get3A_343 : vector<16xf32>
        tpu.vector_store_idx %arg11[%shift_right_logical3A_51, %and3A_54, %parallel_loop3A_553], %parallel_loop3A_554 : memref<8x8x128xf32, #tpu.memory_space<vmem>>[vector<16xi32>, vector<16xi32>, vector<16xi32>], vector<16xf32>,
        %parallel_loop3A_555 = arith.constant 5 : i32
        %parallel_loop3A_556 = arith.addi %parallel_loop3A_378, %parallel_loop3A_555 : i32
        %parallel_loop3A_557 = arith.index_cast %parallel_loop3A_556 : i32 to index
        %parallel_loop3A_558 = arith.constant 32 : index
        %parallel_loop3A_559 = tpu.vector_load %arg9[%parallel_loop3A_557, %parallel_loop3A_558] {strides = array<i32>} : memref<128x64xf32, #tpu.memory_space<vmem>>, vector<16xf32>,
        %parallel_loop3A_560 = vector.broadcast %parallel_loop3A_378 : i32 to vector<16xi32>
        %parallel_loop3A_561 = arith.addi %add3A_31, %parallel_loop3A_560 : vector<16xi32>
        %parallel_loop3A_562 = arith.addf %parallel_loop3A_559, %get3A_349 : vector<16xf32>
        tpu.vector_store_idx %arg11[%shift_right_logical3A_60, %and3A_63, %parallel_loop3A_561], %parallel_loop3A_562 : memref<8x8x128xf32, #tpu.memory_space<vmem>>[vector<16xi32>, vector<16xi32>, vector<16xi32>], vector<16xf32>,
        %parallel_loop3A_563 = arith.constant 5 : i32
        %parallel_loop3A_564 = arith.addi %parallel_loop3A_378, %parallel_loop3A_563 : i32
        %parallel_loop3A_565 = arith.index_cast %parallel_loop3A_564 : i32 to index
        %parallel_loop3A_566 = arith.constant 48 : index
        %parallel_loop3A_567 = tpu.vector_load %arg9[%parallel_loop3A_565, %parallel_loop3A_566] {strides = array<i32>} : memref<128x64xf32, #tpu.memory_space<vmem>>, vector<16xf32>,
        %parallel_loop3A_568 = vector.broadcast %parallel_loop3A_378 : i32 to vector<16xi32>
        %parallel_loop3A_569 = arith.addi %add3A_31, %parallel_loop3A_568 : vector<16xi32>
        %parallel_loop3A_570 = arith.addf %parallel_loop3A_567, %get3A_355 : vector<16xf32>
        tpu.vector_store_idx %arg11[%shift_right_logical3A_69, %and3A_72, %parallel_loop3A_569], %parallel_loop3A_570 : memref<8x8x128xf32, #tpu.memory_space<vmem>>[vector<16xi32>, vector<16xi32>, vector<16xi32>], vector<16xf32>,
        %parallel_loop3A_571 = arith.constant 6 : i32
        %parallel_loop3A_572 = arith.addi %parallel_loop3A_378, %parallel_loop3A_571 : i32
        %parallel_loop3A_573 = arith.index_cast %parallel_loop3A_572 : i32 to index
        %parallel_loop3A_574 = arith.constant 0 : index
        %parallel_loop3A_575 = tpu.vector_load %arg9[%parallel_loop3A_573, %parallel_loop3A_574] {strides = array<i32>} : memref<128x64xf32, #tpu.memory_space<vmem>>, vector<16xf32>,
        %parallel_loop3A_576 = vector.broadcast %parallel_loop3A_378 : i32 to vector<16xi32>
        %parallel_loop3A_577 = arith.addi %add3A_34, %parallel_loop3A_576 : vector<16xi32>
        %parallel_loop3A_578 = arith.addf %parallel_loop3A_575, %get3A_337 : vector<16xf32>
        tpu.vector_store_idx %arg11[%shift_right_logical3A_42, %and3A_45, %parallel_loop3A_577], %parallel_loop3A_578 : memref<8x8x128xf32, #tpu.memory_space<vmem>>[vector<16xi32>, vector<16xi32>, vector<16xi32>], vector<16xf32>,
        %parallel_loop3A_579 = arith.constant 6 : i32
        %parallel_loop3A_580 = arith.addi %parallel_loop3A_378, %parallel_loop3A_579 : i32
        %parallel_loop3A_581 = arith.index_cast %parallel_loop3A_580 : i32 to index
        %parallel_loop3A_582 = arith.constant 16 : index
        %parallel_loop3A_583 = tpu.vector_load %arg9[%parallel_loop3A_581, %parallel_loop3A_582] {strides = array<i32>} : memref<128x64xf32, #tpu.memory_space<vmem>>, vector<16xf32>,
        %parallel_loop3A_584 = vector.broadcast %parallel_loop3A_378 : i32 to vector<16xi32>
        %parallel_loop3A_585 = arith.addi %add3A_34, %parallel_loop3A_584 : vector<16xi32>
        %parallel_loop3A_586 = arith.addf %parallel_loop3A_583, %get3A_343 : vector<16xf32>
        tpu.vector_store_idx %arg11[%shift_right_logical3A_51, %and3A_54, %parallel_loop3A_585], %parallel_loop3A_586 : memref<8x8x128xf32, #tpu.memory_space<vmem>>[vector<16xi32>, vector<16xi32>, vector<16xi32>], vector<16xf32>,
        %parallel_loop3A_587 = arith.constant 6 : i32
        %parallel_loop3A_588 = arith.addi %parallel_loop3A_378, %parallel_loop3A_587 : i32
        %parallel_loop3A_589 = arith.index_cast %parallel_loop3A_588 : i32 to index
        %parallel_loop3A_590 = arith.constant 32 : index
        %parallel_loop3A_591 = tpu.vector_load %arg9[%parallel_loop3A_589, %parallel_loop3A_590] {strides = array<i32>} : memref<128x64xf32, #tpu.memory_space<vmem>>, vector<16xf32>,
        %parallel_loop3A_592 = vector.broadcast %parallel_loop3A_378 : i32 to vector<16xi32>
        %parallel_loop3A_593 = arith.addi %add3A_34, %parallel_loop3A_592 : vector<16xi32>
        %parallel_loop3A_594 = arith.addf %parallel_loop3A_591, %get3A_349 : vector<16xf32>
        tpu.vector_store_idx %arg11[%shift_right_logical3A_60, %and3A_63, %parallel_loop3A_593], %parallel_loop3A_594 : memref<8x8x128xf32, #tpu.memory_space<vmem>>[vector<16xi32>, vector<16xi32>, vector<16xi32>], vector<16xf32>,
        %parallel_loop3A_595 = arith.constant 6 : i32
        %parallel_loop3A_596 = arith.addi %parallel_loop3A_378, %parallel_loop3A_595 : i32
        %parallel_loop3A_597 = arith.index_cast %parallel_loop3A_596 : i32 to index
        %parallel_loop3A_598 = arith.constant 48 : index
        %parallel_loop3A_599 = tpu.vector_load %arg9[%parallel_loop3A_597, %parallel_loop3A_598] {strides = array<i32>} : memref<128x64xf32, #tpu.memory_space<vmem>>, vector<16xf32>,
        %parallel_loop3A_600 = vector.broadcast %parallel_loop3A_378 : i32 to vector<16xi32>
        %parallel_loop3A_601 = arith.addi %add3A_34, %parallel_loop3A_600 : vector<16xi32>
        %parallel_loop3A_602 = arith.addf %parallel_loop3A_599, %get3A_355 : vector<16xf32>
        tpu.vector_store_idx %arg11[%shift_right_logical3A_69, %and3A_72, %parallel_loop3A_601], %parallel_loop3A_602 : memref<8x8x128xf32, #tpu.memory_space<vmem>>[vector<16xi32>, vector<16xi32>, vector<16xi32>], vector<16xf32>,
        %parallel_loop3A_603 = arith.constant 7 : i32
        %parallel_loop3A_604 = arith.addi %parallel_loop3A_378, %parallel_loop3A_603 : i32
        %parallel_loop3A_605 = arith.index_cast %parallel_loop3A_604 : i32 to index
        %parallel_loop3A_606 = arith.constant 0 : index
        %parallel_loop3A_607 = tpu.vector_load %arg9[%parallel_loop3A_605, %parallel_loop3A_606] {strides = array<i32>} : memref<128x64xf32, #tpu.memory_space<vmem>>, vector<16xf32>,
        %parallel_loop3A_608 = vector.broadcast %parallel_loop3A_378 : i32 to vector<16xi32>
        %parallel_loop3A_609 = arith.addi %add3A_37, %parallel_loop3A_608 : vector<16xi32>
        %parallel_loop3A_610 = arith.addf %parallel_loop3A_607, %get3A_337 : vector<16xf32>
        tpu.vector_store_idx %arg11[%shift_right_logical3A_42, %and3A_45, %parallel_loop3A_609], %parallel_loop3A_610 : memref<8x8x128xf32, #tpu.memory_space<vmem>>[vector<16xi32>, vector<16xi32>, vector<16xi32>], vector<16xf32>,
        %parallel_loop3A_611 = arith.constant 7 : i32
        %parallel_loop3A_612 = arith.addi %parallel_loop3A_378, %parallel_loop3A_611 : i32
        %parallel_loop3A_613 = arith.index_cast %parallel_loop3A_612 : i32 to index
        %parallel_loop3A_614 = arith.constant 16 : index
        %parallel_loop3A_615 = tpu.vector_load %arg9[%parallel_loop3A_613, %parallel_loop3A_614] {strides = array<i32>} : memref<128x64xf32, #tpu.memory_space<vmem>>, vector<16xf32>,
        %parallel_loop3A_616 = vector.broadcast %parallel_loop3A_378 : i32 to vector<16xi32>
        %parallel_loop3A_617 = arith.addi %add3A_37, %parallel_loop3A_616 : vector<16xi32>
        %parallel_loop3A_618 = arith.addf %parallel_loop3A_615, %get3A_343 : vector<16xf32>
        tpu.vector_store_idx %arg11[%shift_right_logical3A_51, %and3A_54, %parallel_loop3A_617], %parallel_loop3A_618 : memref<8x8x128xf32, #tpu.memory_space<vmem>>[vector<16xi32>, vector<16xi32>, vector<16xi32>], vector<16xf32>,
        %parallel_loop3A_619 = arith.constant 7 : i32
        %parallel_loop3A_620 = arith.addi %parallel_loop3A_378, %parallel_loop3A_619 : i32
        %parallel_loop3A_621 = arith.index_cast %parallel_loop3A_620 : i32 to index
        %parallel_loop3A_622 = arith.constant 32 : index
        %parallel_loop3A_623 = tpu.vector_load %arg9[%parallel_loop3A_621, %parallel_loop3A_622] {strides = array<i32>} : memref<128x64xf32, #tpu.memory_space<vmem>>, vector<16xf32>,
        %parallel_loop3A_624 = vector.broadcast %parallel_loop3A_378 : i32 to vector<16xi32>
        %parallel_loop3A_625 = arith.addi %add3A_37, %parallel_loop3A_624 : vector<16xi32>
        %parallel_loop3A_626 = arith.addf %parallel_loop3A_623, %get3A_349 : vector<16xf32>
        tpu.vector_store_idx %arg11[%shift_right_logical3A_60, %and3A_63, %parallel_loop3A_625], %parallel_loop3A_626 : memref<8x8x128xf32, #tpu.memory_space<vmem>>[vector<16xi32>, vector<16xi32>, vector<16xi32>], vector<16xf32>,
        %parallel_loop3A_627 = arith.constant 7 : i32
        %parallel_loop3A_628 = arith.addi %parallel_loop3A_378, %parallel_loop3A_627 : i32
        %parallel_loop3A_629 = arith.index_cast %parallel_loop3A_628 : i32 to index
        %parallel_loop3A_630 = arith.constant 48 : index
        %parallel_loop3A_631 = tpu.vector_load %arg9[%parallel_loop3A_629, %parallel_loop3A_630] {strides = array<i32>} : memref<128x64xf32, #tpu.memory_space<vmem>>, vector<16xf32>,
        %parallel_loop3A_632 = vector.broadcast %parallel_loop3A_378 : i32 to vector<16xi32>
        %parallel_loop3A_633 = arith.addi %add3A_37, %parallel_loop3A_632 : vector<16xi32>
        %parallel_loop3A_634 = arith.addf %parallel_loop3A_631, %get3A_355 : vector<16xf32>
        tpu.vector_store_idx %arg11[%shift_right_logical3A_69, %and3A_72, %parallel_loop3A_633], %parallel_loop3A_634 : memref<8x8x128xf32, #tpu.memory_space<vmem>>[vector<16xi32>, vector<16xi32>, vector<16xi32>], vector<16xf32>,
      } {sc.loop_unroll_factor = 2 : i64, sc.parallel_access}
      %add3A_359 = arith.constant 2 : i32
      %add3A_360 = arith.addi %add3A_277, %add3A_359 : i32
      %lt3A_361 = arith.constant 50 : i32
      %lt3A_362 = arith.cmpi slt, %add3A_360, %lt3A_361 : i32
      %convert_element_type3A_363 = arith.extui %lt3A_362 : i1 to i32
      %cond3A_364 = arith.constant 0 : i32
      %cond3A_365 = arith.cmpi ne, %convert_element_type3A_363, %cond3A_364 : i32
      scf.if %cond3A_365 {
        %mul3A_376 = arith.constant 128 : i32
        %mul3A_377 = arith.muli %add3A_360, %mul3A_376 : i32
        %dma_start3A_378 = tpu.memref_slice %arg7[%mul3A_377] : memref<6400xi32, #tpu.memory_space<vmem>> -> memref<128xi32, #tpu.memory_space<vmem>>
        %dma_start3A_379 = arith.constant 0 : i32
        %dma_start3A_380 = arith.constant 0 : i32
        %dma_start3A_381 = tpu.memref_slice %arg2[%dma_start3A_379, %dma_start3A_380] : memref<1000000x64xf32, #tpu.memory_space<hbm>> -> memref<1000000x64xf32, #tpu.memory_space<hbm>>
        tpu.enqueue_indirect_dma source(%dma_start3A_381 : memref<1000000x64xf32, #tpu.memory_space<hbm>>) target(%arg9 : memref<128x64xf32, #tpu.memory_space<vmem>>) offsets(%dma_start3A_378 : memref<128xi32, #tpu.memory_space<vmem>>) semaphore(%arg13 : memref<!tpu.dma_semaphore, #tpu.memory_space<semaphore_mem>>)
      } else {
      }
      %dma_start3A_366 = arith.constant 0 : i32
      %dma_start3A_367 = arith.constant 0 : i32
      %dma_start3A_368 = arith.constant 0 : i32
      %dma_start3A_369 = tpu.memref_slice %arg5[%select_n3A_304, %dma_start3A_366, %select_n3A_320, %dma_start3A_367, %dma_start3A_368] : memref<200x8x8x8x128xf32, #tpu.memory_space<hbm>> -> memref<1x8x1x8x128xf32, #tpu.memory_space<hbm>>
      %dma_start3A_370 = tpu.memref_squeeze %dma_start3A_369 : memref<1x8x1x8x128xf32, #tpu.memory_space<hbm>> -> memref<8x8x128xf32, #tpu.memory_space<hbm>>
      %dma_start3A_371 = arith.constant 0 : i32
      %dma_start3A_372 = arith.constant 0 : i32
      %dma_start3A_373 = arith.constant 0 : i32
      %dma_start3A_374 = tpu.memref_slice %arg5[%select_n3A_304, %dma_start3A_371, %select_n3A_320, %dma_start3A_372, %dma_start3A_373] : memref<200x8x8x8x128xf32, #tpu.memory_space<hbm>> -> memref<1x8x1x8x128xf32, #tpu.memory_space<hbm>>
      %dma_start3A_375 = tpu.memref_squeeze %dma_start3A_374 : memref<1x8x1x8x128xf32, #tpu.memory_space<hbm>> -> memref<8x8x128xf32, #tpu.memory_space<hbm>>
      tpu.enqueue_dma source(%arg11 : memref<8x8x128xf32, #tpu.memory_space<vmem>>) target(%dma_start3A_375 : memref<8x8x128xf32, #tpu.memory_space<hbm>>) target_semaphore(%arg15 : memref<!tpu.dma_semaphore, #tpu.memory_space<semaphore_mem>>)
    }
    %scan3A_77 = arith.constant 25 : i32
    %mul3A_78 = arith.constant 50 : i32
    %mul3A_79 = arith.muli %add3A, %mul3A_78 : i32
    %add3A_80 = arith.constant 48 : i32
    %add3A_81 = arith.addi %mul3A_79, %add3A_80 : i32
    %jit3A = arith.constant 8 : i32
    %div3A = arith.divsi %add3A_81, %jit3A : i32
    %sign3A = arith.constant 0 : i32
    %sign3A_82 = arith.cmpi sgt, %add3A_81, %sign3A : i32
    %sign3A_83 = arith.extui %sign3A_82 : i1 to i32
    %sign3A_84 = arith.constant 0 : i32
    %sign3A_85 = arith.cmpi slt, %add3A_81, %sign3A_84 : i32
    %sign3A_86 = arith.extui %sign3A_85 : i1 to i32
    %sign3A_87 = arith.subi %sign3A_83, %sign3A_86 : i32
    %sign3A_88 = arith.constant 0 : i32
    %sign3A_89 = arith.cmpi sgt, %jit3A, %sign3A_88 : i32
    %sign3A_90 = arith.extui %sign3A_89 : i1 to i32
    %sign3A_91 = arith.constant 0 : i32
    %sign3A_92 = arith.cmpi slt, %jit3A, %sign3A_91 : i32
    %sign3A_93 = arith.extui %sign3A_92 : i1 to i32
    %sign3A_94 = arith.subi %sign3A_90, %sign3A_93 : i32
    %ne3A = arith.cmpi ne, %sign3A_87, %sign3A_94 : i32
    %rem3A = arith.remsi %add3A_81, %jit3A : i32
    %ne3A_95 = arith.constant 0 : i32
    %ne3A_96 = arith.cmpi ne, %rem3A, %ne3A_95 : i32
    %and3A_97 = arith.andi %ne3A, %ne3A_96 : i1
    %sub3A = arith.constant 1 : i32
    %sub3A_98 = arith.subi %div3A, %sub3A : i32
    %select_n3A = arith.select %and3A_97, %sub3A_98, %div3A : i32
    %jit3A_99 = arith.constant 8 : i32
    %eq3A = arith.constant 0 : i32
    %eq3A_100 = arith.cmpi eq, %jit3A_99, %eq3A : i32
    %jit3A_101 = arith.constant 1 : i32
    %select_n3A_102 = arith.select %eq3A_100, %jit3A_101, %jit3A_99 : i32
    %rem3A_103 = arith.remsi %add3A_81, %select_n3A_102 : i32
    %ne3A_104 = arith.constant 0 : i32
    %ne3A_105 = arith.cmpi ne, %rem3A_103, %ne3A_104 : i32
    %lt3A = arith.constant 0 : i32
    %lt3A_106 = arith.cmpi slt, %rem3A_103, %lt3A : i32
    %lt3A_107 = arith.constant 0 : i32
    %lt3A_108 = arith.cmpi slt, %select_n3A_102, %lt3A_107 : i32
    %ne3A_109 = arith.xori %lt3A_106, %lt3A_108 : i1
    %and3A_110 = arith.andi %ne3A_109, %ne3A_105 : i1
    %add3A_111 = arith.addi %rem3A_103, %select_n3A_102 : i32
    %select_n3A_112 = arith.select %and3A_110, %add3A_111, %rem3A_103 : i32
    %dma_wait3A = arith.constant 0 : i32
    %dma_wait3A_113 = arith.constant 0 : i32
    %dma_wait3A_114 = arith.constant 0 : i32
    %dma_wait3A_115 = tpu.memref_slice %arg5[%select_n3A, %dma_wait3A, %select_n3A_112, %dma_wait3A_113, %dma_wait3A_114] : memref<200x8x8x8x128xf32, #tpu.memory_space<hbm>> -> memref<1x8x1x8x128xf32, #tpu.memory_space<hbm>>
    %dma_wait3A_116 = tpu.memref_squeeze %dma_wait3A_115 : memref<1x8x1x8x128xf32, #tpu.memory_space<hbm>> -> memref<8x8x128xf32, #tpu.memory_space<hbm>>
    %dma_wait3A_117 = arith.constant 0 : i32
    %dma_wait3A_118 = arith.constant 0 : i32
    %dma_wait3A_119 = arith.constant 0 : i32
    %dma_wait3A_120 = tpu.memref_slice %arg5[%select_n3A, %dma_wait3A_117, %select_n3A_112, %dma_wait3A_118, %dma_wait3A_119] : memref<200x8x8x8x128xf32, #tpu.memory_space<hbm>> -> memref<1x8x1x8x128xf32, #tpu.memory_space<hbm>>
    %dma_wait3A_121 = tpu.memref_squeeze %dma_wait3A_120 : memref<1x8x1x8x128xf32, #tpu.memory_space<hbm>> -> memref<8x8x128xf32, #tpu.memory_space<hbm>>
    tpu.wait_dma2 semaphore(%arg14 : memref<!tpu.dma_semaphore, #tpu.memory_space<semaphore_mem>>) src(%arg10 : memref<8x8x128xf32, #tpu.memory_space<vmem>>) dst(%dma_wait3A_121 : memref<8x8x128xf32, #tpu.memory_space<hbm>>)
    %mul3A_122 = arith.constant 50 : i32
    %mul3A_123 = arith.muli %add3A, %mul3A_122 : i32
    %add3A_124 = arith.constant 49 : i32
    %add3A_125 = arith.addi %mul3A_123, %add3A_124 : i32
    %jit3A_126 = arith.constant 8 : i32
    %div3A_127 = arith.divsi %add3A_125, %jit3A_126 : i32
    %sign3A_128 = arith.constant 0 : i32
    %sign3A_129 = arith.cmpi sgt, %add3A_125, %sign3A_128 : i32
    %sign3A_130 = arith.extui %sign3A_129 : i1 to i32
    %sign3A_131 = arith.constant 0 : i32
    %sign3A_132 = arith.cmpi slt, %add3A_125, %sign3A_131 : i32
    %sign3A_133 = arith.extui %sign3A_132 : i1 to i32
    %sign3A_134 = arith.subi %sign3A_130, %sign3A_133 : i32
    %sign3A_135 = arith.constant 0 : i32
    %sign3A_136 = arith.cmpi sgt, %jit3A_126, %sign3A_135 : i32
    %sign3A_137 = arith.extui %sign3A_136 : i1 to i32
    %sign3A_138 = arith.constant 0 : i32
    %sign3A_139 = arith.cmpi slt, %jit3A_126, %sign3A_138 : i32
    %sign3A_140 = arith.extui %sign3A_139 : i1 to i32
    %sign3A_141 = arith.subi %sign3A_137, %sign3A_140 : i32
    %ne3A_142 = arith.cmpi ne, %sign3A_134, %sign3A_141 : i32
    %rem3A_143 = arith.remsi %add3A_125, %jit3A_126 : i32
    %ne3A_144 = arith.constant 0 : i32
    %ne3A_145 = arith.cmpi ne, %rem3A_143, %ne3A_144 : i32
    %and3A_146 = arith.andi %ne3A_142, %ne3A_145 : i1
    %sub3A_147 = arith.constant 1 : i32
    %sub3A_148 = arith.subi %div3A_127, %sub3A_147 : i32
    %select_n3A_149 = arith.select %and3A_146, %sub3A_148, %div3A_127 : i32
    %jit3A_150 = arith.constant 8 : i32
    %eq3A_151 = arith.constant 0 : i32
    %eq3A_152 = arith.cmpi eq, %jit3A_150, %eq3A_151 : i32
    %jit3A_153 = arith.constant 1 : i32
    %select_n3A_154 = arith.select %eq3A_152, %jit3A_153, %jit3A_150 : i32
    %rem3A_155 = arith.remsi %add3A_125, %select_n3A_154 : i32
    %ne3A_156 = arith.constant 0 : i32
    %ne3A_157 = arith.cmpi ne, %rem3A_155, %ne3A_156 : i32
    %lt3A_158 = arith.constant 0 : i32
    %lt3A_159 = arith.cmpi slt, %rem3A_155, %lt3A_158 : i32
    %lt3A_160 = arith.constant 0 : i32
    %lt3A_161 = arith.cmpi slt, %select_n3A_154, %lt3A_160 : i32
    %ne3A_162 = arith.xori %lt3A_159, %lt3A_161 : i1
    %and3A_163 = arith.andi %ne3A_162, %ne3A_157 : i1
    %add3A_164 = arith.addi %rem3A_155, %select_n3A_154 : i32
    %select_n3A_165 = arith.select %and3A_163, %add3A_164, %rem3A_155 : i32
    %dma_wait3A_166 = arith.constant 0 : i32
    %dma_wait3A_167 = arith.constant 0 : i32
    %dma_wait3A_168 = arith.constant 0 : i32
    %dma_wait3A_169 = tpu.memref_slice %arg5[%select_n3A_149, %dma_wait3A_166, %select_n3A_165, %dma_wait3A_167, %dma_wait3A_168] : memref<200x8x8x8x128xf32, #tpu.memory_space<hbm>> -> memref<1x8x1x8x128xf32, #tpu.memory_space<hbm>>
    %dma_wait3A_170 = tpu.memref_squeeze %dma_wait3A_169 : memref<1x8x1x8x128xf32, #tpu.memory_space<hbm>> -> memref<8x8x128xf32, #tpu.memory_space<hbm>>
    %dma_wait3A_171 = arith.constant 0 : i32
    %dma_wait3A_172 = arith.constant 0 : i32
    %dma_wait3A_173 = arith.constant 0 : i32
    %dma_wait3A_174 = tpu.memref_slice %arg5[%select_n3A_149, %dma_wait3A_171, %select_n3A_165, %dma_wait3A_172, %dma_wait3A_173] : memref<200x8x8x8x128xf32, #tpu.memory_space<hbm>> -> memref<1x8x1x8x128xf32, #tpu.memory_space<hbm>>
    %dma_wait3A_175 = tpu.memref_squeeze %dma_wait3A_174 : memref<1x8x1x8x128xf32, #tpu.memory_space<hbm>> -> memref<8x8x128xf32, #tpu.memory_space<hbm>>
    tpu.wait_dma2 semaphore(%arg15 : memref<!tpu.dma_semaphore, #tpu.memory_space<semaphore_mem>>) src(%arg11 : memref<8x8x128xf32, #tpu.memory_space<vmem>>) dst(%dma_wait3A_175 : memref<8x8x128xf32, #tpu.memory_space<hbm>>)
    return
  }
}

</mosaic_0001>

<sc_bundles>
// kernel: kernel.3.cloned.1.call-start
scs
__scs_entry_jumppad:
0x0: {  	(pc) =	sbr.rel $0x88, $3  }
0x1: {  	(tag) =	ssettag $0x0;
	lr =	simm.s32 $0x1  }
0x2: {  	[smem:$0x3F9F] =	sst lr;
	_ =	strace $0xD0000000  }
0x3: {  	_ = 	snop  }
0x4: {  	_ = 	snop  }
0x5: {  	_ = 	snop  }
0x6: {  	_ = 	snop  }
0x7: {  	_ = 	snop  }
__scs_overlays_trampoline_lowered:
0x8: {  	[smem:$0x3FAE] =	sst s0  }
0x9: {  	[smem:$0x3FAF] =	sst s1  }
0xa: {  	[smem:$0x3FB0] =	sst s2  }
0xb: {  	[smem:$0x3FB1] =	sst s3  }
0xc: {  	[smem:$0x3FB2] =	sst s4  }
0xd: {  	[smem:$0x3FB3] =	sst s5  }
0xe: {  	[smem:$0x3FB4] =	sst s6  }
0xf: {  	[smem:$0x3FB5] =	sst s7  }
0x10: {  	[smem:$0x3FB6] =	sst s8  }
0x11: {  	[smem:$0x3FB7] =	sst s9;
	s0 =	simm.s32 @!p0 $0x0  }
0x12: {  	s1 =	sld [smem:$0x3F9D];
	s0 =	simm.s32 @p0 $0x1  }
0x13: {  	[smem:$0x3FB8] =	sst s0;
	s0 =	simm.s32 @!p1 $0x0  }
0x14: {  	s2 =	sld [smem:$0x3F9C];
	s0 =	simm.s32 @p1 $0x1  }
0x15: {  	[smem:$0x3FB9] =	sst s0;
	s0 =	simm.s32 @!p2 $0x0  }
0x16: {  	s3 =	sld [smem:$0x3FDB];
	s0 =	simm.s32 @p2 $0x1  }
0x17: {  	s4 =	simm.s32 $0x1BF5;
	[smem:$0x3FBB] =	sst s0  }
0x18: {  	s0 =	sld [smem:$0x3F9E];
	_ =	swait.ge [sflag:s4], $0x0  }
0x19: {  	s7 =	sld [smem:$0x3F9F]  }
0x1a: {  	s8 =	sadd.s32 $0xFFFFE003, lr  }
0x1b: {  	s9 =	sadd.s32 $0xFFFFFEF7, lr;
	s5 =	simm.s32 $0xFFFFFFFF;
	p2 =	slt.u32 s8, $0xFFFFF086  }
0x1c: {  	p1 =	slt.u32 s9, $0xF7A;
	s5 =	simm.s32 @!p2 $0x0  }
0x1d: {  	s5 =	simm.s32 @p1 $0x1;
	p0 =	seq.s32 s7, s2  }
0x1e: {  	s7 =	smul.u32 @!p0 $0xF7A, s2;
	p2 =	seq.s32 @!p0 s5, $0x0  }
0x1f: {  	s9 =	smul.u32 $0xF7A, s1;
	s8 =	simm.s32 @!p0 $0x1BF5;
	p2 =	por !p2, p0  }
0x20: {  	[sflag:s8] =	ssyncset.s32 @!p0 $0xFFFFF086;
	s6 =	sadd.s32 @!p0 s3, s7;
	s7 =	simm.s32 @!p0 $0x108  }
0x21: {  	s3 =	sadd.s32 s3, s9;
	s6 =	sadd.s32 @!p0 $0x88, s6;
	s7 =	simm.s32 @p2 $0x1082  }
0x22: {  	[simem:s7], [sflag:s8] =	dma.local @!p0 [hbm:s6], $0xF7A  }
0x23: {  	s9 =	sor.u32 $0xD0000000, s2;
	s6 =	simm.s32 $0x108;
	_ =	swait.ge @!p0 [sflag:s8], $0x0  }
0x24: {  	s3 =	sadd.s32 $0x88, s3;
	s6 =	simm.s32 @!p1 $0x1082;
	[sflag:s4] =	ssyncset.s32 $0xFFFFF086  }
0x25: {  	[simem:s6], [sflag:s4] =	dma.local [hbm:s3], $0xF7A  }
0x26: {  	[smem:$0x3F9F] =	sst s1;
	(tag) =	ssettag s2;
	_ =	strace s9  }
0x27: {  	s1 =	sld [smem:$0x3FAF]  }
0x28: {  	s2 =	sld [smem:$0x3FB0]  }
0x29: {  	s4 =	sld [smem:$0x3FB2]  }
0x2a: {  	p0 =	seq.s32 s5, $0x0;
	s5 =	sld [smem:$0x3FB3]  }
0x2b: {  	s6 =	sld [smem:$0x3FB4]  }
0x2c: {  	s7 =	sld [smem:$0x3FB5]  }
0x2d: {  	s3 =	simm.s32 $0x108;
	s8 =	sld [smem:$0x3FB6]  }
0x2e: {  	s3 =	simm.s32 @!p0 $0x1082;
	s9 =	sld [smem:$0x3FB7]  }
0x2f: {  	lr =	sadd.s32 s0, s3;
	s0 =	sld [smem:$0x3FAE]  }
0x30: {  	s3 =	sld [smem:$0x3FB1]  }
0x31: {  	[smem:$0x3FBA] =	sst s10  }
0x32: {  	s10 =	sld [smem:$0x3FB8];
	_ =	sdelay $0x3  }
0x33: {  	p0 =	seq.s32 s10, $0x1;
	s10 =	sld [smem:$0x3FBA];
	_ =	sdelay $0x3  }
0x34: {  	[smem:$0x3FBA] =	sst s10  }
0x35: {  	s10 =	sld [smem:$0x3FB9];
	_ =	sdelay $0x3  }
0x36: {  	p1 =	seq.s32 s10, $0x1;
	s10 =	sld [smem:$0x3FBA];
	_ =	sdelay $0x3  }
0x37: {  	[smem:$0x3FBA] =	sst s10  }
0x38: {  	s10 =	sld [smem:$0x3FBB]  }
0x39: {  	_ = 	snop;
	(pc) =	sbr.ind lr, $3  }
0x3a: {  	_ = 	snop  }
0x3b: {  	_ = 	snop  }
0x3c: {  	p2 =	seq.s32 s10, $0x1;
	s10 =	sld [smem:$0x3FBA]  }
0x3d: {  	_ =	shalt  }
0x3e: {  	_ =	shalt  }
0x3f: {  	_ =	shalt  }
0x40: {  	_ =	shalt  }
0x41: {  	_ =	shalt  }
0x42: {  	_ =	shalt  }
0x43: {  	_ =	shalt  }
0x44: {  	_ =	shalt  }
0x45: {  	_ =	shalt  }
0x46: {  	_ =	shalt  }
0x47: {  	_ =	shalt  }
0x48: {  	_ =	shalt  }
0x49: {  	_ =	shalt  }
0x4a: {  	_ =	shalt  }
0x4b: {  	_ =	shalt  }
0x4c: {  	_ =	shalt  }
0x4d: {  	_ =	shalt  }
0x4e: {  	_ =	shalt  }
0x4f: {  	_ =	shalt  }
0x50: {  	_ =	shalt  }
0x51: {  	_ =	shalt  }
0x52: {  	_ =	shalt  }
0x53: {  	_ =	shalt  }
0x54: {  	_ =	shalt  }
0x55: {  	_ =	shalt  }
0x56: {  	_ =	shalt  }
0x57: {  	_ =	shalt  }
0x58: {  	_ =	shalt  }
0x59: {  	_ =	shalt  }
0x5a: {  	_ =	shalt  }
0x5b: {  	_ =	shalt  }
0x5c: {  	_ =	shalt  }
0x5d: {  	_ =	shalt  }
0x5e: {  	_ =	shalt  }
0x5f: {  	_ =	shalt  }
0x60: {  	_ =	shalt  }
0x61: {  	_ =	shalt  }
0x62: {  	_ =	shalt  }
0x63: {  	_ =	shalt  }
0x64: {  	_ =	shalt  }
0x65: {  	_ =	shalt  }
0x66: {  	_ =	shalt  }
0x67: {  	_ =	shalt  }
0x68: {  	_ =	shalt  }
0x69: {  	_ =	shalt  }
0x6a: {  	_ =	shalt  }
0x6b: {  	_ =	shalt  }
0x6c: {  	_ =	shalt  }
0x6d: {  	_ =	shalt  }
0x6e: {  	_ =	shalt  }
0x6f: {  	_ =	shalt  }
0x70: {  	_ =	shalt  }
0x71: {  	_ =	shalt  }
0x72: {  	_ =	shalt  }
0x73: {  	_ =	shalt  }
0x74: {  	_ =	shalt  }
0x75: {  	_ =	shalt  }
0x76: {  	_ =	shalt  }
0x77: {  	_ =	shalt  }
0x78: {  	_ =	shalt  }
0x79: {  	_ =	shalt  }
0x7a: {  	_ =	shalt  }
0x7b: {  	_ =	shalt  }
0x7c: {  	_ =	shalt  }
0x7d: {  	_ =	shalt  }
0x7e: {  	_ =	shalt  }
0x7f: {  	_ =	shalt  }
0x80: {  	_ =	shalt  }
0x81: {  	_ =	shalt  }
0x82: {  	_ =	shalt  }
0x83: {  	_ =	shalt  }
0x84: {  	_ =	shalt  }
0x85: {  	_ =	shalt  }
0x86: {  	_ =	shalt  }
0x87: {  	_ =	shalt  }
.Lfunc_end0:
.L_simem_size_0:
called_computation_lowered:
.L_overlay_start_0:
0x88: {  	s2 =	sld [smem:$0x3FD9]  }
0x89: {  	s3 =	sld [smem:$0x3FFE];
	_ =	sdelay $0x1  }
0x8a: {  	s1 =	srdreg.scid  }
0x8b: {  	s0 =	sand.u32 $0x1, s1  }
0x8c: {  	s17 =	sshll.u32 s0, $0xA;
	s2 =	sadd.s32 s3, s2  }
0x8d: {  	s2 =	sadd.s32 s2, s17  }
0x8e: {  	[smem:$0x3FC6] =	sst s2  }
0x8f: {  	_ = 	snop  }
0x90: {  	s2 =	sld [smem:$0x3FD0];
	(tm) =	ssettm $0x1  }
0x91: {  	s18 =	sld [smem:$0x3FFB];
	_ =	sdelay $0x3  }
0x92: {  	_ =	strace s18  }
0x93: {  	s3 =	sld [smem:$0x3FFC];
	_ =	sdelay $0x3  }
0x94: {  	_ =	strace s3  }
0x95: {  	s3 =	sld [smem:$0x3FFD];
	_ =	sdelay $0x3  }
0x96: {  	_ =	strace s3  }
0x97: {  	_ =	strace $0x8FFFFFFF  }
0x98: {  	s19 =	sld [smem:$0x3FDB];
	_ =	sdelay $0x1  }
0x99: {  	s4 =	simm.s32 $_scs_section_size  }
0x9a: {  	s5 =	simm.s32 $_size__tile_overlayer_lowered;
	s6 =	simm.s32 $_tile_overlayer_lowered  }
0x9b: {  	s22 =	simm.s32 $0x1BFF;
	s21 =	sshll.u32 s6, $0x1;
	s3 =	sadd.s32 s4, s19  }
0x9c: {  	s7 =	simm.s32 $0x0;
	s20 =	sshll.u32 s5, $0x1;
	s5 =	sadd.s32 s21, s3  }
0x9d: {  	[timem:s7], [sflag:s22] =	dma.local [hbm:s5], s20  }
0x9e: {  	_ =	swait.ge [sflag:s22], s20  }
0x9f: {  	s4 =	ssub.s32 $0x0, s20;
	[sflag:s22] =	ssyncset.done $0x0  }
0xa0: {  	[sflag:s22] =	ssyncadd.s32 s4;
	_ =	sdelay $0x1  }
0xa1: {  	s23 =	simm.s32 $0x1B8B  }
0xa2: {  	_ =	swait.ge [sflag:s23], $0x1  }
0xa3: {  	[sflag:s23] =	ssyncset.done $0x0  }
0xa4: {  	s25 =	simm.s32 $0x1B8E;
	s24 =	sld [smem:$0x3FFE];
	[sflag:s23] =	ssyncadd.s32 $0xFFFFFFFF  }
0xa5: {  	s26 =	simm.s32 $execute0_lowered;
	[smem:$0x3FD2] =	sst s25  }
0xa6: {  	s5 =	sshll.u32 s26, $0x1;
	_ =	strace $0x80000046;
	[dreg:$0x1] =	wrdreg $0xFFFFFFFF  }
0xa7: {  	s28 =	simm.s32 $_size_execute0_lowered;
	s3 =	sadd.s32 s3, s5;
	[dreg:$0x0] =	wrdreg $0x0  }
0xa8: {  	s5 =	sshll.u32 s28, $0x1;
	[dreg:$0x2] =	wrdreg s3  }
0xa9: {  	[dreg:$0x3] =	wrdreg s5  }
0xaa: {  	[dreg:$0x4] =	wrdreg $0xC0  }
0xab: {  	_ =	task [dreg:s7], $0x5FFFF  }
0xac: {  	[dreg:$0x1] =	wrdreg $0xFFFFFFFF  }
0xad: {  	[dreg:$0x0] =	wrdreg $0x60  }
0xae: {  	[dreg:$0x2] =	wrdreg s24  }
0xaf: {  	[dreg:$0x3] =	wrdreg s2  }
0xb0: {  	[dreg:$0x4] =	wrdreg $0x9  }
0xb1: {  	_ =	task.clear_ibuf [dreg:s7], $0x5FFFF;
	_ =	strace $0x90000046  }
0xb2: {  	s29 =	simm.s32 $0x9;
	_ =	strace $0x80000048  }
0xb3: {  	_ =	swait.ge [sflag:s29], $0x1  }
0xb4: {  	[sflag:s29] =	ssyncadd.s32 $0xFFFFFFFF  }
0xb5: {  	_ =	strace $0x90000048  }
0xb6: {  	_ =	sfence  }
0xb7: {  	s30 =	sld [smem:$0x0];
	_ =	sdelay $0x2  }
0xb8: {  	s31 =	sshll.u32 s1, $0xD;
	s1 =	sshrl.u32 s1, $0x2  }
0xb9: {  	s3 =	sand.u32 $0x4000, s31;
	s1 =	sadd.s32 s1, s30  }
0xba: {  	s0 =	sor.u32 s3, s0;
	s1 =	sshll.u32 s1, $0x11  }
0xbb: {  	s0 =	sor.u32 s1, s0  }
0xbc: {  	s0 =	sadd.s32 $0x8F2B, s0  }
0xbd: {  	[sflag:s0] =	ssyncadd.remote.s32 $0x1  }
0xbe: {  	_ =	sfence.sel $0xFFFF  }
0xbf: {  	[dreg:$0x0] =	wrdreg $0xFFFFFFFF;
	(pc) =	sbr.abs _section_cstart, $3  }
0xc0: {  	[dreg:$0x1] =	wrdreg $0xFFFFFFFF  }
0xc1: {  	_ =	task.clear_ibuf [dreg:s7], $0x2FFFF;
	_ =	strace $0x9FFFFFFF  }
0xc2: {  	(tm) =	ssettm $0x7FFFFFFF  }
0xc3: {  	_ =	shalt  }
tec
execute0_lowered:
.L_overlay_start_1:
0x0: {  	(tag) =	ssettag $0x1  }
0x1: {  	v0 =	vlaneseq.u32  }
0x2: {  	v0 =	vmul.u32 $0x80, v0;
	_ =	sdelay $0x1  }
0x3: {  	s0 =	rddreg [dreg:$0x0];
	v1 =	vor.u32 $0x800, v0  }
0x4: {  	s1 =	srdreg.scid;
	s3 =	stileid.u32;
	v2 =	vor.u32 $0x1000, v0;
	v3 =	vor.u32 $0x1800, v0;
	v4 =	vor.u32 $0x1, v0  }
0x5: {  	s2 =	rddreg [dreg:$0x1];
	s4 =	simm.s32 $0x0;
	s15 =	simm.s32 $0x1;
	v5 =	vor.u32 $0x801, v0;
	v6 =	vor.u32 $0x1001, v0;
	v7 =	vor.u32 $0x1801, v0  }
0x6: {  	s16 =	simm.s32 $0x8B00;
	s1 =	sand.u32 $0x1, s1;
	s3 =	sshll.u32 s3, $0x1;
	v8 =	vor.u32 $0x2, v0;
	v9 =	vor.u32 $0x802, v0;
	v10 =	vor.u32 $0x1002, v0  }
0x7: {  	s17 =	simm.s32 $0x400;
	s18 =	simm.s32 $0x2000;
	s3 =	sor.u32 s1, s3;
	v11 =	vor.u32 $0x1802, v0;
	v12 =	vor.u32 $0x3, v0;
	v13 =	vor.u32 $0x803, v0  }
0x8: {  	[smem:$0x7FF] =	sst s4;
	s4 =	sadd.s32 $0xF42A00, s0;
	s5 =	smul.u32 $0x320, s3;
	v14 =	vor.u32 $0x1003, v0;
	v15 =	vor.u32 $0x1803, v0;
	v16 =	vor.u32 $0x4, v0  }
0x9: {  	s19 =	simm.s32 $0x2;
	s1 =	ssub.s32 $0x2, s1;
	_ =	strace $0x80000047;
	v17 =	vor.u32 $0x804, v0;
	v18 =	vor.u32 $0x1004, v0;
	v19 =	vor.u32 $0x1804, v0  }
0xa: {  	s6 =	sshrl.u32 s1, $0x1;
	v20 =	vor.u32 $0x5, v0;
	v21 =	vor.u32 $0x805, v0;
	v22 =	vor.u32 $0x1005, v0;
	s5 =	sadd.s32 s5, s0;
	s0 =	sadd.s32 $0x6A00, s0  }
0xb: {  	v23 =	vor.u32 $0x1805, v0;
	v24 =	vor.u32 $0x6, v0;
	v25 =	vor.u32 $0x806, v0;
	s30 =	ssub.s32 s1, s6;
	[dreg:$0x3] =	wrdreg s0;
	s31 =	sadd.s32 $0x600, s5  }
0xc: {  	s20 =	simm.s32 $0xAB00;
	v26 =	vor.u32 $0x1006, v0;
	v27 =	vor.u32 $0x1806, v0;
	v28 =	vor.u32 $0x7, v0;
	s0 =	smax.u32 s30, $0x1;
	[dreg:$0x4] =	wrdreg s31  }
0xd: {  	s7 =	smul.u32 $0x32, s3;
	v29 =	vor.u32 $0x807, v0;
	v30 =	vor.u32 $0x1007, v0;
	v31 =	vor.u32 $0x1807, v0;
	s3 =	simm.s32 $0x0;
	[dreg:$0x5] =	wrdreg s0  }
.LBB2_1:
0xe: {  	[dreg:$0x6] =	wrdreg s3  }
0xf: {  	s0 =	simm.s32 $0x0;
	s1 =	rddreg [dreg:$0x3];
	s25 =	simm.s32 $0x5  }
0x10: {  	[tilespmem:s0], [sflag:$0x5] =	stream.linear.gather [hbm4b:s1+s0], $0x3200, $0x38;
	[tilespmem:$0xCB00] =	vst v63  }
0x11: {  	_ =	swait.ge [sflag:s25], $0x3200  }
0x12: {  	[sflag:s25] =	ssyncset.done $0x0  }
0x13: {  	s5 =	simm.s32 $0x3200;
	s26 =	rddreg [dreg:$0x4];
	[sflag:s25] =	ssyncadd.s32 $0xFFFFCE00  }
0x14: {  	[tilespmem:s5], [sflag:$0x5] =	stream.linear.gather [hbm4b:s26+s0], $0x1900, $0x38;
	[tilespmem:$0xCB00] =	vst v63  }
0x15: {  	_ =	swait.ge [sflag:s25], $0x1900  }
0x16: {  	[sflag:s25] =	ssyncset.done $0x0  }
0x17: {  	s28 =	simm.s32 $0x80;
	s29 =	simm.s32 $0x4B00;
	[sflag:s25] =	ssyncadd.s32 $0xFFFFE700  }
0x18: {  	[tilespmem:s29], [sflag:$0x1] =	stream.indirect.gather [hbm4b:s4+s28], $0x40, s5, s28, $0xb8;
	[tilespmem:$0xCB00] =	vst v63  }
0x19: {  	s30 =	simm.s32 $0x3280;
	s31 =	simm.s32 $0x6B00;
	s24 =	simm.s32 $0x0  }
0x1a: {  	[tilespmem:s31], [sflag:$0x2] =	stream.indirect.gather [hbm4b:s4+s28], $0x40, s30, s28, $0xb8;
	[tilespmem:$0xCB00] =	vst v63  }
.LBB2_2:
0x1b: {  	_ =	swait.ge [sflag:s15], $0x2000  }
0x1c: {  	s25 =	sshll.u32 s24, $0x1;
	p0 =	seq.s32 s24, $0x0;
	[sflag:s15] =	ssyncset.done $0x0  }
0x1d: {  	s28 =	sadd.s32 s7, s25;
	s0 =	simm.s32 @!p0 $0x3;
	[sflag:s15] =	ssyncadd.s32 $0xFFFFE000  }
0x1e: {  	s29 =	sshrl.u32 s28, $0x3;
	_ =	swait.ge @!p0 [sflag:s0], $0x2000  }
0x1f: {  	s1 =	sshll.u32 s29, $0x6;
	[sflag:s0] =	ssyncset.done @!p0 $0x0  }
0x20: {  	s26 =	sand.u32 $0x3FFFFFC0, s1;
	[sflag:s0] =	ssyncadd.s32 @!p0 $0xFFFFE000  }
0x21: {  	s12 =	simm.s32 $0x4D00;
	v35 =	vld [tilespmem:s26+$0x0]  }
0x22: {  	v36 =	vld [tilespmem:s12+$0xFFFFFE00]  }
0x23: {  	s8 =	simm.s32 $0x0  }
0x24: {  	v37 =	vor.u32 s8, v0;
	_ =	sdelay $0x1  }
0x25: {  	v34 =	vld [tilespmem:s26+$0x10]  }
0x26: {  	v33 =	vld [tilespmem:s26+$0x20];
	v36 =	vadd.f32 v36, v35  }
0x27: {  	v38 =	vld [tilespmem:s12+$0x0]  }
0x28: {  	s13 =	simm.s32 $0x8;
	v32 =	vld [tilespmem:s26+$0x30];
	[tilespmem:v37+s16+$0x0] =	vst.idx.msk $0xffff, v36  }
0x29: {  	v58 =	vor.u32 s13, v0;
	v37 =	vld [tilespmem:s12+$0xFFFFFE10];
	_ =	sdelay $0x1  }
0x2a: {  	v39 =	vor.u32 s8, v1  }
0x2b: {  	v38 =	vadd.f32 v38, v35;
	_ =	sdelay $0x1  }
0x2c: {  	[tilespmem:v58+s16+$0x0] =	vst.idx.msk $0xffff, v38;
	v59 =	vadd.f32 v37, v34  }
0x2d: {  	v60 =	vld [tilespmem:s12+$0x10]  }
0x2e: {  	[tilespmem:v39+s16+$0x0] =	vst.idx.msk $0xffff, v59  }
0x2f: {  	v61 =	vor.u32 s13, v1;
	v62 =	vld [tilespmem:s12+$0xFFFFFE20];
	_ =	sdelay $0x1  }
0x30: {  	v63 =	vor.u32 s8, v2  }
0x31: {  	v37 =	vadd.f32 v60, v34;
	_ =	sdelay $0x1  }
0x32: {  	[tilespmem:v61+s16+$0x0] =	vst.idx.msk $0xffff, v37;
	v41 =	vadd.f32 v62, v33  }
0x33: {  	v37 =	vld [tilespmem:s12+$0x20]  }
0x34: {  	[tilespmem:v63+s16+$0x0] =	vst.idx.msk $0xffff, v41  }
0x35: {  	v42 =	vor.u32 s13, v2;
	v43 =	vld [tilespmem:s12+$0xFFFFFE30];
	_ =	sdelay $0x1  }
0x36: {  	v44 =	vor.u32 s8, v3  }
0x37: {  	v37 =	vadd.f32 v37, v33;
	_ =	sdelay $0x1  }
0x38: {  	[tilespmem:v42+s16+$0x0] =	vst.idx.msk $0xffff, v37;
	v45 =	vadd.f32 v43, v32  }
0x39: {  	v37 =	vld [tilespmem:s12+$0x30]  }
0x3a: {  	[tilespmem:v44+s16+$0x0] =	vst.idx.msk $0xffff, v45  }
0x3b: {  	v46 =	vor.u32 s13, v3;
	v47 =	vld [tilespmem:s12+$0xFFFFFE40];
	_ =	sdelay $0x1  }
0x3c: {  	v48 =	vor.u32 s8, v4  }
0x3d: {  	v37 =	vadd.f32 v37, v32;
	_ =	sdelay $0x1  }
0x3e: {  	[tilespmem:v46+s16+$0x0] =	vst.idx.msk $0xffff, v37;
	v49 =	vadd.f32 v47, v35  }
0x3f: {  	v37 =	vld [tilespmem:s12+$0x40]  }
0x40: {  	[tilespmem:v48+s16+$0x0] =	vst.idx.msk $0xffff, v49  }
0x41: {  	v50 =	vor.u32 s13, v4;
	v51 =	vld [tilespmem:s12+$0xFFFFFE50];
	_ =	sdelay $0x1  }
0x42: {  	v52 =	vor.u32 s8, v5  }
0x43: {  	v37 =	vadd.f32 v37, v35;
	_ =	sdelay $0x1  }
0x44: {  	[tilespmem:v50+s16+$0x0] =	vst.idx.msk $0xffff, v37;
	v53 =	vadd.f32 v51, v34  }
0x45: {  	v37 =	vld [tilespmem:s12+$0x50]  }
0x46: {  	[tilespmem:v52+s16+$0x0] =	vst.idx.msk $0xffff, v53  }
0x47: {  	v54 =	vor.u32 s13, v5;
	v55 =	vld [tilespmem:s12+$0xFFFFFE60];
	_ =	sdelay $0x1  }
0x48: {  	v56 =	vor.u32 s8, v6  }
0x49: {  	v37 =	vadd.f32 v37, v34;
	_ =	sdelay $0x1  }
0x4a: {  	[tilespmem:v54+s16+$0x0] =	vst.idx.msk $0xffff, v37;
	v57 =	vadd.f32 v55, v33  }
0x4b: {  	v37 =	vld [tilespmem:s12+$0x60]  }
0x4c: {  	[tilespmem:v56+s16+$0x0] =	vst.idx.msk $0xffff, v57  }
0x4d: {  	v58 =	vor.u32 s13, v6;
	v59 =	vld [tilespmem:s12+$0xFFFFFE70];
	_ =	sdelay $0x1  }
0x4e: {  	s26 =	simm.s32 $0x5100;
	v60 =	vor.u32 s8, v7  }
0x4f: {  	v40 =	vld [tilespmem:s26+$0x0];
	v37 =	vadd.f32 v37, v33  }
0x50: {  	s14 =	simm.s32 $0x18  }
0x51: {  	v61 =	vor.u32 s14, v0;
	[tilespmem:v58+s16+$0x0] =	vst.idx.msk $0xffff, v37;
	v62 =	vadd.f32 v59, v32  }
0x52: {  	v63 =	vld [tilespmem:s12+$0x70]  }
0x53: {  	v41 =	vld [tilespmem:s26+$0xFFFFFE00];
	[tilespmem:v60+s16+$0x0] =	vst.idx.msk $0xffff, v62  }
0x54: {  	s30 =	simm.s32 $0x10;
	v45 =	vor.u32 s13, v7;
	v46 =	vadd.f32 v40, v35;
	v47 =	vld [tilespmem:s12+$0xFFFFFE80]  }
0x55: {  	v42 =	vor.u32 s30, v0  }
0x56: {  	[tilespmem:v61+s16+$0x0] =	vst.idx.msk $0xffff, v46;
	v48 =	vor.u32 s8, v8  }
0x57: {  	v39 =	vld [tilespmem:s26+$0x10];
	v38 =	vadd.f32 v63, v32  }
0x58: {  	v41 =	vadd.f32 v41, v35  }
0x59: {  	v49 =	vor.u32 s14, v1;
	[tilespmem:v45+s16+$0x0] =	vst.idx.msk $0xffff, v38;
	v50 =	vadd.f32 v47, v35  }
0x5a: {  	[tilespmem:v42+s16+$0x0] =	vst.idx.msk $0xffff, v41;
	v51 =	vld [tilespmem:s12+$0x80]  }
0x5b: {  	v41 =	vld [tilespmem:s26+$0xFFFFFE10];
	[tilespmem:v48+s16+$0x0] =	vst.idx.msk $0xffff, v50  }
0x5c: {  	v52 =	vor.u32 s13, v8;
	v53 =	vadd.f32 v39, v34;
	v54 =	vld [tilespmem:s12+$0xFFFFFE90]  }
0x5d: {  	v55 =	vor.u32 s30, v1  }
0x5e: {  	[tilespmem:v49+s16+$0x0] =	vst.idx.msk $0xffff, v53;
	v56 =	vor.u32 s8, v9  }
0x5f: {  	v58 =	vld [tilespmem:s26+$0x20];
	v57 =	vadd.f32 v51, v35  }
0x60: {  	v41 =	vadd.f32 v41, v34  }
0x61: {  	v59 =	vor.u32 s14, v2;
	[tilespmem:v52+s16+$0x0] =	vst.idx.msk $0xffff, v57;
	v60 =	vadd.f32 v54, v34  }
0x62: {  	[tilespmem:v55+s16+$0x0] =	vst.idx.msk $0xffff, v41;
	v61 =	vld [tilespmem:s12+$0x90]  }
0x63: {  	v41 =	vld [tilespmem:s26+$0xFFFFFE20];
	[tilespmem:v56+s16+$0x0] =	vst.idx.msk $0xffff, v60  }
0x64: {  	v63 =	vadd.f32 v58, v33;
	v62 =	vor.u32 s13, v9;
	v45 =	vld [tilespmem:s12+$0xFFFFFEA0]  }
0x65: {  	v46 =	vor.u32 s30, v2  }
0x66: {  	[tilespmem:v59+s16+$0x0] =	vst.idx.msk $0xffff, v63;
	v47 =	vor.u32 s8, v10  }
0x67: {  	v49 =	vld [tilespmem:s26+$0x30];
	v48 =	vadd.f32 v61, v34  }
0x68: {  	v41 =	vadd.f32 v41, v33  }
0x69: {  	v50 =	vor.u32 s14, v3;
	[tilespmem:v62+s16+$0x0] =	vst.idx.msk $0xffff, v48;
	v51 =	vadd.f32 v45, v33  }
0x6a: {  	[tilespmem:v46+s16+$0x0] =	vst.idx.msk $0xffff, v41;
	v52 =	vld [tilespmem:s12+$0xA0]  }
0x6b: {  	v41 =	vld [tilespmem:s26+$0xFFFFFE30];
	[tilespmem:v47+s16+$0x0] =	vst.idx.msk $0xffff, v51  }
0x6c: {  	v53 =	vor.u32 s13, v10;
	v54 =	vadd.f32 v49, v32;
	v55 =	vld [tilespmem:s12+$0xFFFFFEB0]  }
0x6d: {  	v56 =	vor.u32 s30, v3  }
0x6e: {  	v57 =	vor.u32 s8, v11;
	[tilespmem:v50+s16+$0x0] =	vst.idx.msk $0xffff, v54  }
0x6f: {  	v59 =	vld [tilespmem:s26+$0x40];
	v58 =	vadd.f32 v52, v33  }
0x70: {  	v41 =	vadd.f32 v41, v32  }
0x71: {  	v60 =	vor.u32 s14, v4;
	[tilespmem:v53+s16+$0x0] =	vst.idx.msk $0xffff, v58;
	v61 =	vadd.f32 v55, v32  }
0x72: {  	[tilespmem:v56+s16+$0x0] =	vst.idx.msk $0xffff, v41;
	v62 =	vld [tilespmem:s12+$0xB0]  }
0x73: {  	v41 =	vld [tilespmem:s26+$0xFFFFFE40];
	[tilespmem:v57+s16+$0x0] =	vst.idx.msk $0xffff, v61  }
0x74: {  	v63 =	vor.u32 s13, v11;
	v45 =	vadd.f32 v59, v35;
	v46 =	vld [tilespmem:s12+$0xFFFFFEC0]  }
0x75: {  	v47 =	vor.u32 s30, v4  }
0x76: {  	v48 =	vor.u32 s8, v12;
	[tilespmem:v60+s16+$0x0] =	vst.idx.msk $0xffff, v45  }
0x77: {  	v50 =	vld [tilespmem:s26+$0x50];
	v49 =	vadd.f32 v62, v32  }
0x78: {  	v41 =	vadd.f32 v41, v35  }
0x79: {  	v51 =	vor.u32 s14, v5;
	[tilespmem:v63+s16+$0x0] =	vst.idx.msk $0xffff, v49;
	v52 =	vadd.f32 v46, v35  }
0x7a: {  	[tilespmem:v47+s16+$0x0] =	vst.idx.msk $0xffff, v41;
	v53 =	vld [tilespmem:s12+$0xC0]  }
0x7b: {  	v41 =	vld [tilespmem:s26+$0xFFFFFE50];
	[tilespmem:v48+s16+$0x0] =	vst.idx.msk $0xffff, v52  }
0x7c: {  	v54 =	vor.u32 s13, v12;
	v55 =	vadd.f32 v50, v34;
	v56 =	vld [tilespmem:s12+$0xFFFFFED0]  }
0x7d: {  	v57 =	vor.u32 s30, v5  }
0x7e: {  	v58 =	vor.u32 s8, v13;
	[tilespmem:v51+s16+$0x0] =	vst.idx.msk $0xffff, v55  }
0x7f: {  	v60 =	vld [tilespmem:s26+$0x60];
	v59 =	vadd.f32 v53, v35  }
0x80: {  	v41 =	vadd.f32 v41, v34  }
0x81: {  	v61 =	vor.u32 s14, v6;
	[tilespmem:v54+s16+$0x0] =	vst.idx.msk $0xffff, v59;
	v62 =	vadd.f32 v56, v34  }
0x82: {  	[tilespmem:v57+s16+$0x0] =	vst.idx.msk $0xffff, v41;
	v63 =	vld [tilespmem:s12+$0xD0]  }
0x83: {  	v41 =	vld [tilespmem:s26+$0xFFFFFE60];
	[tilespmem:v58+s16+$0x0] =	vst.idx.msk $0xffff, v62  }
0x84: {  	v45 =	vor.u32 s13, v13;
	v46 =	vadd.f32 v60, v33;
	v47 =	vld [tilespmem:s12+$0xFFFFFEE0]  }
0x85: {  	v48 =	vor.u32 s30, v6  }
0x86: {  	v49 =	vor.u32 s8, v14;
	[tilespmem:v61+s16+$0x0] =	vst.idx.msk $0xffff, v46  }
0x87: {  	v51 =	vld [tilespmem:s26+$0x70];
	v50 =	vadd.f32 v63, v34  }
0x88: {  	v41 =	vadd.f32 v41, v33  }
0x89: {  	v52 =	vor.u32 s14, v7;
	[tilespmem:v45+s16+$0x0] =	vst.idx.msk $0xffff, v50;
	v53 =	vadd.f32 v47, v33  }
0x8a: {  	[tilespmem:v48+s16+$0x0] =	vst.idx.msk $0xffff, v41;
	v54 =	vld [tilespmem:s12+$0xE0]  }
0x8b: {  	v41 =	vld [tilespmem:s26+$0xFFFFFE70];
	[tilespmem:v49+s16+$0x0] =	vst.idx.msk $0xffff, v53  }
0x8c: {  	v55 =	vor.u32 s13, v14;
	v56 =	vadd.f32 v51, v32;
	v57 =	vld [tilespmem:s12+$0xFFFFFEF0]  }
0x8d: {  	s0 =	simm.s32 $0x5500;
	v58 =	vor.u32 s30, v7  }
0x8e: {  	v43 =	vld [tilespmem:s0+$0x0];
	v59 =	vor.u32 s8, v15;
	[tilespmem:v52+s16+$0x0] =	vst.idx.msk $0xffff, v56  }
0x8f: {  	s1 =	simm.s32 $0x28;
	v61 =	vld [tilespmem:s26+$0x80];
	v60 =	vadd.f32 v54, v33  }
0x90: {  	v44 =	vor.u32 s1, v0;
	v41 =	vadd.f32 v41, v32  }
0x91: {  	v48 =	vor.u32 s14, v8;
	v62 =	vld [tilespmem:s0+$0xFFFFFE00];
	[tilespmem:v55+s16+$0x0] =	vst.idx.msk $0xffff, v60;
	v63 =	vadd.f32 v57, v32  }
0x92: {  	s31 =	simm.s32 $0x20;
	[tilespmem:v58+s16+$0x0] =	vst.idx.msk $0xffff, v41;
	v45 =	vld [tilespmem:s12+$0xF0]  }
0x93: {  	v50 =	vadd.f32 v43, v35;
	v51 =	vld [tilespmem:s26+$0xFFFFFE80];
	v49 =	vor.u32 s31, v0;
	[tilespmem:v59+s16+$0x0] =	vst.idx.msk $0xffff, v63  }
0x94: {  	v52 =	vor.u32 s13, v15;
	v40 =	vadd.f32 v61, v35;
	v38 =	vld [tilespmem:s12+$0xFFFFFF00]  }
0x95: {  	[tilespmem:v44+s16+$0x0] =	vst.idx.msk $0xffff, v50;
	v53 =	vor.u32 s30, v8  }
0x96: {  	v46 =	vor.u32 s8, v16;
	v44 =	vld [tilespmem:s0+$0x10];
	v36 =	vadd.f32 v62, v35;
	[tilespmem:v48+s16+$0x0] =	vst.idx.msk $0xffff, v40  }
0x97: {  	v40 =	vld [tilespmem:s26+$0x90];
	v54 =	vadd.f32 v45, v32  }
0x98: {  	v55 =	vor.u32 s1, v1;
	v43 =	vadd.f32 v51, v35;
	[tilespmem:v49+s16+$0x0] =	vst.idx.msk $0xffff, v36  }
0x99: {  	v58 =	vor.u32 s14, v9;
	v57 =	vld [tilespmem:s0+$0xFFFFFE10];
	[tilespmem:v52+s16+$0x0] =	vst.idx.msk $0xffff, v54;
	v56 =	vadd.f32 v38, v35  }
0x9a: {  	[tilespmem:v53+s16+$0x0] =	vst.idx.msk $0xffff, v43;
	v39 =	vld [tilespmem:s12+$0x100]  }
0x9b: {  	v60 =	vadd.f32 v44, v34;
	v43 =	vld [tilespmem:s26+$0xFFFFFE90];
	v59 =	vor.u32 s31, v1;
	[tilespmem:v46+s16+$0x0] =	vst.idx.msk $0xffff, v56  }
0x9c: {  	v61 =	vor.u32 s13, v16;
	v40 =	vadd.f32 v40, v34;
	v62 =	vld [tilespmem:s12+$0xFFFFFF10]  }
0x9d: {  	[tilespmem:v55+s16+$0x0] =	vst.idx.msk $0xffff, v60;
	v63 =	vor.u32 s30, v9  }
0x9e: {  	v48 =	vor.u32 s8, v17;
	v45 =	vld [tilespmem:s0+$0x20];
	[tilespmem:v58+s16+$0x0] =	vst.idx.msk $0xffff, v40;
	v37 =	vadd.f32 v57, v34  }
0x9f: {  	v50 =	vld [tilespmem:s26+$0xA0];
	v49 =	vadd.f32 v39, v35  }
0xa0: {  	v51 =	vor.u32 s1, v2;
	v43 =	vadd.f32 v43, v34;
	[tilespmem:v59+s16+$0x0] =	vst.idx.msk $0xffff, v37  }
0xa1: {  	v53 =	vor.u32 s14, v10;
	v37 =	vld [tilespmem:s0+$0xFFFFFE20];
	[tilespmem:v61+s16+$0x0] =	vst.idx.msk $0xffff, v49;
	v52 =	vadd.f32 v62, v34  }
0xa2: {  	[tilespmem:v63+s16+$0x0] =	vst.idx.msk $0xffff, v43;
	v54 =	vld [tilespmem:s12+$0x110]  }
0xa3: {  	v55 =	vor.u32 s31, v2;
	v57 =	vld [tilespmem:s26+$0xFFFFFEA0];
	v56 =	vadd.f32 v45, v33;
	[tilespmem:v48+s16+$0x0] =	vst.idx.msk $0xffff, v52  }
0xa4: {  	v58 =	vor.u32 s13, v17;
	v39 =	vadd.f32 v50, v33;
	v59 =	vld [tilespmem:s12+$0xFFFFFF20]  }
0xa5: {  	v60 =	vor.u32 s30, v10;
	[tilespmem:v51+s16+$0x0] =	vst.idx.msk $0xffff, v56  }
0xa6: {  	v61 =	vor.u32 s8, v18;
	[tilespmem:v53+s16+$0x0] =	vst.idx.msk $0xffff, v39;
	v43 =	vld [tilespmem:s0+$0x30];
	v37 =	vadd.f32 v37, v33  }
0xa7: {  	v39 =	vld [tilespmem:s26+$0xB0];
	v62 =	vadd.f32 v54, v34  }
0xa8: {  	v63 =	vor.u32 s1, v3;
	v44 =	vadd.f32 v57, v33;
	[tilespmem:v55+s16+$0x0] =	vst.idx.msk $0xffff, v37  }
0xa9: {  	v37 =	vld [tilespmem:s0+$0xFFFFFE30];
	[tilespmem:v58+s16+$0x0] =	vst.idx.msk $0xffff, v62;
	v48 =	vor.u32 s14, v11;
	v47 =	vadd.f32 v59, v33  }
0xaa: {  	[tilespmem:v60+s16+$0x0] =	vst.idx.msk $0xffff, v44;
	v49 =	vld [tilespmem:s12+$0x120]  }
0xab: {  	v51 =	vld [tilespmem:s26+$0xFFFFFEB0];
	v50 =	vadd.f32 v43, v32;
	v52 =	vor.u32 s31, v3;
	[tilespmem:v61+s16+$0x0] =	vst.idx.msk $0xffff, v47  }
0xac: {  	v53 =	vor.u32 s13, v18;
	v39 =	vadd.f32 v39, v32;
	v54 =	vld [tilespmem:s12+$0xFFFFFF30]  }
0xad: {  	v55 =	vor.u32 s30, v11;
	[tilespmem:v63+s16+$0x0] =	vst.idx.msk $0xffff, v50  }
0xae: {  	v56 =	vor.u32 s8, v19;
	v41 =	vld [tilespmem:s0+$0x40];
	v37 =	vadd.f32 v37, v32;
	[tilespmem:v48+s16+$0x0] =	vst.idx.msk $0xffff, v39  }
0xaf: {  	v57 =	vadd.f32 v49, v33;
	v39 =	vld [tilespmem:s26+$0xC0]  }
0xb0: {  	v58 =	vor.u32 s1, v4;
	v43 =	vadd.f32 v51, v32;
	[tilespmem:v52+s16+$0x0] =	vst.idx.msk $0xffff, v37  }
0xb1: {  	v60 =	vor.u32 s14, v12;
	v37 =	vld [tilespmem:s0+$0xFFFFFE40];
	[tilespmem:v53+s16+$0x0] =	vst.idx.msk $0xffff, v57;
	v59 =	vadd.f32 v54, v32  }
0xb2: {  	[tilespmem:v55+s16+$0x0] =	vst.idx.msk $0xffff, v43;
	v44 =	vld [tilespmem:s12+$0x130]  }
0xb3: {  	v63 =	vor.u32 s31, v4;
	v62 =	vld [tilespmem:s26+$0xFFFFFEC0];
	v61 =	vadd.f32 v41, v35;
	[tilespmem:v56+s16+$0x0] =	vst.idx.msk $0xffff, v59  }
0xb4: {  	v48 =	vor.u32 s13, v19;
	v39 =	vadd.f32 v39, v35;
	v49 =	vld [tilespmem:s12+$0xFFFFFF40]  }
0xb5: {  	v50 =	vor.u32 s30, v12;
	[tilespmem:v58+s16+$0x0] =	vst.idx.msk $0xffff, v61  }
0xb6: {  	v51 =	vor.u32 s8, v20;
	v42 =	vld [tilespmem:s0+$0x50];
	v37 =	vadd.f32 v37, v35;
	[tilespmem:v60+s16+$0x0] =	vst.idx.msk $0xffff, v39  }
0xb7: {  	v52 =	vadd.f32 v44, v32;
	v39 =	vld [tilespmem:s26+$0xD0]  }
0xb8: {  	v53 =	vor.u32 s1, v5;
	v41 =	vadd.f32 v62, v35;
	[tilespmem:v63+s16+$0x0] =	vst.idx.msk $0xffff, v37  }
0xb9: {  	v55 =	vor.u32 s14, v13;
	v37 =	vld [tilespmem:s0+$0xFFFFFE50];
	[tilespmem:v48+s16+$0x0] =	vst.idx.msk $0xffff, v52;
	v54 =	vadd.f32 v49, v35  }
0xba: {  	[tilespmem:v50+s16+$0x0] =	vst.idx.msk $0xffff, v41;
	v43 =	vld [tilespmem:s12+$0x140]  }
0xbb: {  	v57 =	vor.u32 s31, v5;
	v41 =	vld [tilespmem:s26+$0xFFFFFED0];
	v56 =	vadd.f32 v42, v34;
	[tilespmem:v51+s16+$0x0] =	vst.idx.msk $0xffff, v54  }
0xbc: {  	v58 =	vor.u32 s13, v20;
	v39 =	vadd.f32 v39, v34;
	v59 =	vld [tilespmem:s12+$0xFFFFFF50]  }
0xbd: {  	v60 =	vor.u32 s30, v13;
	[tilespmem:v53+s16+$0x0] =	vst.idx.msk $0xffff, v56  }
0xbe: {  	v61 =	vor.u32 s8, v21;
	v44 =	vld [tilespmem:s0+$0x60];
	v37 =	vadd.f32 v37, v34;
	[tilespmem:v55+s16+$0x0] =	vst.idx.msk $0xffff, v39  }
0xbf: {  	v62 =	vadd.f32 v43, v35;
	v39 =	vld [tilespmem:s26+$0xE0]  }
0xc0: {  	v63 =	vor.u32 s1, v6;
	v41 =	vadd.f32 v41, v34;
	[tilespmem:v57+s16+$0x0] =	vst.idx.msk $0xffff, v37  }
0xc1: {  	v37 =	vld [tilespmem:s0+$0xFFFFFE60];
	v49 =	vor.u32 s14, v14;
	[tilespmem:v58+s16+$0x0] =	vst.idx.msk $0xffff, v62;
	v48 =	vadd.f32 v59, v34  }
0xc2: {  	[tilespmem:v60+s16+$0x0] =	vst.idx.msk $0xffff, v41;
	v42 =	vld [tilespmem:s12+$0x150]  }
0xc3: {  	v41 =	vld [tilespmem:s26+$0xFFFFFEE0];
	v50 =	vadd.f32 v44, v33;
	v51 =	vor.u32 s31, v6;
	[tilespmem:v61+s16+$0x0] =	vst.idx.msk $0xffff, v48  }
0xc4: {  	v52 =	vor.u32 s13, v21;
	v39 =	vadd.f32 v39, v33;
	v53 =	vld [tilespmem:s12+$0xFFFFFF60]  }
0xc5: {  	v54 =	vor.u32 s30, v14;
	[tilespmem:v63+s16+$0x0] =	vst.idx.msk $0xffff, v50  }
0xc6: {  	v55 =	vor.u32 s8, v22;
	v56 =	vld [tilespmem:s0+$0x70];
	v37 =	vadd.f32 v37, v33;
	[tilespmem:v49+s16+$0x0] =	vst.idx.msk $0xffff, v39  }
0xc7: {  	v57 =	vadd.f32 v42, v34;
	v39 =	vld [tilespmem:s26+$0xF0]  }
0xc8: {  	v58 =	vor.u32 s1, v7;
	v41 =	vadd.f32 v41, v33;
	[tilespmem:v51+s16+$0x0] =	vst.idx.msk $0xffff, v37  }
0xc9: {  	v60 =	vor.u32 s14, v15;
	v37 =	vld [tilespmem:s0+$0xFFFFFE70];
	[tilespmem:v52+s16+$0x0] =	vst.idx.msk $0xffff, v57;
	v59 =	vadd.f32 v53, v33  }
0xca: {  	[tilespmem:v54+s16+$0x0] =	vst.idx.msk $0xffff, v41;
	v44 =	vld [tilespmem:s12+$0x160]  }
0xcb: {  	v62 =	vor.u32 s31, v7;
	v41 =	vld [tilespmem:s26+$0xFFFFFEF0];
	v61 =	vadd.f32 v56, v32;
	[tilespmem:v55+s16+$0x0] =	vst.idx.msk $0xffff, v59  }
0xcc: {  	s10 =	simm.s32 $0x5900;
	v63 =	vor.u32 s13, v22;
	v39 =	vadd.f32 v39, v32;
	v52 =	vld [tilespmem:s12+$0xFFFFFF70]  }
0xcd: {  	v54 =	vor.u32 s30, v15;
	[tilespmem:v58+s16+$0x0] =	vst.idx.msk $0xffff, v61;
	v53 =	vld [tilespmem:s10+$0x0]  }
0xce: {  	s11 =	simm.s32 $0x38;
	v37 =	vadd.f32 v37, v32;
	v56 =	vld [tilespmem:s0+$0x80];
	[tilespmem:v60+s16+$0x0] =	vst.idx.msk $0xffff, v39;
	v55 =	vor.u32 s8, v23  }
0xcf: {  	v58 =	vor.u32 s11, v0;
	v57 =	vadd.f32 v44, v33;
	v47 =	vld [tilespmem:s26+$0x100]  }
0xd0: {  	v48 =	vld [tilespmem:s10+$0xFFFFFE00];
	v41 =	vadd.f32 v41, v32;
	[tilespmem:v62+s16+$0x0] =	vst.idx.msk $0xffff, v37;
	v59 =	vor.u32 s1, v8  }
0xd1: {  	s3 =	simm.s32 $0x30;
	v61 =	vor.u32 s14, v16;
	v37 =	vld [tilespmem:s0+$0xFFFFFE80];
	[tilespmem:v63+s16+$0x0] =	vst.idx.msk $0xffff, v57;
	v60 =	vadd.f32 v52, v32  }
0xd2: {  	v49 =	vor.u32 s3, v0;
	[tilespmem:v54+s16+$0x0] =	vst.idx.msk $0xffff, v41;
	v62 =	vld [tilespmem:s12+$0x170];
	v46 =	vadd.f32 v53, v35  }
0xd3: {  	v40 =	vld [tilespmem:s26+$0xFFFFFF00];
	v63 =	vor.u32 s31, v8;
	v39 =	vadd.f32 v56, v35;
	[tilespmem:v55+s16+$0x0] =	vst.idx.msk $0xffff, v60  }
0xd4: {  	v53 =	vadd.f32 v47, v35;
	[tilespmem:v58+s16+$0x0] =	vst.idx.msk $0xffff, v46;
	v52 =	vor.u32 s13, v23;
	v42 =	vld [tilespmem:s12+$0xFFFFFF80]  }
0xd5: {  	v54 =	vadd.f32 v48, v35;
	v56 =	vor.u32 s30, v16;
	[tilespmem:v59+s16+$0x0] =	vst.idx.msk $0xffff, v39;
	v55 =	vld [tilespmem:s10+$0x10]  }
0xd6: {  	v57 =	vor.u32 s8, v24;
	v37 =	vadd.f32 v37, v35;
	[tilespmem:v61+s16+$0x0] =	vst.idx.msk $0xffff, v53;
	v39 =	vld [tilespmem:s0+$0x90]  }
0xd7: {  	[tilespmem:v49+s16+$0x0] =	vst.idx.msk $0xffff, v54;
	v59 =	vor.u32 s11, v1;
	v58 =	vadd.f32 v62, v32;
	v60 =	vld [tilespmem:s26+$0x110]  }
0xd8: {  	v40 =	vadd.f32 v40, v35;
	v46 =	vld [tilespmem:s10+$0xFFFFFE10];
	[tilespmem:v63+s16+$0x0] =	vst.idx.msk $0xffff, v37;
	v61 =	vor.u32 s1, v9  }
0xd9: {  	v63 =	vld [tilespmem:s0+$0xFFFFFE90];
	[tilespmem:v52+s16+$0x0] =	vst.idx.msk $0xffff, v58;
	v52 =	vor.u32 s14, v17;
	v62 =	vadd.f32 v42, v35  }
0xda: {  	v53 =	vor.u32 s3, v1;
	[tilespmem:v56+s16+$0x0] =	vst.idx.msk $0xffff, v40;
	v43 =	vld [tilespmem:s12+$0x180];
	v47 =	vadd.f32 v55, v34  }
0xdb: {  	v54 =	vor.u32 s31, v9;
	v40 =	vld [tilespmem:s26+$0xFFFFFF10];
	v55 =	vadd.f32 v39, v34;
	[tilespmem:v57+s16+$0x0] =	vst.idx.msk $0xffff, v62  }
0xdc: {  	v56 =	vor.u32 s13, v24;
	v45 =	vadd.f32 v60, v34;
	[tilespmem:v59+s16+$0x0] =	vst.idx.msk $0xffff, v47;
	v57 =	vld [tilespmem:s12+$0xFFFFFF90]  }
0xdd: {  	v46 =	vadd.f32 v46, v34;
	v58 =	vor.u32 s30, v17;
	[tilespmem:v61+s16+$0x0] =	vst.idx.msk $0xffff, v55;
	v47 =	vld [tilespmem:s10+$0x20]  }
0xde: {  	v60 =	vadd.f32 v63, v34;
	v59 =	vor.u32 s8, v25;
	v61 =	vld [tilespmem:s0+$0xA0];
	[tilespmem:v52+s16+$0x0] =	vst.idx.msk $0xffff, v45  }
0xdf: {  	[tilespmem:v53+s16+$0x0] =	vst.idx.msk $0xffff, v46;
	v63 =	vor.u32 s11, v2;
	v62 =	vadd.f32 v43, v35;
	v45 =	vld [tilespmem:s26+$0x120]  }
0xe0: {  	v40 =	vadd.f32 v40, v34;
	v46 =	vld [tilespmem:s10+$0xFFFFFE20];
	[tilespmem:v54+s16+$0x0] =	vst.idx.msk $0xffff, v60;
	v52 =	vor.u32 s1, v10  }
0xe1: {  	v55 =	vor.u32 s14, v18;
	v54 =	vld [tilespmem:s0+$0xFFFFFEA0];
	[tilespmem:v56+s16+$0x0] =	vst.idx.msk $0xffff, v62;
	v53 =	vadd.f32 v57, v34  }
0xe2: {  	[tilespmem:v58+s16+$0x0] =	vst.idx.msk $0xffff, v40;
	v56 =	vld [tilespmem:s12+$0x190];
	v47 =	vadd.f32 v47, v33;
	v57 =	vor.u32 s3, v2  }
0xe3: {  	v58 =	vor.u32 s31, v10;
	v40 =	vld [tilespmem:s26+$0xFFFFFF20];
	[tilespmem:v59+s16+$0x0] =	vst.idx.msk $0xffff, v53;
	v59 =	vadd.f32 v61, v33  }
0xe4: {  	v60 =	vor.u32 s13, v25;
	v45 =	vadd.f32 v45, v33;
	[tilespmem:v63+s16+$0x0] =	vst.idx.msk $0xffff, v47;
	v61 =	vld [tilespmem:s12+$0xFFFFFFA0]  }
0xe5: {  	v46 =	vadd.f32 v46, v33;
	v62 =	vor.u32 s30, v18;
	v47 =	vld [tilespmem:s10+$0x30];
	[tilespmem:v52+s16+$0x0] =	vst.idx.msk $0xffff, v59  }
0xe6: {  	v51 =	vadd.f32 v54, v33;
	v63 =	vor.u32 s8, v26;
	[tilespmem:v55+s16+$0x0] =	vst.idx.msk $0xffff, v45;
	v52 =	vld [tilespmem:s0+$0xB0]  }
0xe7: {  	v54 =	vor.u32 s11, v3;
	v53 =	vadd.f32 v56, v34;
	v45 =	vld [tilespmem:s26+$0x130];
	[tilespmem:v57+s16+$0x0] =	vst.idx.msk $0xffff, v46  }
0xe8: {  	v40 =	vadd.f32 v40, v33;
	[tilespmem:v58+s16+$0x0] =	vst.idx.msk $0xffff, v51;
	v55 =	vor.u32 s1, v11;
	v46 =	vld [tilespmem:s10+$0xFFFFFE30]  }
0xe9: {  	v58 =	vor.u32 s14, v19;
	[tilespmem:v60+s16+$0x0] =	vst.idx.msk $0xffff, v53;
	v57 =	vld [tilespmem:s0+$0xFFFFFEB0];
	v56 =	vadd.f32 v61, v33  }
0xea: {  	[tilespmem:v62+s16+$0x0] =	vst.idx.msk $0xffff, v40;
	v60 =	vor.u32 s3, v3;
	v59 =	vld [tilespmem:s12+$0x1A0];
	v47 =	vadd.f32 v47, v32  }
0xeb: {  	v48 =	vld [tilespmem:s26+$0xFFFFFF30];
	v61 =	vor.u32 s31, v11;
	[tilespmem:v63+s16+$0x0] =	vst.idx.msk $0xffff, v56;
	v62 =	vadd.f32 v52, v32  }
0xec: {  	v45 =	vadd.f32 v45, v32;
	[tilespmem:v54+s16+$0x0] =	vst.idx.msk $0xffff, v47;
	v63 =	vor.u32 s13, v26;
	v52 =	vld [tilespmem:s12+$0xFFFFFFB0]  }
0xed: {  	v53 =	vor.u32 s30, v19;
	v47 =	vld [tilespmem:s10+$0x40];
	v46 =	vadd.f32 v46, v32;
	[tilespmem:v55+s16+$0x0] =	vst.idx.msk $0xffff, v62  }
0xee: {  	v37 =	vor.u32 s8, v27;
	v54 =	vadd.f32 v57, v32;
	[tilespmem:v58+s16+$0x0] =	vst.idx.msk $0xffff, v45;
	v55 =	vld [tilespmem:s0+$0xC0]  }
0xef: {  	v57 =	vor.u32 s11, v4;
	v56 =	vadd.f32 v59, v33;
	v40 =	vld [tilespmem:s26+$0x140];
	[tilespmem:v60+s16+$0x0] =	vst.idx.msk $0xffff, v46  }
0xf0: {  	v58 =	vadd.f32 v48, v32;
	v59 =	vor.u32 s1, v12;
	[tilespmem:v61+s16+$0x0] =	vst.idx.msk $0xffff, v54;
	v46 =	vld [tilespmem:s10+$0xFFFFFE40]  }
0xf1: {  	v62 =	vor.u32 s14, v20;
	v61 =	vld [tilespmem:s0+$0xFFFFFEC0];
	[tilespmem:v63+s16+$0x0] =	vst.idx.msk $0xffff, v56;
	v60 =	vadd.f32 v52, v32  }
0xf2: {  	[tilespmem:v53+s16+$0x0] =	vst.idx.msk $0xffff, v58;
	v47 =	vadd.f32 v47, v35;
	v63 =	vld [tilespmem:s12+$0x1B0];
	v52 =	vor.u32 s3, v4  }
0xf3: {  	v53 =	vld [tilespmem:s26+$0xFFFFFF40];
	v54 =	vor.u32 s31, v12;
	[tilespmem:v37+s16+$0x0] =	vst.idx.msk $0xffff, v60;
	v55 =	vadd.f32 v55, v35  }
0xf4: {  	v56 =	vor.u32 s13, v27;
	v40 =	vadd.f32 v40, v35;
	[tilespmem:v57+s16+$0x0] =	vst.idx.msk $0xffff, v47;
	v57 =	vld [tilespmem:s12+$0xFFFFFFC0]  }
0xf5: {  	v58 =	vor.u32 s30, v20;
	v47 =	vld [tilespmem:s10+$0x50];
	v46 =	vadd.f32 v46, v35;
	[tilespmem:v59+s16+$0x0] =	vst.idx.msk $0xffff, v55  }
0xf6: {  	v36 =	vor.u32 s8, v28;
	[tilespmem:v62+s16+$0x0] =	vst.idx.msk $0xffff, v40;
	v59 =	vadd.f32 v61, v35;
	v60 =	vld [tilespmem:s0+$0xD0]  }
0xf7: {  	v62 =	vor.u32 s11, v5;
	v61 =	vadd.f32 v63, v32;
	[tilespmem:v52+s16+$0x0] =	vst.idx.msk $0xffff, v46;
	v63 =	vld [tilespmem:s26+$0x150]  }
0xf8: {  	v51 =	vadd.f32 v53, v35;
	v52 =	vor.u32 s1, v13;
	v46 =	vld [tilespmem:s10+$0xFFFFFE50];
	[tilespmem:v54+s16+$0x0] =	vst.idx.msk $0xffff, v59  }
0xf9: {  	v55 =	vor.u32 s14, v21;
	[tilespmem:v56+s16+$0x0] =	vst.idx.msk $0xffff, v61;
	v54 =	vld [tilespmem:s0+$0xFFFFFED0];
	v53 =	vadd.f32 v57, v35  }
0xfa: {  	[tilespmem:v58+s16+$0x0] =	vst.idx.msk $0xffff, v51;
	v47 =	vadd.f32 v47, v34;
	v56 =	vld [tilespmem:s12+$0x1C0];
	v57 =	vor.u32 s3, v5  }
0xfb: {  	v58 =	vld [tilespmem:s26+$0xFFFFFF50];
	v59 =	vor.u32 s31, v13;
	[tilespmem:v36+s16+$0x0] =	vst.idx.msk $0xffff, v53;
	v60 =	vadd.f32 v60, v34  }
0xfc: {  	v61 =	vor.u32 s13, v28;
	[tilespmem:v62+s16+$0x0] =	vst.idx.msk $0xffff, v47;
	v44 =	vadd.f32 v63, v34;
	v62 =	vld [tilespmem:s12+$0xFFFFFFD0]  }
0xfd: {  	v47 =	vld [tilespmem:s10+$0x60];
	v63 =	vor.u32 s30, v21;
	v46 =	vadd.f32 v46, v34;
	[tilespmem:v52+s16+$0x0] =	vst.idx.msk $0xffff, v60  }
0xfe: {  	v52 =	vor.u32 s8, v29;
	v53 =	vadd.f32 v54, v34;
	[tilespmem:v55+s16+$0x0] =	vst.idx.msk $0xffff, v44;
	v54 =	vld [tilespmem:s0+$0xE0]  }
0xff: {  	v55 =	vadd.f32 v56, v35;
	v56 =	vor.u32 s11, v6;
	[tilespmem:v57+s16+$0x0] =	vst.idx.msk $0xffff, v46;
	v44 =	vld [tilespmem:s26+$0x160]  }
0x100: {  	v57 =	vadd.f32 v58, v34;
	v58 =	vor.u32 s1, v14;
	v46 =	vld [tilespmem:s10+$0xFFFFFE60];
	[tilespmem:v59+s16+$0x0] =	vst.idx.msk $0xffff, v53  }
0x101: {  	s6 =	simm.s32 $0x5D00;
	[tilespmem:v61+s16+$0x0] =	vst.idx.msk $0xffff, v55;
	v60 =	vld [tilespmem:s0+$0xFFFFFEE0];
	v61 =	vor.u32 s14, v22;
	v59 =	vadd.f32 v62, v34  }
0x102: {  	v49 =	vld [tilespmem:s6+$0xFFFFFE00];
	v47 =	vadd.f32 v47, v33;
	[tilespmem:v63+s16+$0x0] =	vst.idx.msk $0xffff, v57;
	v62 =	vor.u32 s3, v6  }
0x103: {  	v63 =	vld [tilespmem:s26+$0xFFFFFF60];
	[tilespmem:v52+s16+$0x0] =	vst.idx.msk $0xffff, v59;
	v52 =	vor.u32 s31, v14;
	v53 =	vadd.f32 v54, v33  }
0x104: {  	[tilespmem:v56+s16+$0x0] =	vst.idx.msk $0xffff, v47;
	v55 =	vadd.f32 v44, v33;
	v54 =	vld [tilespmem:s12+$0xFFFFFFE0]  }
0x105: {  	v56 =	vor.u32 s30, v22;
	v47 =	vld [tilespmem:s10+$0x70];
	v46 =	vadd.f32 v46, v33;
	[tilespmem:v58+s16+$0x0] =	vst.idx.msk $0xffff, v53  }
0x106: {  	v57 =	vor.u32 s8, v30;
	v58 =	vadd.f32 v60, v33;
	[tilespmem:v61+s16+$0x0] =	vst.idx.msk $0xffff, v55;
	v59 =	vld [tilespmem:s0+$0xF0]  }
0x107: {  	v60 =	vor.u32 s11, v7;
	[tilespmem:v62+s16+$0x0] =	vst.idx.msk $0xffff, v46;
	v43 =	vld [tilespmem:s26+$0x170]  }
0x108: {  	v61 =	vadd.f32 v63, v33;
	v62 =	vor.u32 s1, v15;
	v46 =	vld [tilespmem:s10+$0xFFFFFE70];
	[tilespmem:v52+s16+$0x0] =	vst.idx.msk $0xffff, v58  }
0x109: {  	v52 =	vor.u32 s14, v23;
	v63 =	vadd.f32 v54, v33;
	v54 =	vld [tilespmem:s0+$0xFFFFFEF0]  }
0x10a: {  	v42 =	vld [tilespmem:s12+$0x1D0];
	v55 =	vor.u32 s3, v7;
	[tilespmem:v56+s16+$0x0] =	vst.idx.msk $0xffff, v61;
	v47 =	vadd.f32 v47, v32  }
0x10b: {  	v56 =	vor.u32 s31, v15;
	v58 =	vld [tilespmem:s26+$0xFFFFFF70];
	[tilespmem:v57+s16+$0x0] =	vst.idx.msk $0xffff, v63;
	v57 =	vadd.f32 v59, v32  }
0x10c: {  	v53 =	vld [tilespmem:s6+$0x0];
	v61 =	vor.u32 s13, v29;
	[tilespmem:v60+s16+$0x0] =	vst.idx.msk $0xffff, v47;
	v59 =	vadd.f32 v43, v32  }
0x10d: {  	s5 =	simm.s32 $0x48;
	v60 =	vld [tilespmem:s12+$0xFFFFFFF0];
	v46 =	vadd.f32 v46, v32;
	[tilespmem:v62+s16+$0x0] =	vst.idx.msk $0xffff, v57;
	v62 =	vor.u32 s30, v23  }
0x10e: {  	v63 =	vor.u32 s5, v0;
	v50 =	vld [tilespmem:s10+$0x80];
	[tilespmem:v52+s16+$0x0] =	vst.idx.msk $0xffff, v59;
	v40 =	vadd.f32 v54, v32  }
0x10f: {  	v42 =	vadd.f32 v42, v34;
	[tilespmem:v55+s16+$0x0] =	vst.idx.msk $0xffff, v46;
	v41 =	vld [tilespmem:s0+$0x100];
	v54 =	vor.u32 s8, v31  }
0x110: {  	v55 =	vor.u32 s11, v8;
	v36 =	vld [tilespmem:s26+$0x180];
	[tilespmem:v56+s16+$0x0] =	vst.idx.msk $0xffff, v40;
	v56 =	vadd.f32 v58, v32  }
0x111: {  	s21 =	simm.s32 $0x40;
	v51 =	vor.u32 s1, v16;
	v57 =	vadd.f32 v53, v35;
	[tilespmem:v61+s16+$0x0] =	vst.idx.msk $0xffff, v42;
	v46 =	vld [tilespmem:s10+$0xFFFFFE80]  }
0x112: {  	v59 =	vor.u32 s21, v0;
	v58 =	vld [tilespmem:s0+$0xFFFFFF00];
	v60 =	vadd.f32 v60, v32;
	[tilespmem:v62+s16+$0x0] =	vst.idx.msk $0xffff, v56  }
0x113: {  	v61 =	vor.u32 s3, v8;
	[tilespmem:v63+s16+$0x0] =	vst.idx.msk $0xffff, v57;
	v62 =	vadd.f32 v50, v35;
	v63 =	vld [tilespmem:s26+$0xFFFFFF80]  }
0x114: {  	v53 =	vor.u32 s31, v16;
	v52 =	vld [tilespmem:s6+$0x10];
	v41 =	vadd.f32 v41, v35;
	[tilespmem:v54+s16+$0x0] =	vst.idx.msk $0xffff, v60  }
0x115: {  	v40 =	vld [tilespmem:s12+$0x1E0];
	v54 =	vadd.f32 v49, v35;
	[tilespmem:v55+s16+$0x0] =	vst.idx.msk $0xffff, v62;
	v55 =	vor.u32 s30, v24  }
0x116: {  	v56 =	vor.u32 s5, v1;
	v46 =	vadd.f32 v46, v35;
	v48 =	vld [tilespmem:s10+$0x90];
	[tilespmem:v51+s16+$0x0] =	vst.idx.msk $0xffff, v41  }
0x117: {  	[tilespmem:v59+s16+$0x0] =	vst.idx.msk $0xffff, v54;
	v57 =	vadd.f32 v58, v35;
	v41 =	vld [tilespmem:s0+$0x110];
	v58 =	vor.u32 s14, v24  }
0x118: {  	v60 =	vor.u32 s11, v9;
	v59 =	vld [tilespmem:s6+$0xFFFFFE10];
	[tilespmem:v61+s16+$0x0] =	vst.idx.msk $0xffff, v46;
	v43 =	vadd.f32 v63, v35  }
0x119: {  	v61 =	vadd.f32 v52, v34;
	v62 =	vld [tilespmem:s10+$0xFFFFFE90];
	[tilespmem:v53+s16+$0x0] =	vst.idx.msk $0xffff, v57;
	v63 =	vor.u32 s1, v17  }
0x11a: {  	v36 =	vadd.f32 v36, v35;
	v52 =	vor.u32 s21, v1;
	v50 =	vld [tilespmem:s0+$0xFFFFFF10];
	[tilespmem:v55+s16+$0x0] =	vst.idx.msk $0xffff, v43  }
0x11b: {  	[tilespmem:v56+s16+$0x0] =	vst.idx.msk $0xffff, v61;
	v53 =	vor.u32 s3, v9;
	v54 =	vadd.f32 v48, v34;
	v55 =	vld [tilespmem:s26+$0xFFFFFF90]  }
0x11c: {  	v56 =	vor.u32 s31, v17;
	v46 =	vld [tilespmem:s6+$0x20];
	v41 =	vadd.f32 v41, v34;
	[tilespmem:v58+s16+$0x0] =	vst.idx.msk $0xffff, v36  }
0x11d: {  	v57 =	vadd.f32 v59, v34;
	v58 =	vor.u32 s30, v25;
	[tilespmem:v60+s16+$0x0] =	vst.idx.msk $0xffff, v54;
	v42 =	vld [tilespmem:s26+$0x190]  }
0x11e: {  	v43 =	vor.u32 s5, v2;
	v59 =	vadd.f32 v62, v34;
	v60 =	vld [tilespmem:s10+$0xA0];
	[tilespmem:v63+s16+$0x0] =	vst.idx.msk $0xffff, v41  }
0x11f: {  	v62 =	vor.u32 s14, v25;
	[tilespmem:v52+s16+$0x0] =	vst.idx.msk $0xffff, v57;
	v61 =	vadd.f32 v50, v34;
	v37 =	vld [tilespmem:s0+$0x120]  }
0x120: {  	v63 =	vor.u32 s11, v10;
	v49 =	vld [tilespmem:s6+$0xFFFFFE20];
	[tilespmem:v53+s16+$0x0] =	vst.idx.msk $0xffff, v59;
	v52 =	vadd.f32 v55, v34  }
0x121: {  	v53 =	vadd.f32 v46, v33;
	v54 =	vld [tilespmem:s10+$0xFFFFFEA0];
	[tilespmem:v56+s16+$0x0] =	vst.idx.msk $0xffff, v61;
	v55 =	vor.u32 s1, v18  }
0x122: {  	v56 =	vor.u32 s21, v2;
	v57 =	vld [tilespmem:s0+$0xFFFFFF20];
	[tilespmem:v58+s16+$0x0] =	vst.idx.msk $0xffff, v52;
	v58 =	vadd.f32 v42, v34  }
0x123: {  	v59 =	vor.u32 s3, v10;
	[tilespmem:v43+s16+$0x0] =	vst.idx.msk $0xffff, v53;
	v60 =	vadd.f32 v60, v33;
	v44 =	vld [tilespmem:s26+$0xFFFFFFA0]  }
0x124: {  	v61 =	vor.u32 s31, v18;
	v45 =	vld [tilespmem:s6+$0x30];
	v37 =	vadd.f32 v37, v33;
	[tilespmem:v62+s16+$0x0] =	vst.idx.msk $0xffff, v58  }
0x125: {  	v62 =	vadd.f32 v49, v33;
	[tilespmem:v63+s16+$0x0] =	vst.idx.msk $0xffff, v60;
	v63 =	vor.u32 s30, v26;
	v41 =	vld [tilespmem:s26+$0x1A0]  }
0x126: {  	v52 =	vor.u32 s5, v3;
	v46 =	vadd.f32 v54, v33;
	v53 =	vld [tilespmem:s10+$0xB0];
	[tilespmem:v55+s16+$0x0] =	vst.idx.msk $0xffff, v37  }
0x127: {  	v55 =	vor.u32 s14, v26;
	[tilespmem:v56+s16+$0x0] =	vst.idx.msk $0xffff, v62;
	v54 =	vadd.f32 v57, v33;
	v37 =	vld [tilespmem:s0+$0x130]  }
0x128: {  	[tilespmem:v59+s16+$0x0] =	vst.idx.msk $0xffff, v46;
	v56 =	vor.u32 s11, v11;
	v48 =	vld [tilespmem:s6+$0xFFFFFE30];
	v44 =	vadd.f32 v44, v33  }
0x129: {  	v45 =	vadd.f32 v45, v32;
	v57 =	vor.u32 s1, v19;
	v46 =	vld [tilespmem:s10+$0xFFFFFEB0];
	[tilespmem:v61+s16+$0x0] =	vst.idx.msk $0xffff, v54  }
0x12a: {  	v58 =	vor.u32 s21, v3;
	v59 =	vld [tilespmem:s0+$0xFFFFFF30];
	[tilespmem:v63+s16+$0x0] =	vst.idx.msk $0xffff, v44;
	v60 =	vadd.f32 v41, v33  }
0x12b: {  	[tilespmem:v52+s16+$0x0] =	vst.idx.msk $0xffff, v45;
	v61 =	vor.u32 s3, v11;
	v62 =	vadd.f32 v53, v32;
	v44 =	vld [tilespmem:s26+$0xFFFFFFB0]  }
0x12c: {  	v45 =	vld [tilespmem:s6+$0x40];
	v63 =	vor.u32 s31, v19;
	v37 =	vadd.f32 v37, v32;
	[tilespmem:v55+s16+$0x0] =	vst.idx.msk $0xffff, v60  }
0x12d: {  	v53 =	vor.u32 s30, v27;
	v52 =	vadd.f32 v48, v32;
	[tilespmem:v56+s16+$0x0] =	vst.idx.msk $0xffff, v62;
	v54 =	vld [tilespmem:s26+$0x1B0]  }
0x12e: {  	v55 =	vor.u32 s5, v4;
	v46 =	vadd.f32 v46, v32;
	v56 =	vld [tilespmem:s10+$0xC0];
	[tilespmem:v57+s16+$0x0] =	vst.idx.msk $0xffff, v37  }
0x12f: {  	[tilespmem:v58+s16+$0x0] =	vst.idx.msk $0xffff, v52;
	v57 =	vadd.f32 v59, v32;
	v37 =	vld [tilespmem:s0+$0x140];
	v58 =	vor.u32 s14, v27  }
0x130: {  	[tilespmem:v61+s16+$0x0] =	vst.idx.msk $0xffff, v46;
	v59 =	vor.u32 s11, v12;
	v47 =	vld [tilespmem:s6+$0xFFFFFE40];
	v44 =	vadd.f32 v44, v32  }
0x131: {  	v60 =	vor.u32 s1, v20;
	v45 =	vadd.f32 v45, v35;
	v46 =	vld [tilespmem:s10+$0xFFFFFEC0];
	[tilespmem:v63+s16+$0x0] =	vst.idx.msk $0xffff, v57  }
0x132: {  	v61 =	vor.u32 s21, v4;
	v62 =	vld [tilespmem:s0+$0xFFFFFF40];
	[tilespmem:v53+s16+$0x0] =	vst.idx.msk $0xffff, v44;
	v63 =	vadd.f32 v54, v32  }
0x133: {  	v52 =	vor.u32 s3, v12;
	[tilespmem:v55+s16+$0x0] =	vst.idx.msk $0xffff, v45;
	v53 =	vadd.f32 v56, v35;
	v44 =	vld [tilespmem:s26+$0xFFFFFFC0]  }
0x134: {  	v45 =	vld [tilespmem:s6+$0x50];
	v54 =	vor.u32 s31, v20;
	v37 =	vadd.f32 v37, v35;
	[tilespmem:v58+s16+$0x0] =	vst.idx.msk $0xffff, v63  }
0x135: {  	v56 =	vor.u32 s30, v28;
	v55 =	vadd.f32 v47, v35;
	[tilespmem:v59+s16+$0x0] =	vst.idx.msk $0xffff, v53;
	v57 =	vld [tilespmem:s26+$0x1C0]  }
0x136: {  	v58 =	vor.u32 s5, v5;
	v46 =	vadd.f32 v46, v35;
	v59 =	vld [tilespmem:s10+$0xD0];
	[tilespmem:v60+s16+$0x0] =	vst.idx.msk $0xffff, v37  }
0x137: {  	[tilespmem:v61+s16+$0x0] =	vst.idx.msk $0xffff, v55;
	v60 =	vadd.f32 v62, v35;
	v37 =	vld [tilespmem:s0+$0x150];
	v61 =	vor.u32 s14, v28  }
0x138: {  	[tilespmem:v52+s16+$0x0] =	vst.idx.msk $0xffff, v46;
	v62 =	vor.u32 s11, v13;
	v49 =	vld [tilespmem:s6+$0xFFFFFE50];
	v44 =	vadd.f32 v44, v35  }
0x139: {  	v36 =	vor.u32 s1, v21;
	v45 =	vadd.f32 v45, v34;
	v46 =	vld [tilespmem:s10+$0xFFFFFED0];
	[tilespmem:v54+s16+$0x0] =	vst.idx.msk $0xffff, v60  }
0x13a: {  	v48 =	vor.u32 s21, v5;
	v63 =	vld [tilespmem:s0+$0xFFFFFF50];
	[tilespmem:v56+s16+$0x0] =	vst.idx.msk $0xffff, v44;
	v56 =	vadd.f32 v57, v35  }
0x13b: {  	[tilespmem:v58+s16+$0x0] =	vst.idx.msk $0xffff, v45;
	v57 =	vor.u32 s3, v13;
	v58 =	vadd.f32 v59, v34;
	v44 =	vld [tilespmem:s26+$0xFFFFFFD0]  }
0x13c: {  	v45 =	vld [tilespmem:s6+$0x60];
	v59 =	vor.u32 s31, v21;
	v37 =	vadd.f32 v37, v34;
	[tilespmem:v61+s16+$0x0] =	vst.idx.msk $0xffff, v56  }
0x13d: {  	v60 =	vadd.f32 v49, v34;
	[tilespmem:v62+s16+$0x0] =	vst.idx.msk $0xffff, v58;
	v61 =	vor.u32 s30, v29;
	v39 =	vld [tilespmem:s26+$0x1D0]  }
0x13e: {  	v62 =	vor.u32 s5, v6;
	v46 =	vadd.f32 v46, v34;
	v52 =	vld [tilespmem:s10+$0xE0];
	[tilespmem:v36+s16+$0x0] =	vst.idx.msk $0xffff, v37  }
0x13f: {  	v41 =	vor.u32 s13, v30;
	[tilespmem:v48+s16+$0x0] =	vst.idx.msk $0xffff, v60;
	v63 =	vadd.f32 v63, v34;
	v43 =	vld [tilespmem:s0+$0x160]  }
0x140: {  	v48 =	vld [tilespmem:s6+$0xFFFFFE60];
	[tilespmem:v57+s16+$0x0] =	vst.idx.msk $0xffff, v46;
	v46 =	vor.u32 s11, v14;
	v53 =	vadd.f32 v44, v34  }
0x141: {  	v38 =	vor.u32 s31, v22;
	v54 =	vadd.f32 v45, v33;
	v47 =	vld [tilespmem:s10+$0xFFFFFEE0];
	[tilespmem:v59+s16+$0x0] =	vst.idx.msk $0xffff, v63;
	v44 =	vor.u32 s1, v22  }
0x142: {  	v50 =	vor.u32 s21, v6;
	v42 =	vadd.f32 v40, v33;
	v49 =	vor.u32 s3, v14;
	v45 =	vld [tilespmem:s0+$0xFFFFFF60];
	[tilespmem:v61+s16+$0x0] =	vst.idx.msk $0xffff, v53  }
0x143: {  	s22 =	simm.s32 $0x8;
	s9 =	simm.s32 $0x6100;
	s8 =	simm.s32 $0x40;
	v37 =	vor.u32 s3, v22;
	v36 =	vor.u32 s21, v22;
	[tilespmem:v62+s16+$0x0] =	vst.idx.msk $0xffff, v54;
	v51 =	vadd.f32 v52, v33;
	v40 =	vld [tilespmem:s26+$0xFFFFFFE0]  }
.LBB2_3:
0x144: {  	s22 =	sadd.s32 $0x2, s22;
	v52 =	vld [tilespmem:s6+$0x70];
	s21 =	sadd.s32 $0x10, s21;
	v43 =	vadd.f32 v43, v33;
	[tilespmem:v41+s16+$0x0] =	vst.idx.msk $0xffff, v42  }
0x145: {  	v41 =	vor.u32 s21, v22;
	s23 =	sadd.s32 $0x8, s21;
	p1 =	slt.u32 s22, $0xE;
	v42 =	vadd.f32 v48, v33;
	[tilespmem:v46+s16+$0x0] =	vst.idx.msk $0xffff, v51;
	v46 =	vor.u32 s30, v30;
	v48 =	vld [tilespmem:s12+$0x1F0];
	s12 =	smov.u32 s26  }
0x146: {  	v53 =	vor.u32 s5, v7;
	s26 =	smov.u32 s0;
	s0 =	smov.u32 s10;
	v51 =	vor.u32 s23, v0;
	v47 =	vadd.f32 v47, v33;
	v54 =	vld [tilespmem:s10+$0xF0];
	[tilespmem:v44+s16+$0x0] =	vst.idx.msk $0xffff, v43;
	s10 =	smov.u32 s6  }
0x147: {  	v44 =	vor.u32 s13, v31;
	s13 =	smov.u32 s14;
	s14 =	smov.u32 s1;
	s1 =	smov.u32 s11;
	[tilespmem:v50+s16+$0x0] =	vst.idx.msk $0xffff, v42;
	v42 =	vadd.f32 v45, v33;
	v43 =	vld [tilespmem:s26+$0x170]  }
0x148: {  	s11 =	smov.u32 s5;
	s5 =	smov.u32 s23;
	s6 =	smov.u32 s9;
	v45 =	vor.u32 s21, v0;
	v50 =	vld [tilespmem:s10+$0xFFFFFE70];
	[tilespmem:v49+s16+$0x0] =	vst.idx.msk $0xffff, v47;
	v47 =	vor.u32 s1, v15;
	v40 =	vadd.f32 v40, v33  }
0x149: {  	v49 =	vadd.f32 v52, v32;
	v52 =	vld [tilespmem:s0+$0xFFFFFEF0];
	[tilespmem:v38+s16+$0x0] =	vst.idx.msk $0xffff, v42;
	v42 =	vor.u32 s14, v23;
	v38 =	vmovc v37;
	v37 =	vmov v36  }
0x14a: {  	v56 =	vor.u32 s8, v7;
	v36 =	vmov v41;
	v55 =	vld [tilespmem:s9+$0x0];
	[tilespmem:v46+s16+$0x0] =	vst.idx.msk $0xffff, v40;
	v40 =	vadd.f32 v48, v32  }
0x14b: {  	v41 =	vor.u32 s3, v15;
	[tilespmem:v53+s16+$0x0] =	vst.idx.msk $0xffff, v49;
	v46 =	vadd.f32 v54, v32;
	v48 =	vld [tilespmem:s26+$0xFFFFFF70]  }
0x14c: {  	v53 =	vor.u32 s13, v29;
	v43 =	vadd.f32 v43, v32;
	v49 =	vld [tilespmem:s12+$0xFFFFFFF0];
	[tilespmem:v44+s16+$0x0] =	vst.idx.msk $0xffff, v40  }
0x14d: {  	v40 =	vld [tilespmem:s9+$0xFFFFFE00];
	v44 =	vadd.f32 v50, v32;
	[tilespmem:v47+s16+$0x0] =	vst.idx.msk $0xffff, v46;
	v46 =	vor.u32 s31, v23  }
0x14e: {  	v47 =	vor.u32 s5, v1;
	v50 =	vld [tilespmem:s10+$0x80];
	v52 =	vadd.f32 v52, v32;
	[tilespmem:v42+s16+$0x0] =	vst.idx.msk $0xffff, v43  }
0x14f: {  	v39 =	vadd.f32 v39, v34;
	v42 =	vadd.f32 v55, v35;
	[tilespmem:v56+s16+$0x0] =	vst.idx.msk $0xffff, v44;
	v43 =	vld [tilespmem:s0+$0x100];
	v44 =	vor.u32 s30, v31;
	s30 =	smov.u32 s31;
	s31 =	smov.u32 s3;
	s3 =	smov.u32 s8  }
0x150: {  	v55 =	vor.u32 s11, v8;
	s8 =	smov.u32 s21;
	v54 =	vld [tilespmem:s10+$0xFFFFFE80];
	[tilespmem:v41+s16+$0x0] =	vst.idx.msk $0xffff, v52;
	v41 =	vadd.f32 v48, v32  }
0x151: {  	v52 =	vor.u32 s1, v16;
	v48 =	vld [tilespmem:s0+$0xFFFFFF00];
	[tilespmem:v53+s16+$0x0] =	vst.idx.msk $0xffff, v39  }
0x152: {  	[tilespmem:v46+s16+$0x0] =	vst.idx.msk $0xffff, v41;
	v39 =	vld [tilespmem:s26+$0x180];
	v41 =	vadd.f32 v49, v32  }
0x153: {  	v46 =	vadd.f32 v40, v35;
	[tilespmem:v51+s16+$0x0] =	vst.idx.msk $0xffff, v42;
	v42 =	vor.u32 s3, v8;
	v40 =	vadd.f32 v50, v35;
	v49 =	vld [tilespmem:s26+$0xFFFFFF80]  }
0x154: {  	v51 =	vor.u32 s31, v16;
	v50 =	vld [tilespmem:s9+$0x10];
	v43 =	vadd.f32 v43, v35;
	[tilespmem:v44+s16+$0x0] =	vst.idx.msk $0xffff, v41  }
0x155: {  	v41 =	vor.u32 s30, v24;
	[tilespmem:v55+s16+$0x0] =	vst.idx.msk $0xffff, v40;
	v40 =	vld [tilespmem:s12+$0x1E0]  }
0x156: {  	v44 =	vadd.f32 v54, v35;
	v53 =	vld [tilespmem:s10+$0x90];
	[tilespmem:v52+s16+$0x0] =	vst.idx.msk $0xffff, v43  }
0x157: {  	v43 =	vor.u32 s21, v1;
	[tilespmem:v45+s16+$0x0] =	vst.idx.msk $0xffff, v46;
	v45 =	vadd.f32 v48, v35;
	v46 =	vld [tilespmem:s0+$0x110];
	v48 =	vor.u32 s14, v24  }
0x158: {  	v52 =	vld [tilespmem:s9+$0xFFFFFE10];
	[tilespmem:v42+s16+$0x0] =	vst.idx.msk $0xffff, v44;
	v42 =	vor.u32 s11, v9;
	v44 =	vadd.f32 v49, v35  }
0x159: {  	v49 =	vadd.f32 v50, v34;
	v50 =	vld [tilespmem:s10+$0xFFFFFE90];
	[tilespmem:v51+s16+$0x0] =	vst.idx.msk $0xffff, v45;
	v45 =	vor.u32 s1, v17  }
0x15a: {  	v39 =	vadd.f32 v39, v35;
	v51 =	vld [tilespmem:s0+$0xFFFFFF10];
	[tilespmem:v41+s16+$0x0] =	vst.idx.msk $0xffff, v44  }
0x15b: {  	v41 =	vor.u32 s3, v9;
	[tilespmem:v47+s16+$0x0] =	vst.idx.msk $0xffff, v49;
	v44 =	vadd.f32 v53, v34;
	v47 =	vld [tilespmem:s26+$0xFFFFFF90]  }
0x15c: {  	v54 =	vor.u32 s31, v17;
	v53 =	vor.u32 s5, v2;
	v49 =	vld [tilespmem:s9+$0x20];
	v46 =	vadd.f32 v46, v34;
	[tilespmem:v48+s16+$0x0] =	vst.idx.msk $0xffff, v39  }
0x15d: {  	v39 =	vadd.f32 v52, v34;
	[tilespmem:v42+s16+$0x0] =	vst.idx.msk $0xffff, v44;
	v42 =	vor.u32 s30, v25;
	v44 =	vld [tilespmem:s26+$0x190]  }
0x15e: {  	v48 =	vadd.f32 v50, v34;
	v50 =	vld [tilespmem:s10+$0xA0];
	[tilespmem:v45+s16+$0x0] =	vst.idx.msk $0xffff, v46  }
0x15f: {  	v45 =	vor.u32 s14, v25;
	[tilespmem:v43+s16+$0x0] =	vst.idx.msk $0xffff, v39;
	v39 =	vadd.f32 v51, v34;
	v43 =	vld [tilespmem:s0+$0x120]  }
0x160: {  	v51 =	vor.u32 s21, v2;
	v46 =	vld [tilespmem:s9+$0xFFFFFE20];
	[tilespmem:v41+s16+$0x0] =	vst.idx.msk $0xffff, v48;
	v41 =	vor.u32 s11, v10;
	v47 =	vadd.f32 v47, v34  }
0x161: {  	v48 =	vadd.f32 v49, v33;
	v49 =	vld [tilespmem:s10+$0xFFFFFEA0];
	[tilespmem:v54+s16+$0x0] =	vst.idx.msk $0xffff, v39;
	v39 =	vor.u32 s1, v18  }
0x162: {  	v52 =	vld [tilespmem:s0+$0xFFFFFF20];
	[tilespmem:v42+s16+$0x0] =	vst.idx.msk $0xffff, v47;
	v42 =	vadd.f32 v44, v34  }
0x163: {  	v44 =	vor.u32 s3, v10;
	[tilespmem:v53+s16+$0x0] =	vst.idx.msk $0xffff, v48;
	v47 =	vadd.f32 v50, v33;
	v48 =	vld [tilespmem:s26+$0xFFFFFFA0]  }
0x164: {  	v53 =	vor.u32 s31, v18;
	v50 =	vld [tilespmem:s9+$0x30];
	v43 =	vadd.f32 v43, v33;
	[tilespmem:v45+s16+$0x0] =	vst.idx.msk $0xffff, v42  }
0x165: {  	v42 =	vadd.f32 v46, v33;
	[tilespmem:v41+s16+$0x0] =	vst.idx.msk $0xffff, v47;
	v41 =	vor.u32 s30, v26;
	v45 =	vld [tilespmem:s26+$0x1A0]  }
0x166: {  	v46 =	vor.u32 s5, v3;
	v47 =	vadd.f32 v49, v33;
	v49 =	vld [tilespmem:s10+$0xB0];
	[tilespmem:v39+s16+$0x0] =	vst.idx.msk $0xffff, v43  }
0x167: {  	v43 =	vor.u32 s14, v26;
	[tilespmem:v51+s16+$0x0] =	vst.idx.msk $0xffff, v42;
	v39 =	vadd.f32 v52, v33;
	v42 =	vld [tilespmem:s0+$0x130]  }
0x168: {  	v51 =	vld [tilespmem:s9+$0xFFFFFE30];
	[tilespmem:v44+s16+$0x0] =	vst.idx.msk $0xffff, v47;
	v44 =	vor.u32 s11, v11;
	v47 =	vadd.f32 v48, v33  }
0x169: {  	v48 =	vadd.f32 v50, v32;
	v50 =	vld [tilespmem:s10+$0xFFFFFEB0];
	[tilespmem:v53+s16+$0x0] =	vst.idx.msk $0xffff, v39;
	v39 =	vor.u32 s1, v19  }
0x16a: {  	v52 =	vor.u32 s21, v3;
	v53 =	vld [tilespmem:s0+$0xFFFFFF30];
	[tilespmem:v41+s16+$0x0] =	vst.idx.msk $0xffff, v47;
	v41 =	vadd.f32 v45, v33  }
0x16b: {  	v45 =	vor.u32 s3, v11;
	[tilespmem:v46+s16+$0x0] =	vst.idx.msk $0xffff, v48;
	v46 =	vadd.f32 v49, v32;
	v47 =	vld [tilespmem:s26+$0xFFFFFFB0]  }
0x16c: {  	v49 =	vor.u32 s31, v19;
	v48 =	vld [tilespmem:s9+$0x40];
	v42 =	vadd.f32 v42, v32;
	[tilespmem:v43+s16+$0x0] =	vst.idx.msk $0xffff, v41  }
0x16d: {  	v43 =	vor.u32 s30, v27;
	v41 =	vadd.f32 v51, v32;
	[tilespmem:v44+s16+$0x0] =	vst.idx.msk $0xffff, v46;
	v44 =	vld [tilespmem:s26+$0x1B0]  }
0x16e: {  	v46 =	vor.u32 s5, v4;
	v50 =	vadd.f32 v50, v32;
	v51 =	vld [tilespmem:s10+$0xC0];
	[tilespmem:v39+s16+$0x0] =	vst.idx.msk $0xffff, v42  }
0x16f: {  	v42 =	vor.u32 s14, v27;
	[tilespmem:v52+s16+$0x0] =	vst.idx.msk $0xffff, v41;
	v39 =	vadd.f32 v53, v32;
	v41 =	vld [tilespmem:s0+$0x140]  }
0x170: {  	v52 =	vld [tilespmem:s9+$0xFFFFFE40];
	[tilespmem:v45+s16+$0x0] =	vst.idx.msk $0xffff, v50;
	v45 =	vor.u32 s11, v12;
	v47 =	vadd.f32 v47, v32  }
0x171: {  	v48 =	vadd.f32 v48, v35;
	v50 =	vld [tilespmem:s10+$0xFFFFFEC0];
	[tilespmem:v49+s16+$0x0] =	vst.idx.msk $0xffff, v39;
	v39 =	vor.u32 s1, v20  }
0x172: {  	v49 =	vor.u32 s21, v4;
	v53 =	vld [tilespmem:s0+$0xFFFFFF40];
	[tilespmem:v43+s16+$0x0] =	vst.idx.msk $0xffff, v47;
	v43 =	vadd.f32 v44, v32  }
0x173: {  	v44 =	vor.u32 s3, v12;
	[tilespmem:v46+s16+$0x0] =	vst.idx.msk $0xffff, v48;
	v46 =	vadd.f32 v51, v35;
	v47 =	vld [tilespmem:s26+$0xFFFFFFC0]  }
0x174: {  	v51 =	vor.u32 s31, v20;
	v48 =	vld [tilespmem:s9+$0x50];
	v41 =	vadd.f32 v41, v35;
	[tilespmem:v42+s16+$0x0] =	vst.idx.msk $0xffff, v43  }
0x175: {  	v43 =	vor.u32 s30, v28;
	v42 =	vadd.f32 v52, v35;
	[tilespmem:v45+s16+$0x0] =	vst.idx.msk $0xffff, v46;
	v45 =	vld [tilespmem:s26+$0x1C0]  }
0x176: {  	v46 =	vor.u32 s5, v5;
	v50 =	vadd.f32 v50, v35;
	v52 =	vld [tilespmem:s10+$0xD0];
	[tilespmem:v39+s16+$0x0] =	vst.idx.msk $0xffff, v41  }
0x177: {  	[tilespmem:v49+s16+$0x0] =	vst.idx.msk $0xffff, v42;
	v39 =	vadd.f32 v53, v35;
	v41 =	vld [tilespmem:s0+$0x150];
	v42 =	vor.u32 s14, v28  }
0x178: {  	v49 =	vld [tilespmem:s9+$0xFFFFFE50];
	[tilespmem:v44+s16+$0x0] =	vst.idx.msk $0xffff, v50;
	v44 =	vor.u32 s11, v13;
	v47 =	vadd.f32 v47, v35  }
0x179: {  	v48 =	vadd.f32 v48, v34;
	v50 =	vld [tilespmem:s10+$0xFFFFFED0];
	[tilespmem:v51+s16+$0x0] =	vst.idx.msk $0xffff, v39;
	v51 =	vor.u32 s1, v21  }
0x17a: {  	v53 =	vor.u32 s21, v5;
	v54 =	vld [tilespmem:s0+$0xFFFFFF50];
	[tilespmem:v43+s16+$0x0] =	vst.idx.msk $0xffff, v47;
	v39 =	vadd.f32 v45, v35  }
0x17b: {  	v45 =	vor.u32 s3, v13;
	[tilespmem:v46+s16+$0x0] =	vst.idx.msk $0xffff, v48;
	v43 =	vadd.f32 v52, v34;
	v47 =	vld [tilespmem:s26+$0xFFFFFFD0]  }
0x17c: {  	v55 =	vor.u32 s31, v21;
	v52 =	vld [tilespmem:s9+$0x60];
	v41 =	vadd.f32 v41, v34;
	[tilespmem:v42+s16+$0x0] =	vst.idx.msk $0xffff, v39  }
0x17d: {  	v42 =	vadd.f32 v49, v34;
	[tilespmem:v44+s16+$0x0] =	vst.idx.msk $0xffff, v43;
	v49 =	vor.u32 s30, v29;
	v39 =	vld [tilespmem:s26+$0x1D0]  }
0x17e: {  	v56 =	vor.u32 s5, v6;
	v44 =	vadd.f32 v50, v34;
	v57 =	vld [tilespmem:s10+$0xE0];
	[tilespmem:v51+s16+$0x0] =	vst.idx.msk $0xffff, v41  }
.Ltmp0:
0x17f: {  	v41 =	vor.u32 s13, v30;
	[tilespmem:v53+s16+$0x0] =	vst.idx.msk $0xffff, v42;
	v42 =	vadd.f32 v54, v34;
	v43 =	vld [tilespmem:s0+$0x160];
	(pc) =	sbr.rel @p1 .LBB2_3-.Ltmp0, $4  }
0x180: {  	v46 =	vor.u32 s11, v14;
	v48 =	vld [tilespmem:s9+$0xFFFFFE60];
	[tilespmem:v45+s16+$0x0] =	vst.idx.msk $0xffff, v44;
	v51 =	vadd.f32 v47, v34  }
0x181: {  	v44 =	vor.u32 s1, v22;
	v52 =	vadd.f32 v52, v33;
	v47 =	vld [tilespmem:s10+$0xFFFFFEE0];
	[tilespmem:v55+s16+$0x0] =	vst.idx.msk $0xffff, v42  }
0x182: {  	v50 =	vor.u32 s21, v6;
	v42 =	vadd.f32 v40, v33;
	v45 =	vld [tilespmem:s0+$0xFFFFFF60];
	[tilespmem:v49+s16+$0x0] =	vst.idx.msk $0xffff, v51  }
0x183: {  	s9 =	sadd.s32 $0x400, s9;
	v49 =	vor.u32 s3, v14;
	[tilespmem:v56+s16+$0x0] =	vst.idx.msk $0xffff, v52;
	v51 =	vadd.f32 v57, v33;
	v40 =	vld [tilespmem:s26+$0xFFFFFFE0]  }
0x184: {  	_ =	sdelay $0x1  }
0x185: {  	v48 =	vadd.f32 v48, v33  }
0x186: {  	v52 =	vld [tilespmem:s6+$0x70]  }
0x187: {  	[tilespmem:v50+s16+$0x0] =	vst.idx.msk $0xffff, v48  }
0x188: {  	v63 =	vor.u32 s5, v7;
	v50 =	vld [tilespmem:s6+$0xFFFFFE70]  }
0x189: {  	v47 =	vadd.f32 v47, v33  }
0x18a: {  	v53 =	vor.u32 s8, v7  }
0x18b: {  	[tilespmem:v49+s16+$0x0] =	vst.idx.msk $0xffff, v47;
	v55 =	vadd.f32 v52, v32  }
0x18c: {  	[tilespmem:v46+s16+$0x0] =	vst.idx.msk $0xffff, v51;
	v56 =	vld [tilespmem:s10+$0xFFFFFEF0]  }
0x18d: {  	v57 =	vld [tilespmem:s10+$0xF0];
	[tilespmem:v63+s16+$0x0] =	vst.idx.msk $0xffff, v55;
	v58 =	vadd.f32 v50, v32  }
0x18e: {  	v59 =	vor.u32 s3, v15;
	v60 =	vld [tilespmem:s6+$0x80]  }
0x18f: {  	v61 =	vor.u32 s11, v15;
	[tilespmem:v53+s16+$0x0] =	vst.idx.msk $0xffff, v58  }
0x190: {  	v62 =	vor.u32 s5, v8;
	v47 =	vld [tilespmem:s6+$0xFFFFFE80]  }
0x191: {  	v46 =	vadd.f32 v56, v32  }
0x192: {  	v49 =	vadd.f32 v57, v32;
	v63 =	vor.u32 s8, v8  }
0x193: {  	[tilespmem:v59+s16+$0x0] =	vst.idx.msk $0xffff, v46;
	v56 =	vadd.f32 v60, v35  }
0x194: {  	[tilespmem:v61+s16+$0x0] =	vst.idx.msk $0xffff, v49;
	v48 =	vld [tilespmem:s10+$0xFFFFFF00]  }
0x195: {  	v49 =	vld [tilespmem:s10+$0x100];
	[tilespmem:v62+s16+$0x0] =	vst.idx.msk $0xffff, v56;
	v57 =	vadd.f32 v47, v35  }
0x196: {  	v58 =	vor.u32 s3, v16;
	v59 =	vld [tilespmem:s6+$0x90]  }
0x197: {  	v60 =	vor.u32 s11, v16;
	[tilespmem:v63+s16+$0x0] =	vst.idx.msk $0xffff, v57  }
0x198: {  	v61 =	vor.u32 s5, v9;
	v62 =	vld [tilespmem:s6+$0xFFFFFE90]  }
0x199: {  	v48 =	vadd.f32 v48, v35  }
0x19a: {  	v49 =	vadd.f32 v49, v35;
	v63 =	vor.u32 s8, v9  }
0x19b: {  	[tilespmem:v58+s16+$0x0] =	vst.idx.msk $0xffff, v48;
	v54 =	vadd.f32 v59, v34  }
0x19c: {  	[tilespmem:v60+s16+$0x0] =	vst.idx.msk $0xffff, v49;
	v48 =	vld [tilespmem:s10+$0xFFFFFF10]  }
0x19d: {  	v49 =	vld [tilespmem:s10+$0x110];
	[tilespmem:v61+s16+$0x0] =	vst.idx.msk $0xffff, v54;
	v55 =	vadd.f32 v62, v34  }
0x19e: {  	v56 =	vor.u32 s3, v17;
	v57 =	vld [tilespmem:s6+$0xA0]  }
0x19f: {  	v58 =	vor.u32 s11, v17;
	[tilespmem:v63+s16+$0x0] =	vst.idx.msk $0xffff, v55  }
0x1a0: {  	v45 =	vadd.f32 v45, v33;
	v59 =	vor.u32 s5, v10;
	v60 =	vld [tilespmem:s6+$0xFFFFFEA0]  }
0x1a1: {  	v48 =	vadd.f32 v48, v34  }
0x1a2: {  	[tilespmem:v38+s16+$0x0] =	vst.idx.msk $0xffff, v45;
	v61 =	vadd.f32 v49, v34;
	v62 =	vor.u32 s8, v10  }
0x1a3: {  	v63 =	vld [tilespmem:s0+$0xFFFFFF70];
	[tilespmem:v56+s16+$0x0] =	vst.idx.msk $0xffff, v48;
	v55 =	vadd.f32 v57, v33  }
0x1a4: {  	[tilespmem:v58+s16+$0x0] =	vst.idx.msk $0xffff, v61;
	v38 =	vld [tilespmem:s10+$0xFFFFFF20]  }
0x1a5: {  	v56 =	vor.u32 s31, v23;
	v57 =	vld [tilespmem:s10+$0x120];
	[tilespmem:v59+s16+$0x0] =	vst.idx.msk $0xffff, v55;
	v58 =	vadd.f32 v60, v33  }
0x1a6: {  	v59 =	vor.u32 s3, v18;
	v60 =	vld [tilespmem:s6+$0xB0]  }
0x1a7: {  	v61 =	vor.u32 s11, v18;
	[tilespmem:v62+s16+$0x0] =	vst.idx.msk $0xffff, v58  }
0x1a8: {  	v62 =	vadd.f32 v63, v32;
	v63 =	vor.u32 s5, v11;
	v54 =	vld [tilespmem:s6+$0xFFFFFEB0]  }
0x1a9: {  	v38 =	vadd.f32 v38, v33  }
0x1aa: {  	v48 =	vor.u32 s8, v11;
	v55 =	vadd.f32 v57, v33;
	[tilespmem:v56+s16+$0x0] =	vst.idx.msk $0xffff, v62  }
0x1ab: {  	[tilespmem:v59+s16+$0x0] =	vst.idx.msk $0xffff, v38;
	v56 =	vld [tilespmem:s0+$0xFFFFFF80];
	v57 =	vadd.f32 v60, v32  }
0x1ac: {  	[tilespmem:v61+s16+$0x0] =	vst.idx.msk $0xffff, v55;
	v58 =	vld [tilespmem:s10+$0xFFFFFF30]  }
0x1ad: {  	v47 =	vor.u32 s31, v24;
	v59 =	vld [tilespmem:s10+$0x130];
	[tilespmem:v63+s16+$0x0] =	vst.idx.msk $0xffff, v57;
	v60 =	vadd.f32 v54, v32  }
0x1ae: {  	v61 =	vor.u32 s3, v19;
	v62 =	vld [tilespmem:s6+$0xC0]  }
0x1af: {  	v43 =	vadd.f32 v43, v33;
	v63 =	vor.u32 s11, v19;
	[tilespmem:v48+s16+$0x0] =	vst.idx.msk $0xffff, v60  }
0x1b0: {  	v55 =	vadd.f32 v56, v35;
	v56 =	vor.u32 s5, v12;
	v57 =	vld [tilespmem:s6+$0xFFFFFEC0]  }
0x1b1: {  	[tilespmem:v44+s16+$0x0] =	vst.idx.msk $0xffff, v43;
	v58 =	vadd.f32 v58, v32  }
0x1b2: {  	v44 =	vld [tilespmem:s0+$0x170];
	v59 =	vadd.f32 v59, v32;
	v60 =	vor.u32 s8, v12;
	[tilespmem:v47+s16+$0x0] =	vst.idx.msk $0xffff, v55  }
0x1b3: {  	[tilespmem:v61+s16+$0x0] =	vst.idx.msk $0xffff, v58;
	v47 =	vld [tilespmem:s0+$0xFFFFFF90];
	v61 =	vadd.f32 v62, v35  }
0x1b4: {  	v46 =	vor.u32 s1, v23;
	[tilespmem:v63+s16+$0x0] =	vst.idx.msk $0xffff, v59;
	v38 =	vld [tilespmem:s10+$0xFFFFFF40]  }
0x1b5: {  	v49 =	vor.u32 s31, v25;
	v62 =	vld [tilespmem:s10+$0x140];
	[tilespmem:v56+s16+$0x0] =	vst.idx.msk $0xffff, v61;
	v63 =	vadd.f32 v57, v35  }
0x1b6: {  	v56 =	vor.u32 s3, v20;
	v57 =	vld [tilespmem:s6+$0xD0]  }
0x1b7: {  	v44 =	vadd.f32 v44, v32;
	v58 =	vor.u32 s11, v20;
	[tilespmem:v60+s16+$0x0] =	vst.idx.msk $0xffff, v63  }
0x1b8: {  	v59 =	vadd.f32 v47, v34;
	v60 =	vor.u32 s5, v13;
	v61 =	vld [tilespmem:s6+$0xFFFFFED0]  }
0x1b9: {  	[tilespmem:v46+s16+$0x0] =	vst.idx.msk $0xffff, v44;
	v38 =	vadd.f32 v38, v35  }
0x1ba: {  	v44 =	vld [tilespmem:s0+$0x180];
	v62 =	vadd.f32 v62, v35;
	v63 =	vor.u32 s8, v13;
	[tilespmem:v49+s16+$0x0] =	vst.idx.msk $0xffff, v59  }
0x1bb: {  	[tilespmem:v56+s16+$0x0] =	vst.idx.msk $0xffff, v38;
	v49 =	vld [tilespmem:s0+$0xFFFFFFA0];
	v55 =	vadd.f32 v57, v34  }
0x1bc: {  	v48 =	vor.u32 s1, v24;
	[tilespmem:v58+s16+$0x0] =	vst.idx.msk $0xffff, v62;
	v43 =	vld [tilespmem:s10+$0xFFFFFF50]  }
0x1bd: {  	v50 =	vor.u32 s31, v26;
	v56 =	vld [tilespmem:s10+$0x150];
	[tilespmem:v60+s16+$0x0] =	vst.idx.msk $0xffff, v55;
	v57 =	vadd.f32 v61, v34  }
0x1be: {  	v58 =	vor.u32 s3, v21;
	v59 =	vld [tilespmem:s6+$0xE0]  }
0x1bf: {  	v44 =	vadd.f32 v44, v35;
	v60 =	vor.u32 s11, v21;
	[tilespmem:v63+s16+$0x0] =	vst.idx.msk $0xffff, v57  }
0x1c0: {  	v62 =	vor.u32 s5, v14;
	v61 =	vadd.f32 v49, v33;
	v63 =	vld [tilespmem:s6+$0xFFFFFEE0]  }
0x1c1: {  	[tilespmem:v48+s16+$0x0] =	vst.idx.msk $0xffff, v44;
	v43 =	vadd.f32 v43, v34  }
0x1c2: {  	v54 =	vor.u32 s8, v14;
	v44 =	vld [tilespmem:s0+$0x190];
	v53 =	vadd.f32 v56, v34;
	[tilespmem:v50+s16+$0x0] =	vst.idx.msk $0xffff, v61  }
0x1c3: {  	[tilespmem:v58+s16+$0x0] =	vst.idx.msk $0xffff, v43;
	v50 =	vld [tilespmem:s0+$0xFFFFFFB0];
	v55 =	vadd.f32 v59, v33  }
0x1c4: {  	v56 =	vor.u32 s1, v25;
	[tilespmem:v60+s16+$0x0] =	vst.idx.msk $0xffff, v53;
	v57 =	vld [tilespmem:s10+$0xFFFFFF60]  }
0x1c5: {  	v58 =	vor.u32 s31, v27;
	v59 =	vld [tilespmem:s10+$0x160];
	[tilespmem:v62+s16+$0x0] =	vst.idx.msk $0xffff, v55;
	v60 =	vadd.f32 v63, v33  }
0x1c6: {  	v46 =	vld [tilespmem:s6+$0xF0]  }
0x1c7: {  	v44 =	vadd.f32 v44, v34;
	v61 =	vor.u32 s11, v22;
	[tilespmem:v54+s16+$0x0] =	vst.idx.msk $0xffff, v60  }
0x1c8: {  	v63 =	vor.u32 s5, v15;
	v62 =	vadd.f32 v50, v32;
	v52 =	vld [tilespmem:s6+$0xFFFFFEF0]  }
0x1c9: {  	[tilespmem:v56+s16+$0x0] =	vst.idx.msk $0xffff, v44;
	v38 =	vadd.f32 v57, v33  }
0x1ca: {  	v44 =	vld [tilespmem:s0+$0x1A0];
	v53 =	vadd.f32 v59, v33;
	v54 =	vor.u32 s8, v15;
	[tilespmem:v58+s16+$0x0] =	vst.idx.msk $0xffff, v62  }
0x1cb: {  	[tilespmem:v37+s16+$0x0] =	vst.idx.msk $0xffff, v38;
	v47 =	vld [tilespmem:s0+$0xFFFFFFC0];
	v55 =	vadd.f32 v46, v32  }
0x1cc: {  	v56 =	vor.u32 s1, v26;
	[tilespmem:v61+s16+$0x0] =	vst.idx.msk $0xffff, v53;
	v57 =	vld [tilespmem:s10+$0xFFFFFF70]  }
0x1cd: {  	v58 =	vor.u32 s31, v28;
	v49 =	vld [tilespmem:s10+$0x170];
	[tilespmem:v63+s16+$0x0] =	vst.idx.msk $0xffff, v55;
	v59 =	vadd.f32 v52, v32  }
0x1ce: {  	v60 =	vor.u32 s3, v23;
	v61 =	vld [tilespmem:s6+$0x100]  }
0x1cf: {  	v62 =	vor.u32 s11, v23;
	v44 =	vadd.f32 v44, v33;
	[tilespmem:v54+s16+$0x0] =	vst.idx.msk $0xffff, v59  }
0x1d0: {  	[tilespmem:v41+s16+$0x0] =	vst.idx.msk $0xffff, v42;
	v53 =	vor.u32 s5, v16;
	v63 =	vadd.f32 v47, v35;
	v52 =	vld [tilespmem:s6+$0xFFFFFF00]  }
0x1d1: {  	[tilespmem:v56+s16+$0x0] =	vst.idx.msk $0xffff, v44;
	v54 =	vor.u32 s30, v30;
	v55 =	vadd.f32 v57, v32  }
0x1d2: {  	v43 =	vld [tilespmem:s0+$0x1B0];
	v56 =	vadd.f32 v49, v32;
	v57 =	vor.u32 s8, v16;
	[tilespmem:v58+s16+$0x0] =	vst.idx.msk $0xffff, v63  }
0x1d3: {  	v58 =	vor.u32 s14, v29;
	[tilespmem:v60+s16+$0x0] =	vst.idx.msk $0xffff, v55;
	v59 =	vld [tilespmem:s0+$0xFFFFFFD0];
	v60 =	vadd.f32 v61, v35  }
0x1d4: {  	v40 =	vadd.f32 v40, v33;
	v48 =	vor.u32 s1, v27;
	[tilespmem:v62+s16+$0x0] =	vst.idx.msk $0xffff, v56;
	v61 =	vld [tilespmem:s10+$0xFFFFFF80]  }
0x1d5: {  	v62 =	vor.u32 s31, v29;
	v63 =	vld [tilespmem:s10+$0x180];
	[tilespmem:v53+s16+$0x0] =	vst.idx.msk $0xffff, v60;
	v52 =	vadd.f32 v52, v35  }
0x1d6: {  	v39 =	vadd.f32 v39, v34;
	[tilespmem:v54+s16+$0x0] =	vst.idx.msk $0xffff, v40;
	v53 =	vor.u32 s3, v24;
	v54 =	vld [tilespmem:s6+$0x110]  }
0x1d7: {  	v55 =	vld [tilespmem:s12+$0x1F0];
	v56 =	vor.u32 s11, v24;
	v43 =	vadd.f32 v43, v32;
	[tilespmem:v57+s16+$0x0] =	vst.idx.msk $0xffff, v52  }
0x1d8: {  	[tilespmem:v58+s16+$0x0] =	vst.idx.msk $0xffff, v39;
	v58 =	vor.u32 s5, v17;
	v57 =	vadd.f32 v59, v34;
	v44 =	vld [tilespmem:s6+$0xFFFFFF10]  }
0x1d9: {  	[tilespmem:v48+s16+$0x0] =	vst.idx.msk $0xffff, v43;
	v59 =	vor.u32 s13, v31;
	v60 =	vld [tilespmem:s26+$0x1E0];
	v37 =	vadd.f32 v61, v35  }
0x1da: {  	v48 =	vor.u32 s8, v17;
	v43 =	vld [tilespmem:s0+$0x1C0];
	v61 =	vadd.f32 v63, v35;
	[tilespmem:v62+s16+$0x0] =	vst.idx.msk $0xffff, v57  }
0x1db: {  	v62 =	vor.u32 s14, v30;
	[tilespmem:v53+s16+$0x0] =	vst.idx.msk $0xffff, v37;
	v63 =	vld [tilespmem:s0+$0xFFFFFFE0];
	v51 =	vadd.f32 v54, v34  }
0x1dc: {  	v52 =	vadd.f32 v55, v32;
	v53 =	vor.u32 s1, v28;
	[tilespmem:v56+s16+$0x0] =	vst.idx.msk $0xffff, v61;
	v54 =	vld [tilespmem:s10+$0xFFFFFF90]  }
0x1dd: {  	v55 =	vor.u32 s31, v30;
	v45 =	vld [tilespmem:s10+$0x190];
	[tilespmem:v58+s16+$0x0] =	vst.idx.msk $0xffff, v51;
	v56 =	vadd.f32 v44, v34  }
0x1de: {  	[tilespmem:v59+s16+$0x0] =	vst.idx.msk $0xffff, v52;
	v57 =	vadd.f32 v60, v33;
	v58 =	vor.u32 s3, v25;
	v60 =	vld [tilespmem:s26+$0xFFFFFFF0]  }
0x1df: {  	v61 =	vor.u32 s11, v25;
	v43 =	vadd.f32 v43, v35;
	v59 =	vld [tilespmem:s6+$0x120];
	[tilespmem:v48+s16+$0x0] =	vst.idx.msk $0xffff, v56  }
0x1e0: {  	v52 =	vor.u32 s30, v31;
	[tilespmem:v62+s16+$0x0] =	vst.idx.msk $0xffff, v57;
	v62 =	vadd.f32 v63, v33;
	v48 =	vld [tilespmem:s6+$0xFFFFFF20]  }
0x1e1: {  	[tilespmem:v53+s16+$0x0] =	vst.idx.msk $0xffff, v43;
	v63 =	vor.u32 s5, v18;
	v42 =	vadd.f32 v54, v34  }
0x1e2: {  	v38 =	vor.u32 s8, v18;
	v53 =	vld [tilespmem:s26+$0x1F0];
	v54 =	vadd.f32 v45, v34;
	[tilespmem:v55+s16+$0x0] =	vst.idx.msk $0xffff, v62  }
0x1e3: {  	v43 =	vld [tilespmem:s0+$0x1D0];
	[tilespmem:v58+s16+$0x0] =	vst.idx.msk $0xffff, v42;
	v58 =	vadd.f32 v60, v32  }
0x1e4: {  	v55 =	vor.u32 s14, v31;
	[tilespmem:v61+s16+$0x0] =	vst.idx.msk $0xffff, v54;
	v56 =	vld [tilespmem:s0+$0xFFFFFFF0];
	v57 =	vadd.f32 v59, v33  }
0x1e5: {  	v59 =	vor.u32 s1, v29;
	v60 =	vld [tilespmem:s10+$0xFFFFFFA0];
	[tilespmem:v52+s16+$0x0] =	vst.idx.msk $0xffff, v58;
	v62 =	vadd.f32 v48, v33  }
0x1e6: {  	v61 =	vor.u32 s31, v31;
	v47 =	vld [tilespmem:s10+$0x1A0];
	[tilespmem:v63+s16+$0x0] =	vst.idx.msk $0xffff, v57  }
0x1e7: {  	v52 =	vor.u32 s3, v26;
	v63 =	vadd.f32 v53, v32;
	v53 =	vld [tilespmem:s6+$0x130];
	[tilespmem:v38+s16+$0x0] =	vst.idx.msk $0xffff, v62  }
0x1e8: {  	v54 =	vor.u32 s11, v26;
	v43 =	vadd.f32 v43, v34;
	v57 =	vld [tilespmem:s6+$0xFFFFFF30]  }
0x1e9: {  	[tilespmem:v55+s16+$0x0] =	vst.idx.msk $0xffff, v63;
	v55 =	vadd.f32 v56, v32;
	v56 =	vor.u32 s5, v19  }
0x1ea: {  	[tilespmem:v59+s16+$0x0] =	vst.idx.msk $0xffff, v43;
	v58 =	vadd.f32 v60, v33;
	v60 =	vor.u32 s8, v19  }
0x1eb: {  	v59 =	vadd.f32 v47, v33;
	[tilespmem:v61+s16+$0x0] =	vst.idx.msk $0xffff, v55  }
0x1ec: {  	v44 =	vld [tilespmem:s0+$0x1E0];
	[tilespmem:v52+s16+$0x0] =	vst.idx.msk $0xffff, v58;
	v61 =	vadd.f32 v53, v32  }
0x1ed: {  	[tilespmem:v54+s16+$0x0] =	vst.idx.msk $0xffff, v59;
	v42 =	vld [tilespmem:s10+$0xFFFFFFB0];
	v62 =	vadd.f32 v57, v32  }
0x1ee: {  	v37 =	vld [tilespmem:s10+$0x1B0];
	[tilespmem:v56+s16+$0x0] =	vst.idx.msk $0xffff, v61  }
0x1ef: {  	v63 =	vld [tilespmem:s6+$0x140];
	[tilespmem:v60+s16+$0x0] =	vst.idx.msk $0xffff, v62  }
0x1f0: {  	v38 =	vld [tilespmem:s6+$0xFFFFFF40]  }
0x1f1: {  	v46 =	vor.u32 s5, v20  }
0x1f2: {  	v45 =	vor.u32 s8, v20;
	_ =	sdelay $0x1  }
0x1f3: {  	v40 =	vadd.f32 v63, v35  }
0x1f4: {  	v38 =	vadd.f32 v38, v35  }
0x1f5: {  	[tilespmem:v46+s16+$0x0] =	vst.idx.msk $0xffff, v40  }
0x1f6: {  	v47 =	vld [tilespmem:s6+$0x150];
	[tilespmem:v45+s16+$0x0] =	vst.idx.msk $0xffff, v38  }
0x1f7: {  	v38 =	vld [tilespmem:s6+$0xFFFFFF50]  }
0x1f8: {  	v49 =	vor.u32 s5, v21  }
0x1f9: {  	v48 =	vor.u32 s8, v21;
	_ =	sdelay $0x1  }
0x1fa: {  	v39 =	vadd.f32 v47, v34  }
0x1fb: {  	v38 =	vadd.f32 v38, v34  }
0x1fc: {  	[tilespmem:v49+s16+$0x0] =	vst.idx.msk $0xffff, v39  }
0x1fd: {  	v39 =	vld [tilespmem:s6+$0x160];
	[tilespmem:v48+s16+$0x0] =	vst.idx.msk $0xffff, v38  }
0x1fe: {  	v38 =	vld [tilespmem:s6+$0xFFFFFF60]  }
0x1ff: {  	v50 =	vor.u32 s5, v22;
	_ =	sdelay $0x2  }
0x200: {  	v39 =	vadd.f32 v39, v33  }
0x201: {  	v38 =	vadd.f32 v38, v33  }
0x202: {  	[tilespmem:v50+s16+$0x0] =	vst.idx.msk $0xffff, v39  }
0x203: {  	v51 =	vld [tilespmem:s6+$0x170];
	[tilespmem:v36+s16+$0x0] =	vst.idx.msk $0xffff, v38  }
0x204: {  	v36 =	vld [tilespmem:s6+$0xFFFFFF70]  }
0x205: {  	v53 =	vor.u32 s5, v23  }
0x206: {  	v52 =	vor.u32 s8, v23;
	_ =	sdelay $0x1  }
0x207: {  	v38 =	vadd.f32 v51, v32  }
0x208: {  	v36 =	vadd.f32 v36, v32  }
0x209: {  	[tilespmem:v53+s16+$0x0] =	vst.idx.msk $0xffff, v38  }
0x20a: {  	v38 =	vld [tilespmem:s6+$0x180];
	[tilespmem:v52+s16+$0x0] =	vst.idx.msk $0xffff, v36  }
0x20b: {  	v36 =	vld [tilespmem:s6+$0xFFFFFF80]  }
0x20c: {  	v55 =	vor.u32 s5, v24  }
0x20d: {  	v54 =	vor.u32 s8, v24;
	_ =	sdelay $0x1  }
0x20e: {  	v38 =	vadd.f32 v38, v35  }
0x20f: {  	v36 =	vadd.f32 v36, v35  }
0x210: {  	[tilespmem:v55+s16+$0x0] =	vst.idx.msk $0xffff, v38  }
0x211: {  	v38 =	vld [tilespmem:s6+$0x190];
	[tilespmem:v54+s16+$0x0] =	vst.idx.msk $0xffff, v36  }
0x212: {  	v36 =	vld [tilespmem:s6+$0xFFFFFF90]  }
0x213: {  	v57 =	vor.u32 s5, v25  }
0x214: {  	v56 =	vor.u32 s8, v25;
	_ =	sdelay $0x1  }
0x215: {  	v38 =	vadd.f32 v38, v34  }
0x216: {  	v36 =	vadd.f32 v36, v34  }
0x217: {  	[tilespmem:v57+s16+$0x0] =	vst.idx.msk $0xffff, v38  }
0x218: {  	v38 =	vld [tilespmem:s6+$0x1A0];
	[tilespmem:v56+s16+$0x0] =	vst.idx.msk $0xffff, v36  }
0x219: {  	v36 =	vld [tilespmem:s6+$0xFFFFFFA0]  }
0x21a: {  	v59 =	vor.u32 s5, v26  }
0x21b: {  	v58 =	vor.u32 s8, v26;
	_ =	sdelay $0x1  }
0x21c: {  	v38 =	vadd.f32 v38, v33  }
0x21d: {  	v36 =	vadd.f32 v36, v33  }
0x21e: {  	[tilespmem:v59+s16+$0x0] =	vst.idx.msk $0xffff, v38  }
0x21f: {  	v61 =	vor.u32 s11, v27;
	v40 =	vld [tilespmem:s6+$0x1B0];
	[tilespmem:v58+s16+$0x0] =	vst.idx.msk $0xffff, v36  }
0x220: {  	v60 =	vor.u32 s3, v27;
	v39 =	vld [tilespmem:s6+$0xFFFFFFB0]  }
0x221: {  	v63 =	vor.u32 s5, v27  }
0x222: {  	v62 =	vor.u32 s8, v27;
	v37 =	vadd.f32 v37, v32  }
0x223: {  	v42 =	vadd.f32 v42, v32  }
0x224: {  	[tilespmem:v61+s16+$0x0] =	vst.idx.msk $0xffff, v37;
	v47 =	vadd.f32 v40, v32  }
0x225: {  	[tilespmem:v60+s16+$0x0] =	vst.idx.msk $0xffff, v42;
	v38 =	vld [tilespmem:s10+$0x1C0];
	v45 =	vadd.f32 v39, v32  }
0x226: {  	v46 =	vld [tilespmem:s10+$0xFFFFFFC0];
	[tilespmem:v63+s16+$0x0] =	vst.idx.msk $0xffff, v47  }
0x227: {  	v50 =	vor.u32 s11, v28;
	v51 =	vld [tilespmem:s6+$0x1C0];
	[tilespmem:v62+s16+$0x0] =	vst.idx.msk $0xffff, v45  }
0x228: {  	v48 =	vor.u32 s3, v28;
	v49 =	vld [tilespmem:s6+$0xFFFFFFC0]  }
0x229: {  	v53 =	vor.u32 s5, v28  }
0x22a: {  	v52 =	vor.u32 s8, v28;
	v38 =	vadd.f32 v38, v35  }
0x22b: {  	v39 =	vadd.f32 v46, v35  }
0x22c: {  	[tilespmem:v50+s16+$0x0] =	vst.idx.msk $0xffff, v38;
	v55 =	vadd.f32 v51, v35  }
0x22d: {  	v37 =	vld [tilespmem:s10+$0x1D0];
	[tilespmem:v48+s16+$0x0] =	vst.idx.msk $0xffff, v39;
	v54 =	vadd.f32 v49, v35  }
0x22e: {  	v39 =	vld [tilespmem:s10+$0xFFFFFFD0];
	[tilespmem:v53+s16+$0x0] =	vst.idx.msk $0xffff, v55  }
0x22f: {  	v58 =	vor.u32 s11, v29;
	v59 =	vld [tilespmem:s6+$0x1D0];
	[tilespmem:v52+s16+$0x0] =	vst.idx.msk $0xffff, v54  }
0x230: {  	v56 =	vor.u32 s3, v29;
	v57 =	vld [tilespmem:s6+$0xFFFFFFD0]  }
0x231: {  	v61 =	vor.u32 s5, v29  }
0x232: {  	v60 =	vor.u32 s8, v29;
	v37 =	vadd.f32 v37, v34  }
0x233: {  	v39 =	vadd.f32 v39, v34  }
0x234: {  	[tilespmem:v58+s16+$0x0] =	vst.idx.msk $0xffff, v37;
	v43 =	vadd.f32 v59, v34  }
0x235: {  	v37 =	vld [tilespmem:s10+$0x1E0];
	[tilespmem:v56+s16+$0x0] =	vst.idx.msk $0xffff, v39;
	v62 =	vadd.f32 v57, v34  }
0x236: {  	v45 =	vor.u32 s1, v30;
	v63 =	vld [tilespmem:s10+$0xFFFFFFE0];
	[tilespmem:v61+s16+$0x0] =	vst.idx.msk $0xffff, v43  }
0x237: {  	v48 =	vor.u32 s11, v30;
	v49 =	vld [tilespmem:s6+$0x1E0];
	[tilespmem:v60+s16+$0x0] =	vst.idx.msk $0xffff, v62  }
0x238: {  	v46 =	vor.u32 s3, v30;
	v47 =	vld [tilespmem:s6+$0xFFFFFFE0]  }
0x239: {  	v50 =	vadd.f32 v44, v33;
	v52 =	vor.u32 s5, v30  }
0x23a: {  	v51 =	vor.u32 s8, v30;
	v53 =	vadd.f32 v37, v33  }
0x23b: {  	[tilespmem:v45+s16+$0x0] =	vst.idx.msk $0xffff, v50;
	v38 =	vadd.f32 v63, v33  }
0x23c: {  	v54 =	vld [tilespmem:s0+$0x1F0];
	[tilespmem:v48+s16+$0x0] =	vst.idx.msk $0xffff, v53;
	v56 =	vadd.f32 v49, v33  }
0x23d: {  	v35 =	vld [tilespmem:s10+$0x1F0];
	[tilespmem:v46+s16+$0x0] =	vst.idx.msk $0xffff, v38;
	v55 =	vadd.f32 v47, v33  }
0x23e: {  	v57 =	vor.u32 s1, v31;
	v38 =	vld [tilespmem:s10+$0xFFFFFFF0];
	[tilespmem:v52+s16+$0x0] =	vst.idx.msk $0xffff, v56  }
0x23f: {  	v60 =	vor.u32 s11, v31;
	v61 =	vld [tilespmem:s6+$0x1F0];
	[tilespmem:v51+s16+$0x0] =	vst.idx.msk $0xffff, v55  }
0x240: {  	v58 =	vor.u32 s3, v31;
	v59 =	vld [tilespmem:s6+$0xFFFFFFF0]  }
0x241: {  	v37 =	vadd.f32 v54, v32;
	v63 =	vor.u32 s5, v31  }
0x242: {  	v62 =	vor.u32 s8, v31;
	v44 =	vadd.f32 v35, v32  }
0x243: {  	[tilespmem:v57+s16+$0x0] =	vst.idx.msk $0xffff, v37;
	v38 =	vadd.f32 v38, v32  }
0x244: {  	p1 =	seq.s32 s24, $0x18;
	[tilespmem:v60+s16+$0x0] =	vst.idx.msk $0xffff, v44;
	v46 =	vadd.f32 v61, v32  }
0x245: {  	s0 =	sshll.u32 @!p1 s24, $0x8;
	[tilespmem:v58+s16+$0x0] =	vst.idx.msk $0xffff, v38;
	v45 =	vadd.f32 v59, v32  }
0x246: {  	s12 =	sshll.u32 s28, $0x7;
	s26 =	sand.u32 @!p1 $0x3FFFFF00, s0;
	[tilespmem:v63+s16+$0x0] =	vst.idx.msk $0xffff, v46  }
0x247: {  	s3 =	simm.s32 @!p1 $0x4B00;
	s0 =	sadd.s32 @!p1 $0x3300, s26;
	s1 =	simm.s32 @!p1 $0x80;
	[tilespmem:v62+s16+$0x0] =	vst.idx.msk $0xffff, v45  }
0x248: {  	[tilespmem:s3], [sflag:$0x1] =	stream.indirect.gather @!p1 [hbm4b:s4+s1], $0x40, s0, s1, $0xb8;
	[tilespmem:$0xCB00] =	vst v63  }
0x249: {  	s0 =	sand.u32 $0x300, s12  }
0x24a: {  	s13 =	sshll.u32 s29, $0xD;
	s0 =	sadd.s32 s2, s0  }
0x24b: {  	s0 =	sadd.s32 s13, s0  }
0x24c: {  	[hbm4b:s0+s17] =	stream.strided.scatter [tilespmem:s16], [sflag:$0x3], $0x2000, s18, s17, $0x38;
	[tilespmem:$0xCB00] =	vst v63  }
0x24d: {  	_ =	swait.ge [sflag:s19], $0x2000  }
0x24e: {  	s14 =	sadd.s32 s25, s7;
	[sflag:s19] =	ssyncset.done $0x0  }
0x24f: {  	s25 =	sadd.s32 $0x1, s14;
	s0 =	simm.s32 @!p0 $0x4;
	[sflag:s19] =	ssyncadd.s32 $0xFFFFE000  }
0x250: {  	s28 =	sshrl.u32 s25, $0x3;
	_ =	swait.ge @!p0 [sflag:s0], $0x2000  }
0x251: {  	s21 =	sshll.u32 s28, $0x6;
	[sflag:s0] =	ssyncset.done @!p0 $0x0  }
0x252: {  	s22 =	sand.u32 $0x3FFFFFC0, s21;
	[sflag:s0] =	ssyncadd.s32 @!p0 $0xFFFFE000  }
0x253: {  	s29 =	simm.s32 $0x6D00;
	v35 =	vld [tilespmem:s22+$0x0]  }
0x254: {  	v47 =	vld [tilespmem:s29+$0xFFFFFE00]  }
0x255: {  	s23 =	simm.s32 $0x0  }
0x256: {  	v48 =	vor.u32 s23, v0;
	_ =	sdelay $0x1  }
0x257: {  	v34 =	vld [tilespmem:s22+$0x10]  }
0x258: {  	v33 =	vld [tilespmem:s22+$0x20];
	v36 =	vadd.f32 v47, v35  }
0x259: {  	v49 =	vld [tilespmem:s29+$0x0]  }
0x25a: {  	s30 =	simm.s32 $0x8;
	v32 =	vld [tilespmem:s22+$0x30];
	[tilespmem:v48+s20+$0x0] =	vst.idx.msk $0xffff, v36  }
0x25b: {  	v50 =	vor.u32 s30, v0;
	v37 =	vld [tilespmem:s29+$0xFFFFFE10];
	_ =	sdelay $0x1  }
0x25c: {  	v51 =	vor.u32 s23, v1  }
0x25d: {  	v38 =	vadd.f32 v49, v35;
	_ =	sdelay $0x1  }
0x25e: {  	[tilespmem:v50+s20+$0x0] =	vst.idx.msk $0xffff, v38;
	v52 =	vadd.f32 v37, v34  }
0x25f: {  	v53 =	vld [tilespmem:s29+$0x10]  }
0x260: {  	[tilespmem:v51+s20+$0x0] =	vst.idx.msk $0xffff, v52  }
0x261: {  	v54 =	vor.u32 s30, v1;
	v55 =	vld [tilespmem:s29+$0xFFFFFE20];
	_ =	sdelay $0x1  }
0x262: {  	v56 =	vor.u32 s23, v2  }
0x263: {  	v37 =	vadd.f32 v53, v34;
	_ =	sdelay $0x1  }
0x264: {  	[tilespmem:v54+s20+$0x0] =	vst.idx.msk $0xffff, v37;
	v57 =	vadd.f32 v55, v33  }
0x265: {  	v37 =	vld [tilespmem:s29+$0x20]  }
0x266: {  	[tilespmem:v56+s20+$0x0] =	vst.idx.msk $0xffff, v57  }
0x267: {  	v58 =	vor.u32 s30, v2;
	v59 =	vld [tilespmem:s29+$0xFFFFFE30];
	_ =	sdelay $0x1  }
0x268: {  	v60 =	vor.u32 s23, v3  }
0x269: {  	v37 =	vadd.f32 v37, v33;
	_ =	sdelay $0x1  }
0x26a: {  	[tilespmem:v58+s20+$0x0] =	vst.idx.msk $0xffff, v37;
	v61 =	vadd.f32 v59, v32  }
0x26b: {  	v37 =	vld [tilespmem:s29+$0x30]  }
0x26c: {  	[tilespmem:v60+s20+$0x0] =	vst.idx.msk $0xffff, v61  }
0x26d: {  	v62 =	vor.u32 s30, v3;
	v63 =	vld [tilespmem:s29+$0xFFFFFE40];
	_ =	sdelay $0x1  }
0x26e: {  	v42 =	vor.u32 s23, v4  }
0x26f: {  	v37 =	vadd.f32 v37, v32;
	_ =	sdelay $0x1  }
0x270: {  	[tilespmem:v62+s20+$0x0] =	vst.idx.msk $0xffff, v37;
	v43 =	vadd.f32 v63, v35  }
0x271: {  	v37 =	vld [tilespmem:s29+$0x40]  }
0x272: {  	[tilespmem:v42+s20+$0x0] =	vst.idx.msk $0xffff, v43  }
0x273: {  	v44 =	vor.u32 s30, v4;
	v45 =	vld [tilespmem:s29+$0xFFFFFE50];
	_ =	sdelay $0x1  }
0x274: {  	v46 =	vor.u32 s23, v5  }
0x275: {  	v37 =	vadd.f32 v37, v35;
	_ =	sdelay $0x1  }
0x276: {  	[tilespmem:v44+s20+$0x0] =	vst.idx.msk $0xffff, v37;
	v47 =	vadd.f32 v45, v34  }
0x277: {  	v37 =	vld [tilespmem:s29+$0x50]  }
0x278: {  	[tilespmem:v46+s20+$0x0] =	vst.idx.msk $0xffff, v47  }
0x279: {  	v48 =	vor.u32 s30, v5;
	v49 =	vld [tilespmem:s29+$0xFFFFFE60];
	_ =	sdelay $0x1  }
0x27a: {  	v50 =	vor.u32 s23, v6  }
0x27b: {  	v37 =	vadd.f32 v37, v34;
	_ =	sdelay $0x1  }
0x27c: {  	[tilespmem:v48+s20+$0x0] =	vst.idx.msk $0xffff, v37;
	v51 =	vadd.f32 v49, v33  }
0x27d: {  	v37 =	vld [tilespmem:s29+$0x60]  }
0x27e: {  	[tilespmem:v50+s20+$0x0] =	vst.idx.msk $0xffff, v51  }
0x27f: {  	v52 =	vor.u32 s30, v6;
	v53 =	vld [tilespmem:s29+$0xFFFFFE70];
	_ =	sdelay $0x1  }
0x280: {  	s1 =	simm.s32 $0x7100;
	v54 =	vor.u32 s23, v7  }
0x281: {  	v55 =	vld [tilespmem:s1+$0x0];
	v37 =	vadd.f32 v37, v33  }
0x282: {  	s31 =	simm.s32 $0x18  }
0x283: {  	v56 =	vor.u32 s31, v0;
	[tilespmem:v52+s20+$0x0] =	vst.idx.msk $0xffff, v37;
	v57 =	vadd.f32 v53, v32  }
0x284: {  	v58 =	vld [tilespmem:s29+$0x70]  }
0x285: {  	v59 =	vld [tilespmem:s1+$0xFFFFFE00];
	[tilespmem:v54+s20+$0x0] =	vst.idx.msk $0xffff, v57  }
0x286: {  	s0 =	simm.s32 $0x10;
	v60 =	vor.u32 s30, v7;
	v61 =	vadd.f32 v55, v35;
	v62 =	vld [tilespmem:s29+$0xFFFFFE80]  }
0x287: {  	v63 =	vor.u32 s0, v0  }
0x288: {  	[tilespmem:v56+s20+$0x0] =	vst.idx.msk $0xffff, v61;
	v44 =	vor.u32 s23, v8  }
0x289: {  	v39 =	vld [tilespmem:s1+$0x10];
	v38 =	vadd.f32 v58, v32  }
0x28a: {  	v41 =	vadd.f32 v59, v35  }
0x28b: {  	v45 =	vor.u32 s31, v1;
	[tilespmem:v60+s20+$0x0] =	vst.idx.msk $0xffff, v38;
	v46 =	vadd.f32 v62, v35  }
0x28c: {  	[tilespmem:v63+s20+$0x0] =	vst.idx.msk $0xffff, v41;
	v47 =	vld [tilespmem:s29+$0x80]  }
0x28d: {  	v41 =	vld [tilespmem:s1+$0xFFFFFE10];
	[tilespmem:v44+s20+$0x0] =	vst.idx.msk $0xffff, v46  }
0x28e: {  	v48 =	vor.u32 s30, v8;
	v49 =	vadd.f32 v39, v34;
	v50 =	vld [tilespmem:s29+$0xFFFFFE90]  }
0x28f: {  	v51 =	vor.u32 s0, v1  }
0x290: {  	[tilespmem:v45+s20+$0x0] =	vst.idx.msk $0xffff, v49;
	v52 =	vor.u32 s23, v9  }
0x291: {  	v54 =	vld [tilespmem:s1+$0x20];
	v53 =	vadd.f32 v47, v35  }
0x292: {  	v41 =	vadd.f32 v41, v34  }
0x293: {  	v55 =	vor.u32 s31, v2;
	[tilespmem:v48+s20+$0x0] =	vst.idx.msk $0xffff, v53;
	v56 =	vadd.f32 v50, v34  }
0x294: {  	[tilespmem:v51+s20+$0x0] =	vst.idx.msk $0xffff, v41;
	v57 =	vld [tilespmem:s29+$0x90]  }
0x295: {  	v41 =	vld [tilespmem:s1+$0xFFFFFE20];
	[tilespmem:v52+s20+$0x0] =	vst.idx.msk $0xffff, v56  }
0x296: {  	v58 =	vor.u32 s30, v9;
	v59 =	vadd.f32 v54, v33;
	v60 =	vld [tilespmem:s29+$0xFFFFFEA0]  }
0x297: {  	v61 =	vor.u32 s0, v2  }
0x298: {  	v62 =	vor.u32 s23, v10;
	[tilespmem:v55+s20+$0x0] =	vst.idx.msk $0xffff, v59  }
0x299: {  	v44 =	vld [tilespmem:s1+$0x30];
	v63 =	vadd.f32 v57, v34  }
0x29a: {  	v41 =	vadd.f32 v41, v33  }
0x29b: {  	v45 =	vor.u32 s31, v3;
	[tilespmem:v58+s20+$0x0] =	vst.idx.msk $0xffff, v63;
	v46 =	vadd.f32 v60, v33  }
0x29c: {  	[tilespmem:v61+s20+$0x0] =	vst.idx.msk $0xffff, v41;
	v47 =	vld [tilespmem:s29+$0xA0]  }
0x29d: {  	v41 =	vld [tilespmem:s1+$0xFFFFFE30];
	[tilespmem:v62+s20+$0x0] =	vst.idx.msk $0xffff, v46  }
0x29e: {  	v48 =	vor.u32 s30, v10;
	v49 =	vadd.f32 v44, v32;
	v50 =	vld [tilespmem:s29+$0xFFFFFEB0]  }
0x29f: {  	v51 =	vor.u32 s0, v3  }
0x2a0: {  	[tilespmem:v45+s20+$0x0] =	vst.idx.msk $0xffff, v49;
	v52 =	vor.u32 s23, v11  }
0x2a1: {  	v54 =	vld [tilespmem:s1+$0x40];
	v53 =	vadd.f32 v47, v33  }
0x2a2: {  	v41 =	vadd.f32 v41, v32  }
0x2a3: {  	v55 =	vor.u32 s31, v4;
	[tilespmem:v48+s20+$0x0] =	vst.idx.msk $0xffff, v53;
	v56 =	vadd.f32 v50, v32  }
0x2a4: {  	[tilespmem:v51+s20+$0x0] =	vst.idx.msk $0xffff, v41;
	v57 =	vld [tilespmem:s29+$0xB0]  }
0x2a5: {  	v41 =	vld [tilespmem:s1+$0xFFFFFE40];
	[tilespmem:v52+s20+$0x0] =	vst.idx.msk $0xffff, v56  }
0x2a6: {  	v58 =	vor.u32 s30, v11;
	v59 =	vadd.f32 v54, v35;
	v60 =	vld [tilespmem:s29+$0xFFFFFEC0]  }
0x2a7: {  	v61 =	vor.u32 s0, v4  }
0x2a8: {  	[tilespmem:v55+s20+$0x0] =	vst.idx.msk $0xffff, v59;
	v62 =	vor.u32 s23, v12  }
0x2a9: {  	v44 =	vld [tilespmem:s1+$0x50];
	v63 =	vadd.f32 v57, v32  }
0x2aa: {  	v41 =	vadd.f32 v41, v35  }
0x2ab: {  	v45 =	vor.u32 s31, v5;
	[tilespmem:v58+s20+$0x0] =	vst.idx.msk $0xffff, v63;
	v46 =	vadd.f32 v60, v35  }
0x2ac: {  	[tilespmem:v61+s20+$0x0] =	vst.idx.msk $0xffff, v41;
	v47 =	vld [tilespmem:s29+$0xC0]  }
0x2ad: {  	v41 =	vld [tilespmem:s1+$0xFFFFFE50];
	[tilespmem:v62+s20+$0x0] =	vst.idx.msk $0xffff, v46  }
0x2ae: {  	v48 =	vor.u32 s30, v12;
	v49 =	vadd.f32 v44, v34;
	v50 =	vld [tilespmem:s29+$0xFFFFFED0]  }
0x2af: {  	v51 =	vor.u32 s0, v5  }
0x2b0: {  	[tilespmem:v45+s20+$0x0] =	vst.idx.msk $0xffff, v49;
	v52 =	vor.u32 s23, v13  }
0x2b1: {  	v54 =	vld [tilespmem:s1+$0x60];
	v53 =	vadd.f32 v47, v35  }
0x2b2: {  	v41 =	vadd.f32 v41, v34  }
0x2b3: {  	v55 =	vor.u32 s31, v6;
	[tilespmem:v48+s20+$0x0] =	vst.idx.msk $0xffff, v53;
	v56 =	vadd.f32 v50, v34  }
0x2b4: {  	[tilespmem:v51+s20+$0x0] =	vst.idx.msk $0xffff, v41;
	v57 =	vld [tilespmem:s29+$0xD0]  }
0x2b5: {  	v41 =	vld [tilespmem:s1+$0xFFFFFE60];
	[tilespmem:v52+s20+$0x0] =	vst.idx.msk $0xffff, v56  }
0x2b6: {  	v58 =	vor.u32 s30, v13;
	v59 =	vadd.f32 v54, v33;
	v60 =	vld [tilespmem:s29+$0xFFFFFEE0]  }
0x2b7: {  	v61 =	vor.u32 s0, v6  }
0x2b8: {  	[tilespmem:v55+s20+$0x0] =	vst.idx.msk $0xffff, v59;
	v62 =	vor.u32 s23, v14  }
0x2b9: {  	v44 =	vld [tilespmem:s1+$0x70];
	v63 =	vadd.f32 v57, v34  }
0x2ba: {  	v41 =	vadd.f32 v41, v33  }
0x2bb: {  	v45 =	vor.u32 s31, v7;
	[tilespmem:v58+s20+$0x0] =	vst.idx.msk $0xffff, v63;
	v46 =	vadd.f32 v60, v33  }
0x2bc: {  	[tilespmem:v61+s20+$0x0] =	vst.idx.msk $0xffff, v41;
	v47 =	vld [tilespmem:s29+$0xE0]  }
0x2bd: {  	v41 =	vld [tilespmem:s1+$0xFFFFFE70];
	[tilespmem:v62+s20+$0x0] =	vst.idx.msk $0xffff, v46  }
0x2be: {  	v48 =	vor.u32 s30, v14;
	v49 =	vadd.f32 v44, v32;
	v50 =	vld [tilespmem:s29+$0xFFFFFEF0]  }
0x2bf: {  	s13 =	simm.s32 $0x7500;
	v51 =	vor.u32 s0, v7  }
0x2c0: {  	v53 =	vor.u32 s23, v15;
	[tilespmem:v45+s20+$0x0] =	vst.idx.msk $0xffff, v49;
	v52 =	vld [tilespmem:s13+$0x0]  }
0x2c1: {  	s12 =	simm.s32 $0x28;
	v55 =	vld [tilespmem:s1+$0x80];
	v54 =	vadd.f32 v47, v33  }
0x2c2: {  	v41 =	vadd.f32 v41, v32;
	v56 =	vor.u32 s12, v0  }
0x2c3: {  	v59 =	vor.u32 s31, v8;
	v57 =	vld [tilespmem:s13+$0xFFFFFE00];
	[tilespmem:v48+s20+$0x0] =	vst.idx.msk $0xffff, v54;
	v58 =	vadd.f32 v50, v32  }
0x2c4: {  	s14 =	simm.s32 $0x20;
	[tilespmem:v51+s20+$0x0] =	vst.idx.msk $0xffff, v41;
	v60 =	vld [tilespmem:s29+$0xF0]  }
0x2c5: {  	v61 =	vor.u32 s14, v0;
	v63 =	vld [tilespmem:s1+$0xFFFFFE80];
	v62 =	vadd.f32 v52, v35;
	[tilespmem:v53+s20+$0x0] =	vst.idx.msk $0xffff, v58  }
0x2c6: {  	v40 =	vadd.f32 v55, v35;
	v48 =	vor.u32 s30, v15;
	v38 =	vld [tilespmem:s29+$0xFFFFFF00]  }
0x2c7: {  	v49 =	vor.u32 s0, v8;
	[tilespmem:v56+s20+$0x0] =	vst.idx.msk $0xffff, v62  }
0x2c8: {  	v36 =	vadd.f32 v57, v35;
	[tilespmem:v59+s20+$0x0] =	vst.idx.msk $0xffff, v40;
	v44 =	vld [tilespmem:s13+$0x10];
	v50 =	vor.u32 s23, v16  }
0x2c9: {  	v40 =	vld [tilespmem:s1+$0x90];
	v51 =	vadd.f32 v60, v32  }
0x2ca: {  	v43 =	vadd.f32 v63, v35;
	[tilespmem:v61+s20+$0x0] =	vst.idx.msk $0xffff, v36;
	v52 =	vor.u32 s12, v1  }
0x2cb: {  	v55 =	vor.u32 s31, v9;
	v54 =	vld [tilespmem:s13+$0xFFFFFE10];
	[tilespmem:v48+s20+$0x0] =	vst.idx.msk $0xffff, v51;
	v53 =	vadd.f32 v38, v35  }
0x2cc: {  	[tilespmem:v49+s20+$0x0] =	vst.idx.msk $0xffff, v43;
	v39 =	vld [tilespmem:s29+$0x100]  }
0x2cd: {  	v43 =	vld [tilespmem:s1+$0xFFFFFE90];
	v56 =	vor.u32 s14, v1;
	v57 =	vadd.f32 v44, v34;
	[tilespmem:v50+s20+$0x0] =	vst.idx.msk $0xffff, v53  }
0x2ce: {  	v40 =	vadd.f32 v40, v34;
	v58 =	vor.u32 s30, v16;
	v59 =	vld [tilespmem:s29+$0xFFFFFF10]  }
0x2cf: {  	v60 =	vor.u32 s0, v9;
	[tilespmem:v52+s20+$0x0] =	vst.idx.msk $0xffff, v57  }
0x2d0: {  	v61 =	vor.u32 s23, v17;
	v37 =	vadd.f32 v54, v34;
	[tilespmem:v55+s20+$0x0] =	vst.idx.msk $0xffff, v40;
	v45 =	vld [tilespmem:s13+$0x20]  }
0x2d1: {  	v63 =	vld [tilespmem:s1+$0xA0];
	v62 =	vadd.f32 v39, v35  }
0x2d2: {  	v43 =	vadd.f32 v43, v34;
	[tilespmem:v56+s20+$0x0] =	vst.idx.msk $0xffff, v37;
	v48 =	vor.u32 s12, v2  }
0x2d3: {  	v37 =	vld [tilespmem:s13+$0xFFFFFE20];
	[tilespmem:v58+s20+$0x0] =	vst.idx.msk $0xffff, v62;
	v50 =	vor.u32 s31, v10;
	v49 =	vadd.f32 v59, v34  }
0x2d4: {  	[tilespmem:v60+s20+$0x0] =	vst.idx.msk $0xffff, v43;
	v51 =	vld [tilespmem:s29+$0x110]  }
0x2d5: {  	v52 =	vor.u32 s14, v2;
	v54 =	vld [tilespmem:s1+$0xFFFFFEA0];
	v53 =	vadd.f32 v45, v33;
	[tilespmem:v61+s20+$0x0] =	vst.idx.msk $0xffff, v49  }
0x2d6: {  	v55 =	vor.u32 s30, v17;
	v39 =	vadd.f32 v63, v33;
	v56 =	vld [tilespmem:s29+$0xFFFFFF20]  }
0x2d7: {  	v57 =	vor.u32 s0, v10;
	[tilespmem:v48+s20+$0x0] =	vst.idx.msk $0xffff, v53  }
0x2d8: {  	v37 =	vadd.f32 v37, v33;
	v58 =	vor.u32 s23, v18;
	v43 =	vld [tilespmem:s13+$0x30];
	[tilespmem:v50+s20+$0x0] =	vst.idx.msk $0xffff, v39  }
0x2d9: {  	v59 =	vadd.f32 v51, v34;
	v39 =	vld [tilespmem:s1+$0xB0]  }
0x2da: {  	v60 =	vor.u32 s12, v3;
	[tilespmem:v52+s20+$0x0] =	vst.idx.msk $0xffff, v37;
	v44 =	vadd.f32 v54, v33  }
0x2db: {  	v37 =	vld [tilespmem:s13+$0xFFFFFE30];
	v62 =	vor.u32 s31, v11;
	[tilespmem:v55+s20+$0x0] =	vst.idx.msk $0xffff, v59;
	v61 =	vadd.f32 v56, v33  }
0x2dc: {  	[tilespmem:v57+s20+$0x0] =	vst.idx.msk $0xffff, v44;
	v63 =	vld [tilespmem:s29+$0x120]  }
0x2dd: {  	v50 =	vor.u32 s14, v3;
	v48 =	vadd.f32 v43, v32;
	v49 =	vld [tilespmem:s1+$0xFFFFFEB0];
	[tilespmem:v58+s20+$0x0] =	vst.idx.msk $0xffff, v61  }
0x2de: {  	v51 =	vor.u32 s30, v18;
	v39 =	vadd.f32 v39, v32;
	v52 =	vld [tilespmem:s29+$0xFFFFFF30]  }
0x2df: {  	v53 =	vor.u32 s0, v11;
	[tilespmem:v60+s20+$0x0] =	vst.idx.msk $0xffff, v48  }
0x2e0: {  	v54 =	vor.u32 s23, v19;
	v37 =	vadd.f32 v37, v32;
	v41 =	vld [tilespmem:s13+$0x40];
	[tilespmem:v62+s20+$0x0] =	vst.idx.msk $0xffff, v39  }
0x2e1: {  	v55 =	vadd.f32 v63, v33;
	v39 =	vld [tilespmem:s1+$0xC0]  }
0x2e2: {  	[tilespmem:v50+s20+$0x0] =	vst.idx.msk $0xffff, v37;
	v43 =	vadd.f32 v49, v32;
	v56 =	vor.u32 s12, v4  }
0x2e3: {  	v37 =	vld [tilespmem:s13+$0xFFFFFE40];
	[tilespmem:v51+s20+$0x0] =	vst.idx.msk $0xffff, v55;
	v58 =	vor.u32 s31, v12;
	v57 =	vadd.f32 v52, v32  }
0x2e4: {  	[tilespmem:v53+s20+$0x0] =	vst.idx.msk $0xffff, v43;
	v44 =	vld [tilespmem:s29+$0x130]  }
0x2e5: {  	v59 =	vadd.f32 v41, v35;
	v60 =	vld [tilespmem:s1+$0xFFFFFEC0];
	v61 =	vor.u32 s14, v4;
	[tilespmem:v54+s20+$0x0] =	vst.idx.msk $0xffff, v57  }
0x2e6: {  	v62 =	vor.u32 s30, v19;
	v39 =	vadd.f32 v39, v35;
	v63 =	vld [tilespmem:s29+$0xFFFFFF40]  }
0x2e7: {  	v48 =	vor.u32 s0, v12;
	[tilespmem:v56+s20+$0x0] =	vst.idx.msk $0xffff, v59  }
0x2e8: {  	v49 =	vor.u32 s23, v20;
	v37 =	vadd.f32 v37, v35;
	v42 =	vld [tilespmem:s13+$0x50];
	[tilespmem:v58+s20+$0x0] =	vst.idx.msk $0xffff, v39  }
0x2e9: {  	v50 =	vadd.f32 v44, v32;
	v39 =	vld [tilespmem:s1+$0xD0]  }
0x2ea: {  	v51 =	vor.u32 s12, v5;
	v41 =	vadd.f32 v60, v35;
	[tilespmem:v61+s20+$0x0] =	vst.idx.msk $0xffff, v37  }
0x2eb: {  	v53 =	vor.u32 s31, v13;
	v37 =	vld [tilespmem:s13+$0xFFFFFE50];
	[tilespmem:v62+s20+$0x0] =	vst.idx.msk $0xffff, v50;
	v52 =	vadd.f32 v63, v35  }
0x2ec: {  	[tilespmem:v48+s20+$0x0] =	vst.idx.msk $0xffff, v41;
	v43 =	vld [tilespmem:s29+$0x140]  }
0x2ed: {  	v55 =	vor.u32 s14, v5;
	v41 =	vld [tilespmem:s1+$0xFFFFFED0];
	v54 =	vadd.f32 v42, v34;
	[tilespmem:v49+s20+$0x0] =	vst.idx.msk $0xffff, v52  }
0x2ee: {  	v56 =	vor.u32 s30, v20;
	v39 =	vadd.f32 v39, v34;
	v57 =	vld [tilespmem:s29+$0xFFFFFF50]  }
0x2ef: {  	v58 =	vor.u32 s0, v13;
	[tilespmem:v51+s20+$0x0] =	vst.idx.msk $0xffff, v54  }
0x2f0: {  	v59 =	vor.u32 s23, v21;
	v37 =	vadd.f32 v37, v34;
	v44 =	vld [tilespmem:s13+$0x60];
	[tilespmem:v53+s20+$0x0] =	vst.idx.msk $0xffff, v39  }
0x2f1: {  	v60 =	vadd.f32 v43, v35;
	v39 =	vld [tilespmem:s1+$0xE0]  }
0x2f2: {  	v61 =	vor.u32 s12, v6;
	v41 =	vadd.f32 v41, v34;
	[tilespmem:v55+s20+$0x0] =	vst.idx.msk $0xffff, v37  }
0x2f3: {  	v37 =	vld [tilespmem:s13+$0xFFFFFE60];
	v63 =	vor.u32 s31, v14;
	[tilespmem:v56+s20+$0x0] =	vst.idx.msk $0xffff, v60;
	v62 =	vadd.f32 v57, v34  }
0x2f4: {  	[tilespmem:v58+s20+$0x0] =	vst.idx.msk $0xffff, v41;
	v42 =	vld [tilespmem:s29+$0x150]  }
0x2f5: {  	v41 =	vld [tilespmem:s1+$0xFFFFFEE0];
	v49 =	vor.u32 s14, v6;
	v48 =	vadd.f32 v44, v33;
	[tilespmem:v59+s20+$0x0] =	vst.idx.msk $0xffff, v62  }
0x2f6: {  	v50 =	vor.u32 s30, v21;
	v39 =	vadd.f32 v39, v33;
	v51 =	vld [tilespmem:s29+$0xFFFFFF60]  }
0x2f7: {  	v52 =	vor.u32 s0, v14;
	[tilespmem:v61+s20+$0x0] =	vst.idx.msk $0xffff, v48  }
0x2f8: {  	v53 =	vor.u32 s23, v22;
	v37 =	vadd.f32 v37, v33;
	v54 =	vld [tilespmem:s13+$0x70];
	[tilespmem:v63+s20+$0x0] =	vst.idx.msk $0xffff, v39  }
0x2f9: {  	v55 =	vadd.f32 v42, v34;
	v39 =	vld [tilespmem:s1+$0xF0]  }
0x2fa: {  	v56 =	vor.u32 s12, v7;
	v41 =	vadd.f32 v41, v33;
	[tilespmem:v49+s20+$0x0] =	vst.idx.msk $0xffff, v37  }
0x2fb: {  	v58 =	vor.u32 s31, v15;
	v37 =	vld [tilespmem:s13+$0xFFFFFE70];
	[tilespmem:v50+s20+$0x0] =	vst.idx.msk $0xffff, v55;
	v57 =	vadd.f32 v51, v33  }
0x2fc: {  	[tilespmem:v52+s20+$0x0] =	vst.idx.msk $0xffff, v41;
	v44 =	vld [tilespmem:s29+$0x160]  }
0x2fd: {  	v60 =	vor.u32 s14, v7;
	v41 =	vld [tilespmem:s1+$0xFFFFFEF0];
	v59 =	vadd.f32 v54, v32;
	[tilespmem:v53+s20+$0x0] =	vst.idx.msk $0xffff, v57  }
0x2fe: {  	s10 =	simm.s32 $0x7900;
	v61 =	vor.u32 s30, v22;
	v39 =	vadd.f32 v39, v32;
	v62 =	vld [tilespmem:s29+$0xFFFFFF70]  }
0x2ff: {  	v46 =	vld [tilespmem:s10+$0x0];
	v63 =	vor.u32 s0, v15;
	[tilespmem:v56+s20+$0x0] =	vst.idx.msk $0xffff, v59  }
0x300: {  	s11 =	simm.s32 $0x38;
	v52 =	vor.u32 s23, v23;
	v37 =	vadd.f32 v37, v32;
	[tilespmem:v58+s20+$0x0] =	vst.idx.msk $0xffff, v39;
	v53 =	vld [tilespmem:s13+$0x80]  }
0x301: {  	v55 =	vor.u32 s11, v0;
	v54 =	vadd.f32 v44, v33;
	v56 =	vld [tilespmem:s1+$0x100]  }
0x302: {  	v41 =	vadd.f32 v41, v32;
	[tilespmem:v60+s20+$0x0] =	vst.idx.msk $0xffff, v37;
	v58 =	vor.u32 s12, v8;
	v57 =	vld [tilespmem:s10+$0xFFFFFE00]  }
0x303: {  	s3 =	simm.s32 $0x30;
	v60 =	vor.u32 s31, v16;
	v37 =	vld [tilespmem:s13+$0xFFFFFE80];
	[tilespmem:v61+s20+$0x0] =	vst.idx.msk $0xffff, v54;
	v59 =	vadd.f32 v62, v32  }
0x304: {  	v46 =	vadd.f32 v46, v35;
	[tilespmem:v63+s20+$0x0] =	vst.idx.msk $0xffff, v41;
	v61 =	vld [tilespmem:s29+$0x170];
	v62 =	vor.u32 s3, v0  }
0x305: {  	v63 =	vor.u32 s14, v8;
	v40 =	vld [tilespmem:s1+$0xFFFFFF00];
	v39 =	vadd.f32 v53, v35;
	[tilespmem:v52+s20+$0x0] =	vst.idx.msk $0xffff, v59  }
0x306: {  	[tilespmem:v55+s20+$0x0] =	vst.idx.msk $0xffff, v46;
	v53 =	vadd.f32 v56, v35;
	v52 =	vor.u32 s30, v23;
	v42 =	vld [tilespmem:s29+$0xFFFFFF80]  }
0x307: {  	v55 =	vld [tilespmem:s10+$0x10];
	v54 =	vadd.f32 v57, v35;
	v56 =	vor.u32 s0, v16;
	[tilespmem:v58+s20+$0x0] =	vst.idx.msk $0xffff, v39  }
0x308: {  	v37 =	vadd.f32 v37, v35;
	v57 =	vor.u32 s23, v24;
	[tilespmem:v60+s20+$0x0] =	vst.idx.msk $0xffff, v53;
	v39 =	vld [tilespmem:s13+$0x90]  }
0x309: {  	v58 =	vadd.f32 v61, v32;
	v59 =	vor.u32 s11, v1;
	v60 =	vld [tilespmem:s1+$0x110];
	[tilespmem:v62+s20+$0x0] =	vst.idx.msk $0xffff, v54  }
0x30a: {  	v40 =	vadd.f32 v40, v35;
	[tilespmem:v63+s20+$0x0] =	vst.idx.msk $0xffff, v37;
	v61 =	vor.u32 s12, v9;
	v46 =	vld [tilespmem:s10+$0xFFFFFE10]  }
0x30b: {  	v63 =	vld [tilespmem:s13+$0xFFFFFE90];
	[tilespmem:v52+s20+$0x0] =	vst.idx.msk $0xffff, v58;
	v52 =	vor.u32 s31, v17;
	v62 =	vadd.f32 v42, v35  }
0x30c: {  	v47 =	vadd.f32 v55, v34;
	v53 =	vor.u32 s3, v1;
	[tilespmem:v56+s20+$0x0] =	vst.idx.msk $0xffff, v40;
	v43 =	vld [tilespmem:s29+$0x180]  }
0x30d: {  	v40 =	vld [tilespmem:s1+$0xFFFFFF10];
	v54 =	vor.u32 s14, v9;
	v55 =	vadd.f32 v39, v34;
	[tilespmem:v57+s20+$0x0] =	vst.idx.msk $0xffff, v62  }
0x30e: {  	v56 =	vor.u32 s30, v24;
	[tilespmem:v59+s20+$0x0] =	vst.idx.msk $0xffff, v47;
	v45 =	vadd.f32 v60, v34;
	v57 =	vld [tilespmem:s29+$0xFFFFFF90]  }
0x30f: {  	v58 =	vor.u32 s0, v17;
	v47 =	vld [tilespmem:s10+$0x20];
	[tilespmem:v61+s20+$0x0] =	vst.idx.msk $0xffff, v55;
	v46 =	vadd.f32 v46, v34  }
0x310: {  	v59 =	vor.u32 s23, v25;
	v60 =	vadd.f32 v63, v34;
	v61 =	vld [tilespmem:s13+$0xA0];
	[tilespmem:v52+s20+$0x0] =	vst.idx.msk $0xffff, v45  }
0x311: {  	v63 =	vor.u32 s11, v2;
	v62 =	vadd.f32 v43, v35;
	[tilespmem:v53+s20+$0x0] =	vst.idx.msk $0xffff, v46;
	v45 =	vld [tilespmem:s1+$0x120]  }
0x312: {  	v40 =	vadd.f32 v40, v34;
	[tilespmem:v54+s20+$0x0] =	vst.idx.msk $0xffff, v60;
	v52 =	vor.u32 s12, v10;
	v46 =	vld [tilespmem:s10+$0xFFFFFE20]  }
0x313: {  	v55 =	vor.u32 s31, v18;
	v54 =	vld [tilespmem:s13+$0xFFFFFEA0];
	[tilespmem:v56+s20+$0x0] =	vst.idx.msk $0xffff, v62;
	v53 =	vadd.f32 v57, v34  }
0x314: {  	[tilespmem:v58+s20+$0x0] =	vst.idx.msk $0xffff, v40;
	v47 =	vadd.f32 v47, v33;
	v56 =	vld [tilespmem:s29+$0x190];
	v57 =	vor.u32 s3, v2  }
0x315: {  	v58 =	vor.u32 s14, v10;
	v40 =	vld [tilespmem:s1+$0xFFFFFF20];
	[tilespmem:v59+s20+$0x0] =	vst.idx.msk $0xffff, v53;
	v59 =	vadd.f32 v61, v33  }
0x316: {  	v60 =	vor.u32 s30, v25;
	[tilespmem:v63+s20+$0x0] =	vst.idx.msk $0xffff, v47;
	v45 =	vadd.f32 v45, v33;
	v61 =	vld [tilespmem:s29+$0xFFFFFFA0]  }
0x317: {  	v62 =	vor.u32 s0, v18;
	v47 =	vld [tilespmem:s10+$0x30];
	v46 =	vadd.f32 v46, v33;
	[tilespmem:v52+s20+$0x0] =	vst.idx.msk $0xffff, v59  }
0x318: {  	v63 =	vor.u32 s23, v26;
	v51 =	vadd.f32 v54, v33;
	[tilespmem:v55+s20+$0x0] =	vst.idx.msk $0xffff, v45;
	v52 =	vld [tilespmem:s13+$0xB0]  }
0x319: {  	v54 =	vor.u32 s11, v3;
	v53 =	vadd.f32 v56, v34;
	[tilespmem:v57+s20+$0x0] =	vst.idx.msk $0xffff, v46;
	v45 =	vld [tilespmem:s1+$0x130]  }
0x31a: {  	v40 =	vadd.f32 v40, v33;
	[tilespmem:v58+s20+$0x0] =	vst.idx.msk $0xffff, v51;
	v55 =	vor.u32 s12, v11;
	v46 =	vld [tilespmem:s10+$0xFFFFFE30]  }
0x31b: {  	v58 =	vor.u32 s31, v19;
	v57 =	vld [tilespmem:s13+$0xFFFFFEB0];
	[tilespmem:v60+s20+$0x0] =	vst.idx.msk $0xffff, v53;
	v56 =	vadd.f32 v61, v33  }
0x31c: {  	[tilespmem:v62+s20+$0x0] =	vst.idx.msk $0xffff, v40;
	v47 =	vadd.f32 v47, v32;
	v60 =	vor.u32 s3, v3;
	v59 =	vld [tilespmem:s29+$0x1A0]  }
0x31d: {  	v48 =	vld [tilespmem:s1+$0xFFFFFF30];
	v61 =	vor.u32 s14, v11;
	[tilespmem:v63+s20+$0x0] =	vst.idx.msk $0xffff, v56;
	v62 =	vadd.f32 v52, v32  }
0x31e: {  	[tilespmem:v54+s20+$0x0] =	vst.idx.msk $0xffff, v47;
	v63 =	vor.u32 s30, v26;
	v45 =	vadd.f32 v45, v32;
	v52 =	vld [tilespmem:s29+$0xFFFFFFB0]  }
0x31f: {  	v53 =	vor.u32 s0, v19;
	v47 =	vld [tilespmem:s10+$0x40];
	v46 =	vadd.f32 v46, v32;
	[tilespmem:v55+s20+$0x0] =	vst.idx.msk $0xffff, v62  }
0x320: {  	v37 =	vor.u32 s23, v27;
	v54 =	vadd.f32 v57, v32;
	[tilespmem:v58+s20+$0x0] =	vst.idx.msk $0xffff, v45;
	v55 =	vld [tilespmem:s13+$0xC0]  }
0x321: {  	v57 =	vor.u32 s11, v4;
	v56 =	vadd.f32 v59, v33;
	[tilespmem:v60+s20+$0x0] =	vst.idx.msk $0xffff, v46;
	v40 =	vld [tilespmem:s1+$0x140]  }
0x322: {  	v58 =	vadd.f32 v48, v32;
	[tilespmem:v61+s20+$0x0] =	vst.idx.msk $0xffff, v54;
	v59 =	vor.u32 s12, v12;
	v46 =	vld [tilespmem:s10+$0xFFFFFE40]  }
0x323: {  	v62 =	vor.u32 s31, v20;
	v61 =	vld [tilespmem:s13+$0xFFFFFEC0];
	[tilespmem:v63+s20+$0x0] =	vst.idx.msk $0xffff, v56;
	v60 =	vadd.f32 v52, v32  }
0x324: {  	v47 =	vadd.f32 v47, v35;
	[tilespmem:v53+s20+$0x0] =	vst.idx.msk $0xffff, v58;
	v63 =	vld [tilespmem:s29+$0x1B0];
	v52 =	vor.u32 s3, v4  }
0x325: {  	v54 =	vor.u32 s14, v12;
	v53 =	vld [tilespmem:s1+$0xFFFFFF40];
	[tilespmem:v37+s20+$0x0] =	vst.idx.msk $0xffff, v60;
	v55 =	vadd.f32 v55, v35  }
0x326: {  	v56 =	vor.u32 s30, v27;
	[tilespmem:v57+s20+$0x0] =	vst.idx.msk $0xffff, v47;
	v40 =	vadd.f32 v40, v35;
	v57 =	vld [tilespmem:s29+$0xFFFFFFC0]  }
0x327: {  	v58 =	vor.u32 s0, v20;
	v47 =	vld [tilespmem:s10+$0x50];
	v46 =	vadd.f32 v46, v35;
	[tilespmem:v59+s20+$0x0] =	vst.idx.msk $0xffff, v55  }
0x328: {  	v36 =	vor.u32 s23, v28;
	v59 =	vadd.f32 v61, v35;
	[tilespmem:v62+s20+$0x0] =	vst.idx.msk $0xffff, v40;
	v60 =	vld [tilespmem:s13+$0xD0]  }
0x329: {  	v62 =	vor.u32 s11, v5;
	v61 =	vadd.f32 v63, v32;
	[tilespmem:v52+s20+$0x0] =	vst.idx.msk $0xffff, v46;
	v63 =	vld [tilespmem:s1+$0x150]  }
0x32a: {  	v51 =	vadd.f32 v53, v35;
	v52 =	vor.u32 s12, v13;
	v46 =	vld [tilespmem:s10+$0xFFFFFE50];
	[tilespmem:v54+s20+$0x0] =	vst.idx.msk $0xffff, v59  }
0x32b: {  	v55 =	vor.u32 s31, v21;
	[tilespmem:v56+s20+$0x0] =	vst.idx.msk $0xffff, v61;
	v54 =	vld [tilespmem:s13+$0xFFFFFED0];
	v53 =	vadd.f32 v57, v35  }
0x32c: {  	v47 =	vadd.f32 v47, v34;
	[tilespmem:v58+s20+$0x0] =	vst.idx.msk $0xffff, v51;
	v56 =	vld [tilespmem:s29+$0x1C0];
	v57 =	vor.u32 s3, v5  }
0x32d: {  	v59 =	vor.u32 s14, v13;
	v58 =	vld [tilespmem:s1+$0xFFFFFF50];
	[tilespmem:v36+s20+$0x0] =	vst.idx.msk $0xffff, v53;
	v60 =	vadd.f32 v60, v34  }
0x32e: {  	v61 =	vor.u32 s30, v28;
	[tilespmem:v62+s20+$0x0] =	vst.idx.msk $0xffff, v47;
	v44 =	vadd.f32 v63, v34;
	v62 =	vld [tilespmem:s29+$0xFFFFFFD0]  }
0x32f: {  	v47 =	vld [tilespmem:s10+$0x60];
	v63 =	vor.u32 s0, v21;
	v46 =	vadd.f32 v46, v34;
	[tilespmem:v52+s20+$0x0] =	vst.idx.msk $0xffff, v60  }
0x330: {  	v52 =	vor.u32 s23, v29;
	v53 =	vadd.f32 v54, v34;
	[tilespmem:v55+s20+$0x0] =	vst.idx.msk $0xffff, v44;
	v54 =	vld [tilespmem:s13+$0xE0]  }
0x331: {  	v55 =	vadd.f32 v56, v35;
	v56 =	vor.u32 s11, v6;
	[tilespmem:v57+s20+$0x0] =	vst.idx.msk $0xffff, v46;
	v44 =	vld [tilespmem:s1+$0x160]  }
0x332: {  	v57 =	vadd.f32 v58, v34;
	v58 =	vor.u32 s12, v14;
	v46 =	vld [tilespmem:s10+$0xFFFFFE60];
	[tilespmem:v59+s20+$0x0] =	vst.idx.msk $0xffff, v53  }
0x333: {  	s6 =	simm.s32 $0x7D00;
	[tilespmem:v61+s20+$0x0] =	vst.idx.msk $0xffff, v55;
	v60 =	vld [tilespmem:s13+$0xFFFFFEE0];
	v61 =	vor.u32 s31, v22;
	v59 =	vadd.f32 v62, v34  }
0x334: {  	v49 =	vld [tilespmem:s6+$0xFFFFFE00];
	v47 =	vadd.f32 v47, v33;
	[tilespmem:v63+s20+$0x0] =	vst.idx.msk $0xffff, v57;
	v62 =	vor.u32 s3, v6  }
0x335: {  	v51 =	vor.u32 s14, v14;
	v63 =	vld [tilespmem:s1+$0xFFFFFF60];
	[tilespmem:v52+s20+$0x0] =	vst.idx.msk $0xffff, v59;
	v52 =	vadd.f32 v54, v33  }
0x336: {  	[tilespmem:v56+s20+$0x0] =	vst.idx.msk $0xffff, v47;
	v54 =	vadd.f32 v44, v33;
	v53 =	vld [tilespmem:s29+$0xFFFFFFE0]  }
0x337: {  	v55 =	vor.u32 s0, v22;
	v47 =	vld [tilespmem:s10+$0x70];
	v46 =	vadd.f32 v46, v33;
	[tilespmem:v58+s20+$0x0] =	vst.idx.msk $0xffff, v52  }
0x338: {  	v56 =	vor.u32 s23, v30;
	v57 =	vadd.f32 v60, v33;
	[tilespmem:v61+s20+$0x0] =	vst.idx.msk $0xffff, v54;
	v58 =	vld [tilespmem:s13+$0xF0]  }
0x339: {  	v59 =	vor.u32 s11, v7;
	[tilespmem:v62+s20+$0x0] =	vst.idx.msk $0xffff, v46;
	v43 =	vld [tilespmem:s1+$0x170]  }
0x33a: {  	v61 =	vor.u32 s12, v15;
	v60 =	vadd.f32 v63, v33;
	v46 =	vld [tilespmem:s10+$0xFFFFFE70];
	[tilespmem:v51+s20+$0x0] =	vst.idx.msk $0xffff, v57  }
0x33b: {  	v63 =	vor.u32 s31, v23;
	v40 =	vld [tilespmem:s13+$0xFFFFFEF0];
	v62 =	vadd.f32 v53, v33  }
0x33c: {  	v42 =	vld [tilespmem:s29+$0x1D0];
	[tilespmem:v55+s20+$0x0] =	vst.idx.msk $0xffff, v60;
	v47 =	vadd.f32 v47, v32;
	v53 =	vor.u32 s3, v7  }
0x33d: {  	v54 =	vor.u32 s14, v15;
	[tilespmem:v56+s20+$0x0] =	vst.idx.msk $0xffff, v62;
	v55 =	vadd.f32 v58, v32;
	v56 =	vld [tilespmem:s1+$0xFFFFFF70]  }
0x33e: {  	v52 =	vld [tilespmem:s6+$0x0];
	[tilespmem:v59+s20+$0x0] =	vst.idx.msk $0xffff, v47;
	v57 =	vadd.f32 v43, v32;
	v59 =	vor.u32 s30, v29  }
0x33f: {  	s5 =	simm.s32 $0x48;
	v60 =	vor.u32 s0, v23;
	v58 =	vld [tilespmem:s29+$0xFFFFFFF0];
	v46 =	vadd.f32 v46, v32;
	[tilespmem:v61+s20+$0x0] =	vst.idx.msk $0xffff, v55  }
0x340: {  	s21 =	simm.s32 $0x40;
	v62 =	vld [tilespmem:s10+$0x80];
	v61 =	vor.u32 s5, v0;
	v40 =	vadd.f32 v40, v32;
	[tilespmem:v63+s20+$0x0] =	vst.idx.msk $0xffff, v57  }
0x341: {  	v42 =	vadd.f32 v42, v34;
	v57 =	vor.u32 s21, v0;
	[tilespmem:v53+s20+$0x0] =	vst.idx.msk $0xffff, v46;
	v41 =	vld [tilespmem:s13+$0x100]  }
0x342: {  	v48 =	vor.u32 s11, v8;
	v36 =	vld [tilespmem:s1+$0x180];
	[tilespmem:v54+s20+$0x0] =	vst.idx.msk $0xffff, v40;
	v63 =	vadd.f32 v56, v32  }
0x343: {  	v46 =	vld [tilespmem:s10+$0xFFFFFE80];
	v54 =	vadd.f32 v52, v35;
	v56 =	vor.u32 s12, v16;
	[tilespmem:v59+s20+$0x0] =	vst.idx.msk $0xffff, v42  }
0x344: {  	v45 =	vor.u32 s23, v31;
	v52 =	vadd.f32 v49, v35;
	v55 =	vld [tilespmem:s13+$0xFFFFFF00];
	[tilespmem:v60+s20+$0x0] =	vst.idx.msk $0xffff, v63  }
0x345: {  	v59 =	vor.u32 s3, v8;
	[tilespmem:v61+s20+$0x0] =	vst.idx.msk $0xffff, v54;
	v60 =	vadd.f32 v62, v35;
	v61 =	vld [tilespmem:s1+$0xFFFFFF80]  }
0x346: {  	v63 =	vor.u32 s14, v16;
	[tilespmem:v57+s20+$0x0] =	vst.idx.msk $0xffff, v52;
	v62 =	vld [tilespmem:s6+$0x10];
	v41 =	vadd.f32 v41, v35  }
0x347: {  	v53 =	vor.u32 s0, v24;
	v58 =	vadd.f32 v58, v32;
	v40 =	vld [tilespmem:s29+$0x1E0];
	[tilespmem:v48+s20+$0x0] =	vst.idx.msk $0xffff, v60  }
0x348: {  	v54 =	vor.u32 s5, v1;
	v46 =	vadd.f32 v46, v35;
	v48 =	vld [tilespmem:s10+$0x90];
	[tilespmem:v56+s20+$0x0] =	vst.idx.msk $0xffff, v41  }
0x349: {  	[tilespmem:v45+s20+$0x0] =	vst.idx.msk $0xffff, v58;
	v55 =	vadd.f32 v55, v35;
	v56 =	vor.u32 s31, v24;
	v41 =	vld [tilespmem:s13+$0x110]  }
0x34a: {  	v57 =	vld [tilespmem:s6+$0xFFFFFE10];
	v58 =	vor.u32 s11, v9;
	[tilespmem:v59+s20+$0x0] =	vst.idx.msk $0xffff, v46;
	v43 =	vadd.f32 v61, v35  }
0x34b: {  	v60 =	vld [tilespmem:s10+$0xFFFFFE90];
	[tilespmem:v63+s20+$0x0] =	vst.idx.msk $0xffff, v55;
	v59 =	vadd.f32 v62, v34;
	v61 =	vor.u32 s12, v17  }
0x34c: {  	v36 =	vadd.f32 v36, v35;
	v62 =	vor.u32 s21, v1;
	v50 =	vld [tilespmem:s13+$0xFFFFFF10];
	[tilespmem:v53+s20+$0x0] =	vst.idx.msk $0xffff, v43  }
0x34d: {  	v63 =	vor.u32 s3, v9;
	[tilespmem:v54+s20+$0x0] =	vst.idx.msk $0xffff, v59;
	v52 =	vadd.f32 v48, v34;
	v53 =	vld [tilespmem:s1+$0xFFFFFF90]  }
0x34e: {  	v54 =	vor.u32 s14, v17;
	[tilespmem:v56+s20+$0x0] =	vst.idx.msk $0xffff, v36;
	v46 =	vld [tilespmem:s6+$0x20];
	v41 =	vadd.f32 v41, v34  }
0x34f: {  	v55 =	vadd.f32 v57, v34;
	v56 =	vor.u32 s0, v25;
	v42 =	vld [tilespmem:s1+$0x190];
	[tilespmem:v58+s20+$0x0] =	vst.idx.msk $0xffff, v52  }
0x350: {  	v43 =	vor.u32 s5, v2;
	v57 =	vadd.f32 v60, v34;
	v58 =	vld [tilespmem:s10+$0xA0];
	[tilespmem:v61+s20+$0x0] =	vst.idx.msk $0xffff, v41  }
0x351: {  	v60 =	vor.u32 s31, v25;
	[tilespmem:v62+s20+$0x0] =	vst.idx.msk $0xffff, v55;
	v59 =	vadd.f32 v50, v34;
	v37 =	vld [tilespmem:s13+$0x120]  }
0x352: {  	v61 =	vor.u32 s11, v10;
	v49 =	vld [tilespmem:s6+$0xFFFFFE20];
	[tilespmem:v63+s20+$0x0] =	vst.idx.msk $0xffff, v57;
	v62 =	vadd.f32 v53, v34  }
0x353: {  	v52 =	vld [tilespmem:s10+$0xFFFFFEA0];
	[tilespmem:v54+s20+$0x0] =	vst.idx.msk $0xffff, v59;
	v63 =	vadd.f32 v46, v33;
	v53 =	vor.u32 s12, v18  }
0x354: {  	v54 =	vor.u32 s21, v2;
	v55 =	vld [tilespmem:s13+$0xFFFFFF20];
	[tilespmem:v56+s20+$0x0] =	vst.idx.msk $0xffff, v62;
	v56 =	vadd.f32 v42, v34  }
0x355: {  	v57 =	vor.u32 s3, v10;
	[tilespmem:v43+s20+$0x0] =	vst.idx.msk $0xffff, v63;
	v58 =	vadd.f32 v58, v33;
	v44 =	vld [tilespmem:s1+$0xFFFFFFA0]  }
0x356: {  	v59 =	vor.u32 s14, v18;
	v45 =	vld [tilespmem:s6+$0x30];
	v37 =	vadd.f32 v37, v33;
	[tilespmem:v60+s20+$0x0] =	vst.idx.msk $0xffff, v56  }
0x357: {  	v60 =	vadd.f32 v49, v33;
	[tilespmem:v61+s20+$0x0] =	vst.idx.msk $0xffff, v58;
	v61 =	vor.u32 s0, v26;
	v41 =	vld [tilespmem:s1+$0x1A0]  }
0x358: {  	v62 =	vor.u32 s5, v3;
	v46 =	vadd.f32 v52, v33;
	v63 =	vld [tilespmem:s10+$0xB0];
	[tilespmem:v53+s20+$0x0] =	vst.idx.msk $0xffff, v37  }
0x359: {  	v52 =	vadd.f32 v55, v33;
	v53 =	vor.u32 s31, v26;
	[tilespmem:v54+s20+$0x0] =	vst.idx.msk $0xffff, v60;
	v37 =	vld [tilespmem:s13+$0x130]  }
0x35a: {  	[tilespmem:v57+s20+$0x0] =	vst.idx.msk $0xffff, v46;
	v54 =	vor.u32 s11, v11;
	v48 =	vld [tilespmem:s6+$0xFFFFFE30];
	v44 =	vadd.f32 v44, v33  }
0x35b: {  	v55 =	vor.u32 s12, v19;
	v46 =	vld [tilespmem:s10+$0xFFFFFEB0];
	[tilespmem:v59+s20+$0x0] =	vst.idx.msk $0xffff, v52;
	v45 =	vadd.f32 v45, v32  }
0x35c: {  	v56 =	vor.u32 s21, v3;
	v57 =	vld [tilespmem:s13+$0xFFFFFF30];
	[tilespmem:v61+s20+$0x0] =	vst.idx.msk $0xffff, v44;
	v58 =	vadd.f32 v41, v33  }
0x35d: {  	v59 =	vor.u32 s3, v11;
	[tilespmem:v62+s20+$0x0] =	vst.idx.msk $0xffff, v45;
	v60 =	vadd.f32 v63, v32;
	v44 =	vld [tilespmem:s1+$0xFFFFFFB0]  }
0x35e: {  	v61 =	vor.u32 s14, v19;
	v45 =	vld [tilespmem:s6+$0x40];
	v37 =	vadd.f32 v37, v32;
	[tilespmem:v53+s20+$0x0] =	vst.idx.msk $0xffff, v58  }
0x35f: {  	v63 =	vor.u32 s0, v27;
	v62 =	vadd.f32 v48, v32;
	[tilespmem:v54+s20+$0x0] =	vst.idx.msk $0xffff, v60;
	v52 =	vld [tilespmem:s1+$0x1B0]  }
0x360: {  	v53 =	vor.u32 s5, v4;
	v46 =	vadd.f32 v46, v32;
	v54 =	vld [tilespmem:s10+$0xC0];
	[tilespmem:v55+s20+$0x0] =	vst.idx.msk $0xffff, v37  }
0x361: {  	v55 =	vadd.f32 v57, v32;
	[tilespmem:v56+s20+$0x0] =	vst.idx.msk $0xffff, v62;
	v37 =	vld [tilespmem:s13+$0x140];
	v56 =	vor.u32 s31, v27  }
0x362: {  	v57 =	vor.u32 s11, v12;
	[tilespmem:v59+s20+$0x0] =	vst.idx.msk $0xffff, v46;
	v47 =	vld [tilespmem:s6+$0xFFFFFE40];
	v44 =	vadd.f32 v44, v32  }
0x363: {  	v58 =	vor.u32 s12, v20;
	v46 =	vld [tilespmem:s10+$0xFFFFFEC0];
	[tilespmem:v61+s20+$0x0] =	vst.idx.msk $0xffff, v55;
	v45 =	vadd.f32 v45, v35  }
0x364: {  	v59 =	vor.u32 s21, v4;
	v60 =	vld [tilespmem:s13+$0xFFFFFF40];
	[tilespmem:v63+s20+$0x0] =	vst.idx.msk $0xffff, v44;
	v61 =	vadd.f32 v52, v32  }
0x365: {  	v62 =	vor.u32 s3, v12;
	[tilespmem:v53+s20+$0x0] =	vst.idx.msk $0xffff, v45;
	v63 =	vadd.f32 v54, v35;
	v44 =	vld [tilespmem:s1+$0xFFFFFFC0]  }
0x366: {  	v52 =	vor.u32 s14, v20;
	v45 =	vld [tilespmem:s6+$0x50];
	v37 =	vadd.f32 v37, v35;
	[tilespmem:v56+s20+$0x0] =	vst.idx.msk $0xffff, v61  }
0x367: {  	v54 =	vor.u32 s0, v28;
	v53 =	vadd.f32 v47, v35;
	[tilespmem:v57+s20+$0x0] =	vst.idx.msk $0xffff, v63;
	v55 =	vld [tilespmem:s1+$0x1C0]  }
0x368: {  	v56 =	vor.u32 s5, v5;
	v46 =	vadd.f32 v46, v35;
	v57 =	vld [tilespmem:s10+$0xD0];
	[tilespmem:v58+s20+$0x0] =	vst.idx.msk $0xffff, v37  }
0x369: {  	v58 =	vadd.f32 v60, v35;
	[tilespmem:v59+s20+$0x0] =	vst.idx.msk $0xffff, v53;
	v37 =	vld [tilespmem:s13+$0x150];
	v59 =	vor.u32 s31, v28  }
0x36a: {  	v60 =	vor.u32 s11, v13;
	[tilespmem:v62+s20+$0x0] =	vst.idx.msk $0xffff, v46;
	v49 =	vld [tilespmem:s6+$0xFFFFFE50];
	v44 =	vadd.f32 v44, v35  }
0x36b: {  	v36 =	vor.u32 s12, v21;
	v46 =	vld [tilespmem:s10+$0xFFFFFED0];
	[tilespmem:v52+s20+$0x0] =	vst.idx.msk $0xffff, v58;
	v45 =	vadd.f32 v45, v34  }
0x36c: {  	v48 =	vor.u32 s21, v5;
	v61 =	vld [tilespmem:s13+$0xFFFFFF50];
	[tilespmem:v54+s20+$0x0] =	vst.idx.msk $0xffff, v44;
	v62 =	vadd.f32 v55, v35  }
0x36d: {  	v63 =	vor.u32 s3, v13;
	[tilespmem:v56+s20+$0x0] =	vst.idx.msk $0xffff, v45;
	v55 =	vadd.f32 v57, v34;
	v44 =	vld [tilespmem:s1+$0xFFFFFFD0]  }
0x36e: {  	v56 =	vor.u32 s14, v21;
	v45 =	vld [tilespmem:s6+$0x60];
	v37 =	vadd.f32 v37, v34;
	[tilespmem:v59+s20+$0x0] =	vst.idx.msk $0xffff, v62  }
0x36f: {  	v58 =	vor.u32 s0, v29;
	v57 =	vadd.f32 v49, v34;
	[tilespmem:v60+s20+$0x0] =	vst.idx.msk $0xffff, v55;
	v39 =	vld [tilespmem:s1+$0x1D0]  }
0x370: {  	v59 =	vor.u32 s5, v6;
	v46 =	vadd.f32 v46, v34;
	v60 =	vld [tilespmem:s10+$0xE0];
	[tilespmem:v36+s20+$0x0] =	vst.idx.msk $0xffff, v37  }
0x371: {  	v41 =	vor.u32 s30, v30;
	v61 =	vadd.f32 v61, v34;
	[tilespmem:v48+s20+$0x0] =	vst.idx.msk $0xffff, v57;
	v43 =	vld [tilespmem:s13+$0x160]  }
0x372: {  	[tilespmem:v63+s20+$0x0] =	vst.idx.msk $0xffff, v46;
	v46 =	vor.u32 s11, v14;
	v50 =	vld [tilespmem:s6+$0xFFFFFE60];
	v62 =	vadd.f32 v44, v34  }
0x373: {  	v38 =	vor.u32 s14, v22;
	v47 =	vld [tilespmem:s10+$0xFFFFFEE0];
	[tilespmem:v56+s20+$0x0] =	vst.idx.msk $0xffff, v61;
	v63 =	vadd.f32 v45, v33;
	v44 =	vor.u32 s12, v22  }
0x374: {  	v51 =	vor.u32 s21, v6;
	v42 =	vadd.f32 v40, v33;
	v36 =	vor.u32 s3, v22;
	v45 =	vld [tilespmem:s13+$0xFFFFFF60];
	[tilespmem:v58+s20+$0x0] =	vst.idx.msk $0xffff, v62  }
0x375: {  	s9 =	simm.s32 $0x8100;
	s8 =	simm.s32 $0x40;
	s22 =	simm.s32 $0x8;
	v37 =	vor.u32 s21, v22;
	v48 =	vor.u32 s3, v14;
	[tilespmem:v59+s20+$0x0] =	vst.idx.msk $0xffff, v63;
	v49 =	vadd.f32 v60, v33;
	v40 =	vld [tilespmem:s1+$0xFFFFFFE0]  }
.LBB2_5:
0x376: {  	s22 =	sadd.s32 $0x2, s22;
	v52 =	vld [tilespmem:s6+$0x70];
	s21 =	sadd.s32 $0x10, s21;
	v43 =	vadd.f32 v43, v33;
	[tilespmem:v41+s20+$0x0] =	vst.idx.msk $0xffff, v42  }
0x377: {  	v41 =	vor.u32 s21, v22;
	s23 =	sadd.s32 $0x8, s21;
	p0 =	slt.u32 s22, $0xE;
	v42 =	vadd.f32 v50, v33;
	[tilespmem:v46+s20+$0x0] =	vst.idx.msk $0xffff, v49;
	v46 =	vor.u32 s0, v30;
	v49 =	vld [tilespmem:s29+$0x1F0];
	s29 =	smov.u32 s1  }
0x378: {  	v53 =	vor.u32 s5, v7;
	s1 =	smov.u32 s13;
	s13 =	smov.u32 s10;
	v50 =	vor.u32 s23, v0;
	v47 =	vadd.f32 v47, v33;
	v54 =	vld [tilespmem:s10+$0xF0];
	[tilespmem:v44+s20+$0x0] =	vst.idx.msk $0xffff, v43;
	s10 =	smov.u32 s6  }
0x379: {  	v44 =	vor.u32 s30, v31;
	s30 =	smov.u32 s31;
	s31 =	smov.u32 s12;
	s12 =	smov.u32 s11;
	[tilespmem:v51+s20+$0x0] =	vst.idx.msk $0xffff, v42;
	v42 =	vadd.f32 v45, v33;
	v43 =	vld [tilespmem:s1+$0x170]  }
0x37a: {  	s11 =	smov.u32 s5;
	s5 =	smov.u32 s23;
	s6 =	smov.u32 s9;
	v45 =	vor.u32 s21, v0;
	v51 =	vld [tilespmem:s10+$0xFFFFFE70];
	[tilespmem:v48+s20+$0x0] =	vst.idx.msk $0xffff, v47;
	v47 =	vor.u32 s12, v15;
	v40 =	vadd.f32 v40, v33  }
0x37b: {  	v48 =	vadd.f32 v52, v32;
	v52 =	vld [tilespmem:s13+$0xFFFFFEF0];
	[tilespmem:v38+s20+$0x0] =	vst.idx.msk $0xffff, v42;
	v42 =	vor.u32 s31, v23;
	v38 =	vmovc v36;
	v36 =	vmov v37  }
0x37c: {  	v56 =	vor.u32 s8, v7;
	v37 =	vmov v41;
	v55 =	vld [tilespmem:s9+$0x0];
	[tilespmem:v46+s20+$0x0] =	vst.idx.msk $0xffff, v40;
	v40 =	vadd.f32 v49, v32  }
0x37d: {  	v41 =	vor.u32 s3, v15;
	[tilespmem:v53+s20+$0x0] =	vst.idx.msk $0xffff, v48;
	v46 =	vadd.f32 v54, v32;
	v48 =	vld [tilespmem:s1+$0xFFFFFF70]  }
0x37e: {  	v53 =	vor.u32 s30, v29;
	v43 =	vadd.f32 v43, v32;
	v49 =	vld [tilespmem:s29+$0xFFFFFFF0];
	[tilespmem:v44+s20+$0x0] =	vst.idx.msk $0xffff, v40  }
0x37f: {  	v40 =	vld [tilespmem:s9+$0xFFFFFE00];
	v44 =	vadd.f32 v51, v32;
	[tilespmem:v47+s20+$0x0] =	vst.idx.msk $0xffff, v46;
	v46 =	vor.u32 s14, v23  }
0x380: {  	v47 =	vor.u32 s5, v1;
	v51 =	vld [tilespmem:s10+$0x80];
	v52 =	vadd.f32 v52, v32;
	[tilespmem:v42+s20+$0x0] =	vst.idx.msk $0xffff, v43  }
0x381: {  	v39 =	vadd.f32 v39, v34;
	v42 =	vadd.f32 v55, v35;
	[tilespmem:v56+s20+$0x0] =	vst.idx.msk $0xffff, v44;
	v43 =	vld [tilespmem:s13+$0x100];
	v44 =	vor.u32 s0, v31;
	s0 =	smov.u32 s14;
	s14 =	smov.u32 s3;
	s3 =	smov.u32 s8  }
0x382: {  	v55 =	vor.u32 s11, v8;
	s8 =	smov.u32 s21;
	v54 =	vld [tilespmem:s10+$0xFFFFFE80];
	[tilespmem:v41+s20+$0x0] =	vst.idx.msk $0xffff, v52;
	v41 =	vadd.f32 v48, v32  }
0x383: {  	v52 =	vor.u32 s12, v16;
	v48 =	vld [tilespmem:s13+$0xFFFFFF00];
	[tilespmem:v53+s20+$0x0] =	vst.idx.msk $0xffff, v39  }
0x384: {  	[tilespmem:v46+s20+$0x0] =	vst.idx.msk $0xffff, v41;
	v39 =	vld [tilespmem:s1+$0x180];
	v41 =	vadd.f32 v49, v32  }
0x385: {  	v46 =	vadd.f32 v40, v35;
	[tilespmem:v50+s20+$0x0] =	vst.idx.msk $0xffff, v42;
	v42 =	vor.u32 s3, v8;
	v40 =	vadd.f32 v51, v35;
	v49 =	vld [tilespmem:s1+$0xFFFFFF80]  }
0x386: {  	v51 =	vor.u32 s14, v16;
	v50 =	vld [tilespmem:s9+$0x10];
	v43 =	vadd.f32 v43, v35;
	[tilespmem:v44+s20+$0x0] =	vst.idx.msk $0xffff, v41  }
0x387: {  	v41 =	vor.u32 s0, v24;
	[tilespmem:v55+s20+$0x0] =	vst.idx.msk $0xffff, v40;
	v40 =	vld [tilespmem:s29+$0x1E0]  }
0x388: {  	v44 =	vadd.f32 v54, v35;
	v53 =	vld [tilespmem:s10+$0x90];
	[tilespmem:v52+s20+$0x0] =	vst.idx.msk $0xffff, v43  }
0x389: {  	v43 =	vor.u32 s21, v1;
	[tilespmem:v45+s20+$0x0] =	vst.idx.msk $0xffff, v46;
	v45 =	vadd.f32 v48, v35;
	v46 =	vld [tilespmem:s13+$0x110];
	v48 =	vor.u32 s31, v24  }
0x38a: {  	v52 =	vld [tilespmem:s9+$0xFFFFFE10];
	[tilespmem:v42+s20+$0x0] =	vst.idx.msk $0xffff, v44;
	v42 =	vor.u32 s11, v9;
	v44 =	vadd.f32 v49, v35  }
0x38b: {  	v49 =	vadd.f32 v50, v34;
	v50 =	vld [tilespmem:s10+$0xFFFFFE90];
	[tilespmem:v51+s20+$0x0] =	vst.idx.msk $0xffff, v45;
	v45 =	vor.u32 s12, v17  }
0x38c: {  	v39 =	vadd.f32 v39, v35;
	v51 =	vld [tilespmem:s13+$0xFFFFFF10];
	[tilespmem:v41+s20+$0x0] =	vst.idx.msk $0xffff, v44  }
0x38d: {  	v41 =	vor.u32 s3, v9;
	[tilespmem:v47+s20+$0x0] =	vst.idx.msk $0xffff, v49;
	v44 =	vadd.f32 v53, v34;
	v47 =	vld [tilespmem:s1+$0xFFFFFF90]  }
0x38e: {  	v54 =	vor.u32 s14, v17;
	v53 =	vor.u32 s5, v2;
	v49 =	vld [tilespmem:s9+$0x20];
	v46 =	vadd.f32 v46, v34;
	[tilespmem:v48+s20+$0x0] =	vst.idx.msk $0xffff, v39  }
0x38f: {  	v39 =	vadd.f32 v52, v34;
	[tilespmem:v42+s20+$0x0] =	vst.idx.msk $0xffff, v44;
	v42 =	vor.u32 s0, v25;
	v44 =	vld [tilespmem:s1+$0x190]  }
0x390: {  	v48 =	vadd.f32 v50, v34;
	v50 =	vld [tilespmem:s10+$0xA0];
	[tilespmem:v45+s20+$0x0] =	vst.idx.msk $0xffff, v46  }
0x391: {  	v45 =	vor.u32 s31, v25;
	[tilespmem:v43+s20+$0x0] =	vst.idx.msk $0xffff, v39;
	v39 =	vadd.f32 v51, v34;
	v43 =	vld [tilespmem:s13+$0x120]  }
0x392: {  	v51 =	vor.u32 s21, v2;
	v46 =	vld [tilespmem:s9+$0xFFFFFE20];
	[tilespmem:v41+s20+$0x0] =	vst.idx.msk $0xffff, v48;
	v41 =	vor.u32 s11, v10;
	v47 =	vadd.f32 v47, v34  }
0x393: {  	v48 =	vadd.f32 v49, v33;
	v49 =	vld [tilespmem:s10+$0xFFFFFEA0];
	[tilespmem:v54+s20+$0x0] =	vst.idx.msk $0xffff, v39;
	v39 =	vor.u32 s12, v18  }
0x394: {  	v52 =	vld [tilespmem:s13+$0xFFFFFF20];
	[tilespmem:v42+s20+$0x0] =	vst.idx.msk $0xffff, v47;
	v42 =	vadd.f32 v44, v34  }
0x395: {  	v44 =	vor.u32 s3, v10;
	[tilespmem:v53+s20+$0x0] =	vst.idx.msk $0xffff, v48;
	v47 =	vadd.f32 v50, v33;
	v48 =	vld [tilespmem:s1+$0xFFFFFFA0]  }
0x396: {  	v53 =	vor.u32 s14, v18;
	v50 =	vld [tilespmem:s9+$0x30];
	v43 =	vadd.f32 v43, v33;
	[tilespmem:v45+s20+$0x0] =	vst.idx.msk $0xffff, v42  }
0x397: {  	v42 =	vadd.f32 v46, v33;
	[tilespmem:v41+s20+$0x0] =	vst.idx.msk $0xffff, v47;
	v41 =	vor.u32 s0, v26;
	v45 =	vld [tilespmem:s1+$0x1A0]  }
0x398: {  	v46 =	vor.u32 s5, v3;
	v47 =	vadd.f32 v49, v33;
	v49 =	vld [tilespmem:s10+$0xB0];
	[tilespmem:v39+s20+$0x0] =	vst.idx.msk $0xffff, v43  }
0x399: {  	v43 =	vor.u32 s31, v26;
	[tilespmem:v51+s20+$0x0] =	vst.idx.msk $0xffff, v42;
	v39 =	vadd.f32 v52, v33;
	v42 =	vld [tilespmem:s13+$0x130]  }
0x39a: {  	v51 =	vld [tilespmem:s9+$0xFFFFFE30];
	[tilespmem:v44+s20+$0x0] =	vst.idx.msk $0xffff, v47;
	v44 =	vor.u32 s11, v11;
	v47 =	vadd.f32 v48, v33  }
0x39b: {  	v48 =	vadd.f32 v50, v32;
	v50 =	vld [tilespmem:s10+$0xFFFFFEB0];
	[tilespmem:v53+s20+$0x0] =	vst.idx.msk $0xffff, v39;
	v39 =	vor.u32 s12, v19  }
0x39c: {  	v52 =	vor.u32 s21, v3;
	v53 =	vld [tilespmem:s13+$0xFFFFFF30];
	[tilespmem:v41+s20+$0x0] =	vst.idx.msk $0xffff, v47;
	v41 =	vadd.f32 v45, v33  }
0x39d: {  	v45 =	vor.u32 s3, v11;
	[tilespmem:v46+s20+$0x0] =	vst.idx.msk $0xffff, v48;
	v46 =	vadd.f32 v49, v32;
	v47 =	vld [tilespmem:s1+$0xFFFFFFB0]  }
0x39e: {  	v49 =	vor.u32 s14, v19;
	v48 =	vld [tilespmem:s9+$0x40];
	v42 =	vadd.f32 v42, v32;
	[tilespmem:v43+s20+$0x0] =	vst.idx.msk $0xffff, v41  }
0x39f: {  	v43 =	vor.u32 s0, v27;
	v41 =	vadd.f32 v51, v32;
	[tilespmem:v44+s20+$0x0] =	vst.idx.msk $0xffff, v46;
	v44 =	vld [tilespmem:s1+$0x1B0]  }
0x3a0: {  	v46 =	vor.u32 s5, v4;
	v50 =	vadd.f32 v50, v32;
	v51 =	vld [tilespmem:s10+$0xC0];
	[tilespmem:v39+s20+$0x0] =	vst.idx.msk $0xffff, v42  }
0x3a1: {  	v42 =	vor.u32 s31, v27;
	[tilespmem:v52+s20+$0x0] =	vst.idx.msk $0xffff, v41;
	v39 =	vadd.f32 v53, v32;
	v41 =	vld [tilespmem:s13+$0x140]  }
0x3a2: {  	v52 =	vld [tilespmem:s9+$0xFFFFFE40];
	[tilespmem:v45+s20+$0x0] =	vst.idx.msk $0xffff, v50;
	v45 =	vor.u32 s11, v12;
	v47 =	vadd.f32 v47, v32  }
0x3a3: {  	v48 =	vadd.f32 v48, v35;
	v50 =	vld [tilespmem:s10+$0xFFFFFEC0];
	[tilespmem:v49+s20+$0x0] =	vst.idx.msk $0xffff, v39;
	v39 =	vor.u32 s12, v20  }
0x3a4: {  	v49 =	vor.u32 s21, v4;
	v53 =	vld [tilespmem:s13+$0xFFFFFF40];
	[tilespmem:v43+s20+$0x0] =	vst.idx.msk $0xffff, v47;
	v43 =	vadd.f32 v44, v32  }
0x3a5: {  	v44 =	vor.u32 s3, v12;
	[tilespmem:v46+s20+$0x0] =	vst.idx.msk $0xffff, v48;
	v46 =	vadd.f32 v51, v35;
	v47 =	vld [tilespmem:s1+$0xFFFFFFC0]  }
0x3a6: {  	v51 =	vor.u32 s14, v20;
	v48 =	vld [tilespmem:s9+$0x50];
	v41 =	vadd.f32 v41, v35;
	[tilespmem:v42+s20+$0x0] =	vst.idx.msk $0xffff, v43  }
0x3a7: {  	v43 =	vor.u32 s0, v28;
	v42 =	vadd.f32 v52, v35;
	[tilespmem:v45+s20+$0x0] =	vst.idx.msk $0xffff, v46;
	v45 =	vld [tilespmem:s1+$0x1C0]  }
0x3a8: {  	v46 =	vor.u32 s5, v5;
	v50 =	vadd.f32 v50, v35;
	v52 =	vld [tilespmem:s10+$0xD0];
	[tilespmem:v39+s20+$0x0] =	vst.idx.msk $0xffff, v41  }
0x3a9: {  	[tilespmem:v49+s20+$0x0] =	vst.idx.msk $0xffff, v42;
	v39 =	vadd.f32 v53, v35;
	v41 =	vld [tilespmem:s13+$0x150];
	v42 =	vor.u32 s31, v28  }
0x3aa: {  	v49 =	vld [tilespmem:s9+$0xFFFFFE50];
	[tilespmem:v44+s20+$0x0] =	vst.idx.msk $0xffff, v50;
	v44 =	vor.u32 s11, v13;
	v47 =	vadd.f32 v47, v35  }
0x3ab: {  	v48 =	vadd.f32 v48, v34;
	v50 =	vld [tilespmem:s10+$0xFFFFFED0];
	[tilespmem:v51+s20+$0x0] =	vst.idx.msk $0xffff, v39;
	v51 =	vor.u32 s12, v21  }
0x3ac: {  	v53 =	vor.u32 s21, v5;
	v54 =	vld [tilespmem:s13+$0xFFFFFF50];
	[tilespmem:v43+s20+$0x0] =	vst.idx.msk $0xffff, v47;
	v39 =	vadd.f32 v45, v35  }
0x3ad: {  	v45 =	vor.u32 s3, v13;
	[tilespmem:v46+s20+$0x0] =	vst.idx.msk $0xffff, v48;
	v43 =	vadd.f32 v52, v34;
	v47 =	vld [tilespmem:s1+$0xFFFFFFD0]  }
0x3ae: {  	v52 =	vor.u32 s14, v21;
	v48 =	vld [tilespmem:s9+$0x60];
	v41 =	vadd.f32 v41, v34;
	[tilespmem:v42+s20+$0x0] =	vst.idx.msk $0xffff, v39  }
0x3af: {  	v42 =	vadd.f32 v49, v34;
	[tilespmem:v44+s20+$0x0] =	vst.idx.msk $0xffff, v43;
	v49 =	vor.u32 s0, v29;
	v39 =	vld [tilespmem:s1+$0x1D0]  }
0x3b0: {  	v55 =	vor.u32 s5, v6;
	v44 =	vadd.f32 v50, v34;
	v56 =	vld [tilespmem:s10+$0xE0];
	[tilespmem:v51+s20+$0x0] =	vst.idx.msk $0xffff, v41  }
.Ltmp1:
0x3b1: {  	v41 =	vor.u32 s30, v30;
	[tilespmem:v53+s20+$0x0] =	vst.idx.msk $0xffff, v42;
	v42 =	vadd.f32 v54, v34;
	v43 =	vld [tilespmem:s13+$0x160];
	(pc) =	sbr.rel @p0 .LBB2_5-.Ltmp1, $4  }
0x3b2: {  	v46 =	vor.u32 s11, v14;
	v50 =	vld [tilespmem:s9+$0xFFFFFE60];
	[tilespmem:v45+s20+$0x0] =	vst.idx.msk $0xffff, v44;
	v53 =	vadd.f32 v47, v34  }
0x3b3: {  	v44 =	vor.u32 s12, v22;
	v48 =	vadd.f32 v48, v33;
	v47 =	vld [tilespmem:s10+$0xFFFFFEE0];
	[tilespmem:v52+s20+$0x0] =	vst.idx.msk $0xffff, v42  }
0x3b4: {  	v51 =	vor.u32 s21, v6;
	v42 =	vadd.f32 v40, v33;
	v45 =	vld [tilespmem:s13+$0xFFFFFF60];
	[tilespmem:v49+s20+$0x0] =	vst.idx.msk $0xffff, v53  }
0x3b5: {  	s9 =	sadd.s32 $0x400, s9;
	[tilespmem:v55+s20+$0x0] =	vst.idx.msk $0xffff, v48;
	v48 =	vor.u32 s3, v14;
	v49 =	vadd.f32 v56, v33;
	v40 =	vld [tilespmem:s1+$0xFFFFFFE0]  }
0x3b6: {  	_ =	sdelay $0x1  }
0x3b7: {  	v50 =	vadd.f32 v50, v33;
	_ =	sdelay $0x1  }
0x3b8: {  	[tilespmem:v51+s20+$0x0] =	vst.idx.msk $0xffff, v50  }
0x3b9: {  	v50 =	vld [tilespmem:s6+$0xFFFFFE70]  }
0x3ba: {  	v61 =	vld [tilespmem:s6+$0x70]  }
0x3bb: {  	v52 =	vor.u32 s8, v7  }
0x3bc: {  	v53 =	vor.u32 s5, v7;
	_ =	sdelay $0x1  }
0x3bd: {  	v50 =	vadd.f32 v50, v32  }
0x3be: {  	v51 =	vadd.f32 v61, v32  }
0x3bf: {  	[tilespmem:v52+s20+$0x0] =	vst.idx.msk $0xffff, v50  }
0x3c0: {  	[tilespmem:v53+s20+$0x0] =	vst.idx.msk $0xffff, v51;
	v50 =	vld [tilespmem:s6+$0xFFFFFE80]  }
0x3c1: {  	v51 =	vld [tilespmem:s6+$0x80]  }
0x3c2: {  	v62 =	vor.u32 s8, v8  }
0x3c3: {  	v63 =	vor.u32 s5, v8;
	_ =	sdelay $0x1  }
0x3c4: {  	v50 =	vadd.f32 v50, v35  }
0x3c5: {  	v51 =	vadd.f32 v51, v35  }
0x3c6: {  	[tilespmem:v62+s20+$0x0] =	vst.idx.msk $0xffff, v50  }
0x3c7: {  	[tilespmem:v63+s20+$0x0] =	vst.idx.msk $0xffff, v51;
	v50 =	vld [tilespmem:s6+$0xFFFFFE90]  }
0x3c8: {  	v51 =	vld [tilespmem:s6+$0x90]  }
0x3c9: {  	v56 =	vor.u32 s8, v9  }
0x3ca: {  	v57 =	vor.u32 s5, v9;
	_ =	sdelay $0x1  }
0x3cb: {  	v50 =	vadd.f32 v50, v34  }
0x3cc: {  	v51 =	vadd.f32 v51, v34  }
0x3cd: {  	[tilespmem:v56+s20+$0x0] =	vst.idx.msk $0xffff, v50  }
0x3ce: {  	[tilespmem:v57+s20+$0x0] =	vst.idx.msk $0xffff, v51;
	v50 =	vld [tilespmem:s6+$0xFFFFFEA0]  }
0x3cf: {  	v51 =	vld [tilespmem:s6+$0xA0]  }
0x3d0: {  	v58 =	vor.u32 s8, v10  }
0x3d1: {  	v59 =	vor.u32 s5, v10;
	_ =	sdelay $0x1  }
0x3d2: {  	v50 =	vadd.f32 v50, v33  }
0x3d3: {  	v51 =	vadd.f32 v51, v33  }
0x3d4: {  	[tilespmem:v58+s20+$0x0] =	vst.idx.msk $0xffff, v50  }
0x3d5: {  	[tilespmem:v59+s20+$0x0] =	vst.idx.msk $0xffff, v51;
	v50 =	vld [tilespmem:s6+$0xFFFFFEB0]  }
0x3d6: {  	v51 =	vld [tilespmem:s6+$0xB0]  }
0x3d7: {  	v60 =	vor.u32 s8, v11  }
0x3d8: {  	v61 =	vor.u32 s5, v11;
	_ =	sdelay $0x1  }
0x3d9: {  	v50 =	vadd.f32 v50, v32  }
0x3da: {  	v51 =	vadd.f32 v51, v32  }
0x3db: {  	[tilespmem:v60+s20+$0x0] =	vst.idx.msk $0xffff, v50  }
0x3dc: {  	[tilespmem:v61+s20+$0x0] =	vst.idx.msk $0xffff, v51;
	v50 =	vld [tilespmem:s6+$0xFFFFFEC0]  }
0x3dd: {  	v51 =	vld [tilespmem:s6+$0xC0]  }
0x3de: {  	v62 =	vor.u32 s8, v12  }
0x3df: {  	v63 =	vor.u32 s5, v12;
	_ =	sdelay $0x1  }
0x3e0: {  	v50 =	vadd.f32 v50, v35  }
0x3e1: {  	v51 =	vadd.f32 v51, v35  }
0x3e2: {  	[tilespmem:v62+s20+$0x0] =	vst.idx.msk $0xffff, v50  }
0x3e3: {  	[tilespmem:v63+s20+$0x0] =	vst.idx.msk $0xffff, v51;
	v50 =	vld [tilespmem:s6+$0xFFFFFED0]  }
0x3e4: {  	v51 =	vld [tilespmem:s6+$0xD0]  }
0x3e5: {  	v56 =	vor.u32 s8, v13  }
0x3e6: {  	v57 =	vor.u32 s5, v13;
	_ =	sdelay $0x1  }
0x3e7: {  	v50 =	vadd.f32 v50, v34  }
0x3e8: {  	v51 =	vadd.f32 v51, v34  }
0x3e9: {  	[tilespmem:v56+s20+$0x0] =	vst.idx.msk $0xffff, v50  }
0x3ea: {  	[tilespmem:v57+s20+$0x0] =	vst.idx.msk $0xffff, v51;
	v50 =	vld [tilespmem:s6+$0xFFFFFEE0]  }
0x3eb: {  	v51 =	vld [tilespmem:s6+$0xE0]  }
0x3ec: {  	v58 =	vor.u32 s8, v14  }
0x3ed: {  	v47 =	vadd.f32 v47, v33;
	v59 =	vor.u32 s5, v14;
	_ =	sdelay $0x1  }
0x3ee: {  	[tilespmem:v48+s20+$0x0] =	vst.idx.msk $0xffff, v47;
	v60 =	vadd.f32 v50, v33  }
0x3ef: {  	[tilespmem:v46+s20+$0x0] =	vst.idx.msk $0xffff, v49;
	v61 =	vld [tilespmem:s10+$0xFFFFFEF0];
	v62 =	vadd.f32 v51, v33  }
0x3f0: {  	v49 =	vld [tilespmem:s10+$0xF0];
	[tilespmem:v58+s20+$0x0] =	vst.idx.msk $0xffff, v60  }
0x3f1: {  	v63 =	vor.u32 s3, v15;
	[tilespmem:v59+s20+$0x0] =	vst.idx.msk $0xffff, v62;
	v56 =	vld [tilespmem:s6+$0xFFFFFEF0]  }
0x3f2: {  	v57 =	vor.u32 s11, v15;
	v58 =	vld [tilespmem:s6+$0xF0]  }
0x3f3: {  	v59 =	vor.u32 s8, v15  }
0x3f4: {  	v46 =	vadd.f32 v61, v32;
	v60 =	vor.u32 s5, v15  }
0x3f5: {  	v49 =	vadd.f32 v49, v32  }
0x3f6: {  	[tilespmem:v63+s20+$0x0] =	vst.idx.msk $0xffff, v46;
	v61 =	vadd.f32 v56, v32  }
0x3f7: {  	v47 =	vld [tilespmem:s10+$0xFFFFFF00];
	[tilespmem:v57+s20+$0x0] =	vst.idx.msk $0xffff, v49;
	v62 =	vadd.f32 v58, v32  }
0x3f8: {  	v49 =	vld [tilespmem:s10+$0x100];
	[tilespmem:v59+s20+$0x0] =	vst.idx.msk $0xffff, v61  }
0x3f9: {  	v63 =	vor.u32 s3, v16;
	[tilespmem:v60+s20+$0x0] =	vst.idx.msk $0xffff, v62;
	v56 =	vld [tilespmem:s6+$0xFFFFFF00]  }
0x3fa: {  	v57 =	vor.u32 s11, v16;
	v58 =	vld [tilespmem:s6+$0x100]  }
0x3fb: {  	v59 =	vor.u32 s8, v16  }
0x3fc: {  	v47 =	vadd.f32 v47, v35;
	v60 =	vor.u32 s5, v16  }
0x3fd: {  	v49 =	vadd.f32 v49, v35  }
0x3fe: {  	[tilespmem:v63+s20+$0x0] =	vst.idx.msk $0xffff, v47;
	v61 =	vadd.f32 v56, v35  }
0x3ff: {  	v47 =	vld [tilespmem:s10+$0xFFFFFF10];
	[tilespmem:v57+s20+$0x0] =	vst.idx.msk $0xffff, v49;
	v62 =	vadd.f32 v58, v35  }
0x400: {  	v49 =	vld [tilespmem:s10+$0x110];
	[tilespmem:v59+s20+$0x0] =	vst.idx.msk $0xffff, v61  }
0x401: {  	v63 =	vor.u32 s3, v17;
	[tilespmem:v60+s20+$0x0] =	vst.idx.msk $0xffff, v62;
	v56 =	vld [tilespmem:s6+$0xFFFFFF10]  }
0x402: {  	v57 =	vor.u32 s11, v17;
	v58 =	vld [tilespmem:s6+$0x110]  }
0x403: {  	v59 =	vor.u32 s8, v17  }
0x404: {  	v47 =	vadd.f32 v47, v34;
	v60 =	vor.u32 s5, v17  }
0x405: {  	v49 =	vadd.f32 v49, v34  }
0x406: {  	[tilespmem:v63+s20+$0x0] =	vst.idx.msk $0xffff, v47;
	v61 =	vadd.f32 v56, v34  }
0x407: {  	v47 =	vld [tilespmem:s10+$0xFFFFFF20];
	[tilespmem:v57+s20+$0x0] =	vst.idx.msk $0xffff, v49;
	v62 =	vadd.f32 v58, v34  }
0x408: {  	v49 =	vld [tilespmem:s10+$0x120];
	[tilespmem:v59+s20+$0x0] =	vst.idx.msk $0xffff, v61  }
0x409: {  	v63 =	vor.u32 s3, v18;
	[tilespmem:v60+s20+$0x0] =	vst.idx.msk $0xffff, v62;
	v56 =	vld [tilespmem:s6+$0xFFFFFF20]  }
0x40a: {  	v57 =	vor.u32 s11, v18;
	v58 =	vld [tilespmem:s6+$0x120]  }
0x40b: {  	v59 =	vor.u32 s8, v18  }
0x40c: {  	v47 =	vadd.f32 v47, v33;
	v60 =	vor.u32 s5, v18  }
0x40d: {  	v49 =	vadd.f32 v49, v33  }
0x40e: {  	[tilespmem:v63+s20+$0x0] =	vst.idx.msk $0xffff, v47;
	v61 =	vadd.f32 v56, v33  }
0x40f: {  	v47 =	vld [tilespmem:s10+$0xFFFFFF30];
	[tilespmem:v57+s20+$0x0] =	vst.idx.msk $0xffff, v49;
	v62 =	vadd.f32 v58, v33  }
0x410: {  	v49 =	vld [tilespmem:s10+$0x130];
	[tilespmem:v59+s20+$0x0] =	vst.idx.msk $0xffff, v61  }
0x411: {  	v63 =	vor.u32 s3, v19;
	[tilespmem:v60+s20+$0x0] =	vst.idx.msk $0xffff, v62;
	v56 =	vld [tilespmem:s6+$0xFFFFFF30]  }
0x412: {  	v57 =	vor.u32 s11, v19;
	v58 =	vld [tilespmem:s6+$0x130]  }
0x413: {  	v59 =	vor.u32 s8, v19  }
0x414: {  	v47 =	vadd.f32 v47, v32;
	v60 =	vor.u32 s5, v19  }
0x415: {  	v49 =	vadd.f32 v49, v32  }
0x416: {  	[tilespmem:v63+s20+$0x0] =	vst.idx.msk $0xffff, v47;
	v61 =	vadd.f32 v56, v32  }
0x417: {  	v47 =	vld [tilespmem:s10+$0xFFFFFF40];
	[tilespmem:v57+s20+$0x0] =	vst.idx.msk $0xffff, v49;
	v62 =	vadd.f32 v58, v32  }
0x418: {  	v49 =	vld [tilespmem:s10+$0x140];
	[tilespmem:v59+s20+$0x0] =	vst.idx.msk $0xffff, v61  }
0x419: {  	v63 =	vor.u32 s3, v20;
	[tilespmem:v60+s20+$0x0] =	vst.idx.msk $0xffff, v62;
	v56 =	vld [tilespmem:s6+$0xFFFFFF40]  }
0x41a: {  	v57 =	vor.u32 s11, v20;
	v58 =	vld [tilespmem:s6+$0x140]  }
0x41b: {  	v59 =	vor.u32 s8, v20  }
0x41c: {  	v47 =	vadd.f32 v47, v35;
	v60 =	vor.u32 s5, v20  }
0x41d: {  	v49 =	vadd.f32 v49, v35  }
0x41e: {  	[tilespmem:v63+s20+$0x0] =	vst.idx.msk $0xffff, v47;
	v61 =	vadd.f32 v56, v35  }
0x41f: {  	v47 =	vld [tilespmem:s10+$0xFFFFFF50];
	[tilespmem:v57+s20+$0x0] =	vst.idx.msk $0xffff, v49;
	v62 =	vadd.f32 v58, v35  }
0x420: {  	v49 =	vld [tilespmem:s10+$0x150];
	[tilespmem:v59+s20+$0x0] =	vst.idx.msk $0xffff, v61  }
0x421: {  	v63 =	vor.u32 s3, v21;
	[tilespmem:v60+s20+$0x0] =	vst.idx.msk $0xffff, v62;
	v56 =	vld [tilespmem:s6+$0xFFFFFF50]  }
0x422: {  	v57 =	vor.u32 s11, v21;
	v58 =	vld [tilespmem:s6+$0x150]  }
0x423: {  	v59 =	vor.u32 s8, v21  }
0x424: {  	v47 =	vadd.f32 v47, v34;
	v60 =	vor.u32 s5, v21  }
0x425: {  	v49 =	vadd.f32 v49, v34  }
0x426: {  	[tilespmem:v63+s20+$0x0] =	vst.idx.msk $0xffff, v47;
	v61 =	vadd.f32 v56, v34  }
0x427: {  	v47 =	vld [tilespmem:s10+$0xFFFFFF60];
	[tilespmem:v57+s20+$0x0] =	vst.idx.msk $0xffff, v49;
	v62 =	vadd.f32 v58, v34  }
0x428: {  	v49 =	vld [tilespmem:s10+$0x160];
	[tilespmem:v59+s20+$0x0] =	vst.idx.msk $0xffff, v61  }
0x429: {  	[tilespmem:v60+s20+$0x0] =	vst.idx.msk $0xffff, v62;
	v46 =	vld [tilespmem:s6+$0xFFFFFF60]  }
0x42a: {  	v45 =	vadd.f32 v45, v33;
	v63 =	vor.u32 s11, v22;
	v52 =	vld [tilespmem:s6+$0x160]  }
0x42b: {  	v43 =	vadd.f32 v43, v33  }
0x42c: {  	v54 =	vor.u32 s5, v22;
	[tilespmem:v38+s20+$0x0] =	vst.idx.msk $0xffff, v45;
	v53 =	vadd.f32 v47, v33  }
0x42d: {  	[tilespmem:v44+s20+$0x0] =	vst.idx.msk $0xffff, v43;
	v55 =	vld [tilespmem:s13+$0xFFFFFF70];
	v56 =	vadd.f32 v49, v33  }
0x42e: {  	v57 =	vld [tilespmem:s13+$0x170];
	[tilespmem:v36+s20+$0x0] =	vst.idx.msk $0xffff, v53;
	v58 =	vadd.f32 v46, v33  }
0x42f: {  	v60 =	vld [tilespmem:s10+$0xFFFFFF70];
	v59 =	vor.u32 s14, v23;
	[tilespmem:v63+s20+$0x0] =	vst.idx.msk $0xffff, v56;
	v61 =	vadd.f32 v52, v33  }
0x430: {  	v62 =	vor.u32 s12, v23;
	v63 =	vld [tilespmem:s10+$0x170];
	[tilespmem:v37+s20+$0x0] =	vst.idx.msk $0xffff, v58  }
0x431: {  	v52 =	vor.u32 s3, v23;
	[tilespmem:v54+s20+$0x0] =	vst.idx.msk $0xffff, v61;
	v37 =	vld [tilespmem:s6+$0xFFFFFF70]  }
0x432: {  	v43 =	vadd.f32 v55, v32;
	v53 =	vor.u32 s11, v23;
	v46 =	vld [tilespmem:s6+$0x170]  }
0x433: {  	v47 =	vadd.f32 v57, v32;
	v54 =	vor.u32 s8, v23  }
0x434: {  	v56 =	vor.u32 s5, v23;
	v55 =	vadd.f32 v60, v32;
	[tilespmem:v59+s20+$0x0] =	vst.idx.msk $0xffff, v43  }
0x435: {  	[tilespmem:v62+s20+$0x0] =	vst.idx.msk $0xffff, v47;
	v57 =	vld [tilespmem:s13+$0xFFFFFF80];
	v58 =	vadd.f32 v63, v32  }
0x436: {  	v48 =	vld [tilespmem:s13+$0x180];
	[tilespmem:v52+s20+$0x0] =	vst.idx.msk $0xffff, v55;
	v59 =	vadd.f32 v37, v32  }
0x437: {  	v60 =	vor.u32 s14, v24;
	[tilespmem:v53+s20+$0x0] =	vst.idx.msk $0xffff, v58;
	v38 =	vld [tilespmem:s10+$0xFFFFFF80];
	v61 =	vadd.f32 v46, v32  }
0x438: {  	v62 =	vor.u32 s12, v24;
	v47 =	vld [tilespmem:s10+$0x180];
	[tilespmem:v54+s20+$0x0] =	vst.idx.msk $0xffff, v59  }
0x439: {  	v63 =	vor.u32 s3, v24;
	[tilespmem:v56+s20+$0x0] =	vst.idx.msk $0xffff, v61;
	v52 =	vld [tilespmem:s6+$0xFFFFFF80]  }
0x43a: {  	v53 =	vor.u32 s11, v24;
	v44 =	vadd.f32 v57, v35;
	v54 =	vld [tilespmem:s6+$0x180]  }
0x43b: {  	v48 =	vadd.f32 v48, v35;
	v55 =	vor.u32 s8, v24  }
0x43c: {  	v57 =	vor.u32 s5, v24;
	[tilespmem:v60+s20+$0x0] =	vst.idx.msk $0xffff, v44;
	v56 =	vadd.f32 v38, v35  }
0x43d: {  	[tilespmem:v62+s20+$0x0] =	vst.idx.msk $0xffff, v48;
	v44 =	vld [tilespmem:s13+$0xFFFFFF90];
	v58 =	vadd.f32 v47, v35  }
0x43e: {  	v59 =	vld [tilespmem:s13+$0x190];
	[tilespmem:v63+s20+$0x0] =	vst.idx.msk $0xffff, v56;
	v60 =	vadd.f32 v52, v35  }
0x43f: {  	v61 =	vor.u32 s14, v25;
	[tilespmem:v53+s20+$0x0] =	vst.idx.msk $0xffff, v58;
	v62 =	vld [tilespmem:s10+$0xFFFFFF90];
	v63 =	vadd.f32 v54, v35  }
0x440: {  	v53 =	vld [tilespmem:s10+$0x190];
	v52 =	vor.u32 s12, v25;
	[tilespmem:v55+s20+$0x0] =	vst.idx.msk $0xffff, v60  }
0x441: {  	v54 =	vor.u32 s3, v25;
	[tilespmem:v57+s20+$0x0] =	vst.idx.msk $0xffff, v63;
	v55 =	vld [tilespmem:s6+$0xFFFFFF90]  }
0x442: {  	v56 =	vadd.f32 v44, v34;
	v57 =	vor.u32 s11, v25;
	v45 =	vld [tilespmem:s6+$0x190]  }
0x443: {  	v58 =	vor.u32 s8, v25;
	v47 =	vadd.f32 v59, v34  }
0x444: {  	[tilespmem:v61+s20+$0x0] =	vst.idx.msk $0xffff, v56;
	v59 =	vadd.f32 v62, v34;
	v60 =	vor.u32 s5, v25  }
0x445: {  	v61 =	vld [tilespmem:s13+$0xFFFFFFA0];
	v62 =	vadd.f32 v53, v34;
	[tilespmem:v52+s20+$0x0] =	vst.idx.msk $0xffff, v47  }
0x446: {  	[tilespmem:v54+s20+$0x0] =	vst.idx.msk $0xffff, v59;
	v47 =	vld [tilespmem:s13+$0x1A0];
	v63 =	vadd.f32 v55, v34  }
0x447: {  	v52 =	vor.u32 s14, v26;
	v53 =	vld [tilespmem:s10+$0xFFFFFFA0];
	[tilespmem:v57+s20+$0x0] =	vst.idx.msk $0xffff, v62;
	v54 =	vadd.f32 v45, v34  }
0x448: {  	v46 =	vld [tilespmem:s10+$0x1A0];
	v55 =	vor.u32 s12, v26;
	[tilespmem:v58+s20+$0x0] =	vst.idx.msk $0xffff, v63  }
0x449: {  	v56 =	vor.u32 s3, v26;
	[tilespmem:v60+s20+$0x0] =	vst.idx.msk $0xffff, v54;
	v57 =	vld [tilespmem:s6+$0xFFFFFFA0]  }
0x44a: {  	v59 =	vor.u32 s11, v26;
	v58 =	vadd.f32 v61, v33;
	v44 =	vld [tilespmem:s6+$0x1A0]  }
0x44b: {  	v60 =	vor.u32 s8, v26;
	v47 =	vadd.f32 v47, v33  }
0x44c: {  	v62 =	vor.u32 s5, v26;
	v61 =	vadd.f32 v53, v33;
	[tilespmem:v52+s20+$0x0] =	vst.idx.msk $0xffff, v58  }
0x44d: {  	v51 =	vadd.f32 v46, v33;
	v63 =	vld [tilespmem:s13+$0xFFFFFFB0];
	[tilespmem:v55+s20+$0x0] =	vst.idx.msk $0xffff, v47  }
0x44e: {  	[tilespmem:v56+s20+$0x0] =	vst.idx.msk $0xffff, v61;
	v52 =	vld [tilespmem:s13+$0x1B0];
	v53 =	vadd.f32 v57, v33  }
0x44f: {  	v54 =	vor.u32 s14, v27;
	v55 =	vld [tilespmem:s10+$0xFFFFFFB0];
	[tilespmem:v59+s20+$0x0] =	vst.idx.msk $0xffff, v51;
	v56 =	vadd.f32 v44, v33  }
0x450: {  	v45 =	vld [tilespmem:s10+$0x1B0];
	v57 =	vor.u32 s12, v27;
	[tilespmem:v60+s20+$0x0] =	vst.idx.msk $0xffff, v53  }
0x451: {  	v58 =	vor.u32 s3, v27;
	[tilespmem:v62+s20+$0x0] =	vst.idx.msk $0xffff, v56;
	v59 =	vld [tilespmem:s6+$0xFFFFFFB0]  }
0x452: {  	v61 =	vor.u32 s11, v27;
	v60 =	vadd.f32 v63, v32;
	v62 =	vld [tilespmem:s6+$0x1B0]  }
0x453: {  	v63 =	vor.u32 s8, v27;
	v46 =	vadd.f32 v52, v32  }
0x454: {  	v51 =	vadd.f32 v55, v32;
	v52 =	vor.u32 s5, v27;
	[tilespmem:v54+s20+$0x0] =	vst.idx.msk $0xffff, v60  }
0x455: {  	v54 =	vadd.f32 v45, v32;
	v53 =	vld [tilespmem:s13+$0xFFFFFFC0];
	[tilespmem:v57+s20+$0x0] =	vst.idx.msk $0xffff, v46  }
0x456: {  	[tilespmem:v58+s20+$0x0] =	vst.idx.msk $0xffff, v51;
	v55 =	vld [tilespmem:s13+$0x1C0];
	v56 =	vadd.f32 v59, v32  }
0x457: {  	v57 =	vor.u32 s14, v28;
	v58 =	vld [tilespmem:s10+$0xFFFFFFC0];
	[tilespmem:v61+s20+$0x0] =	vst.idx.msk $0xffff, v54;
	v59 =	vadd.f32 v62, v32  }
0x458: {  	v60 =	vor.u32 s12, v28;
	v61 =	vld [tilespmem:s10+$0x1C0];
	[tilespmem:v63+s20+$0x0] =	vst.idx.msk $0xffff, v56  }
0x459: {  	v62 =	vor.u32 s3, v28;
	[tilespmem:v52+s20+$0x0] =	vst.idx.msk $0xffff, v59;
	v63 =	vld [tilespmem:s6+$0xFFFFFFC0]  }
0x45a: {  	v43 =	vor.u32 s11, v28;
	v51 =	vadd.f32 v53, v35;
	v52 =	vld [tilespmem:s6+$0x1C0]  }
0x45b: {  	[tilespmem:v41+s20+$0x0] =	vst.idx.msk $0xffff, v42;
	v54 =	vor.u32 s8, v28;
	v53 =	vadd.f32 v55, v35  }
0x45c: {  	v56 =	vor.u32 s5, v28;
	v55 =	vadd.f32 v58, v35;
	[tilespmem:v57+s20+$0x0] =	vst.idx.msk $0xffff, v51  }
0x45d: {  	v57 =	vor.u32 s0, v30;
	v59 =	vadd.f32 v61, v35;
	v58 =	vld [tilespmem:s13+$0xFFFFFFD0];
	[tilespmem:v60+s20+$0x0] =	vst.idx.msk $0xffff, v53  }
0x45e: {  	v60 =	vor.u32 s31, v29;
	[tilespmem:v62+s20+$0x0] =	vst.idx.msk $0xffff, v55;
	v61 =	vld [tilespmem:s13+$0x1D0];
	v62 =	vadd.f32 v63, v35  }
0x45f: {  	v37 =	vor.u32 s14, v29;
	[tilespmem:v43+s20+$0x0] =	vst.idx.msk $0xffff, v59;
	v63 =	vld [tilespmem:s10+$0xFFFFFFD0];
	v52 =	vadd.f32 v52, v35  }
0x460: {  	v40 =	vadd.f32 v40, v33;
	v53 =	vor.u32 s12, v29;
	v43 =	vld [tilespmem:s10+$0x1D0];
	[tilespmem:v54+s20+$0x0] =	vst.idx.msk $0xffff, v62  }
0x461: {  	v55 =	vor.u32 s3, v29;
	v54 =	vadd.f32 v39, v34;
	[tilespmem:v56+s20+$0x0] =	vst.idx.msk $0xffff, v52;
	v42 =	vld [tilespmem:s6+$0xFFFFFFD0]  }
0x462: {  	[tilespmem:v57+s20+$0x0] =	vst.idx.msk $0xffff, v40;
	v57 =	vor.u32 s11, v29;
	v56 =	vadd.f32 v58, v34;
	v58 =	vld [tilespmem:s6+$0x1D0]  }
0x463: {  	v59 =	vld [tilespmem:s29+$0x1F0];
	[tilespmem:v60+s20+$0x0] =	vst.idx.msk $0xffff, v54;
	v60 =	vadd.f32 v61, v34;
	v61 =	vor.u32 s8, v29  }
0x464: {  	[tilespmem:v37+s20+$0x0] =	vst.idx.msk $0xffff, v56;
	v37 =	vor.u32 s5, v29;
	v62 =	vld [tilespmem:s1+$0x1E0];
	v63 =	vadd.f32 v63, v34  }
0x465: {  	v47 =	vor.u32 s30, v31;
	v51 =	vadd.f32 v43, v34;
	v48 =	vld [tilespmem:s13+$0xFFFFFFE0];
	[tilespmem:v53+s20+$0x0] =	vst.idx.msk $0xffff, v60  }
0x466: {  	v52 =	vor.u32 s31, v30;
	v53 =	vld [tilespmem:s13+$0x1E0];
	[tilespmem:v55+s20+$0x0] =	vst.idx.msk $0xffff, v63;
	v54 =	vadd.f32 v42, v34  }
0x467: {  	[tilespmem:v57+s20+$0x0] =	vst.idx.msk $0xffff, v51;
	v55 =	vor.u32 s14, v30;
	v56 =	vld [tilespmem:s10+$0xFFFFFFE0];
	v57 =	vadd.f32 v58, v34  }
0x468: {  	v60 =	vld [tilespmem:s10+$0x1E0];
	v58 =	vadd.f32 v59, v32;
	v59 =	vor.u32 s12, v30;
	[tilespmem:v61+s20+$0x0] =	vst.idx.msk $0xffff, v54  }
0x469: {  	v61 =	vadd.f32 v62, v33;
	v62 =	vor.u32 s3, v30;
	[tilespmem:v37+s20+$0x0] =	vst.idx.msk $0xffff, v57;
	v63 =	vld [tilespmem:s6+$0xFFFFFFE0]  }
0x46a: {  	v49 =	vor.u32 s11, v30;
	[tilespmem:v47+s20+$0x0] =	vst.idx.msk $0xffff, v58;
	v48 =	vadd.f32 v48, v33;
	v37 =	vld [tilespmem:s6+$0x1E0]  }
0x46b: {  	v50 =	vld [tilespmem:s1+$0xFFFFFFF0];
	[tilespmem:v52+s20+$0x0] =	vst.idx.msk $0xffff, v61;
	v51 =	vadd.f32 v53, v33;
	v52 =	vor.u32 s8, v30  }
0x46c: {  	[tilespmem:v55+s20+$0x0] =	vst.idx.msk $0xffff, v48;
	v55 =	vor.u32 s5, v30;
	v53 =	vld [tilespmem:s1+$0x1F0];
	v54 =	vadd.f32 v56, v33  }
0x46d: {  	v58 =	vadd.f32 v60, v33;
	v56 =	vor.u32 s0, v31;
	v57 =	vld [tilespmem:s13+$0xFFFFFFF0];
	[tilespmem:v59+s20+$0x0] =	vst.idx.msk $0xffff, v51  }
0x46e: {  	v59 =	vor.u32 s31, v31;
	v60 =	vld [tilespmem:s13+$0x1F0];
	[tilespmem:v62+s20+$0x0] =	vst.idx.msk $0xffff, v54;
	v61 =	vadd.f32 v63, v33  }
0x46f: {  	[tilespmem:v49+s20+$0x0] =	vst.idx.msk $0xffff, v58;
	v62 =	vor.u32 s14, v31;
	v63 =	vld [tilespmem:s10+$0xFFFFFFF0];
	v48 =	vadd.f32 v37, v33  }
0x470: {  	v49 =	vadd.f32 v50, v32;
	v50 =	vor.u32 s12, v31;
	v51 =	vld [tilespmem:s10+$0x1F0];
	[tilespmem:v52+s20+$0x0] =	vst.idx.msk $0xffff, v61  }
0x471: {  	v52 =	vadd.f32 v53, v32;
	v53 =	vor.u32 s3, v31;
	[tilespmem:v55+s20+$0x0] =	vst.idx.msk $0xffff, v48;
	v54 =	vld [tilespmem:s6+$0xFFFFFFF0]  }
0x472: {  	[tilespmem:v56+s20+$0x0] =	vst.idx.msk $0xffff, v49;
	v55 =	vadd.f32 v57, v32;
	v56 =	vor.u32 s11, v31;
	v39 =	vld [tilespmem:s6+$0x1F0]  }
0x473: {  	v58 =	vor.u32 s8, v31;
	[tilespmem:v59+s20+$0x0] =	vst.idx.msk $0xffff, v52;
	v57 =	vadd.f32 v60, v32  }
0x474: {  	[tilespmem:v62+s20+$0x0] =	vst.idx.msk $0xffff, v55;
	v60 =	vor.u32 s5, v31;
	v59 =	vadd.f32 v63, v32  }
0x475: {  	v61 =	vadd.f32 v51, v32;
	[tilespmem:v50+s20+$0x0] =	vst.idx.msk $0xffff, v57  }
0x476: {  	[tilespmem:v53+s20+$0x0] =	vst.idx.msk $0xffff, v59;
	v62 =	vadd.f32 v54, v32  }
0x477: {  	s24 =	sadd.s32 $0x1, s24;
	[tilespmem:v56+s20+$0x0] =	vst.idx.msk $0xffff, v61;
	v63 =	vadd.f32 v39, v32  }
0x478: {  	p0 =	sne.s32 s24, $0x19;
	[tilespmem:v58+s20+$0x0] =	vst.idx.msk $0xffff, v62  }
0x479: {  	s0 =	sadd.s32 @!p1 $0x3380, s26;
	s1 =	simm.s32 @!p1 $0x80;
	s3 =	simm.s32 @!p1 $0x6B00;
	[tilespmem:v60+s20+$0x0] =	vst.idx.msk $0xffff, v63  }
0x47a: {  	[tilespmem:s3], [sflag:$0x2] =	stream.indirect.gather @!p1 [hbm4b:s4+s1], $0x40, s0, s1, $0xb8;
	[tilespmem:$0xCB00] =	vst v63  }
.Ltmp2:
0x47b: {  	s30 =	sshll.u32 s25, $0x7;
	(pc) =	sbr.rel @p0 .LBB2_2-.Ltmp2, $4  }
0x47c: {  	s0 =	sand.u32 $0x380, s30  }
0x47d: {  	s31 =	sshll.u32 s28, $0xD;
	s0 =	sadd.s32 s2, s0  }
0x47e: {  	s0 =	sadd.s32 s31, s0  }
0x47f: {  	[hbm4b:s0+s17] =	stream.strided.scatter [tilespmem:s20], [sflag:$0x4], $0x2000, s18, s17, $0x38;
	[tilespmem:$0xCB00] =	vst v63  }
0x480: {  	s0 =	simm.s32 $0x3  }
0x481: {  	_ =	swait.ge [sflag:s0], $0x2000  }
0x482: {  	[sflag:s0] =	ssyncset.done $0x0  }
0x483: {  	s1 =	simm.s32 $0x4;
	[sflag:s0] =	ssyncadd.s32 $0xFFFFE000  }
0x484: {  	_ =	swait.ge [sflag:s1], $0x2000  }
0x485: {  	s3 =	rddreg [dreg:$0x6]  }
0x486: {  	s31 =	rddreg [dreg:$0x5];
	s3 =	sadd.s32 $0x1, s3  }
0x487: {  	p0 =	sne.s32 s3, s31  }
.Ltmp3:
0x488: {  	_ = 	snop;
	(pc) =	sbr.rel @p0 .LBB2_1-.Ltmp3, $3  }
0x489: {  	_ =	sdelay $0x1  }
0x48a: {  	[sflag:s1] =	ssyncset.done $0x0  }
0x48b: {  	[sflag:s1] =	ssyncadd.s32 $0xFFFFE000  }
0x48c: {  	_ =	sfence.sel $0x180000  }
0x48d: {  	[bflag:$0x0] =	sbarrier.arrive $0xFFFF  }
0x48e: {  	_ =	strace $0x90000047  }
0x48f: {  	s0 =	stileid.u32;
	[bflag:$0x2] =	sbarrier.arrive $0xFFFF  }
0x490: {  	p0 =	sne.s32 s0, $0x0;
	s0 =	rddreg [dreg:$0x2]  }
0x491: {  	s0 =	sadd.s32 @!p0 $0x100000, s0  }
0x492: {  	[sflag:s0] =	ssyncadd.tile.s32 @!p0 $0x1;
	_ =	shalt  }
.Lfunc_end2:
_tile_overlayer_lowered:
.L_overlay_start_2:
0x493: {  	(tag) =	ssettag $0x2  }
0x494: {  	s0 =	rddreg [dreg:$0x0];
	s2 =	stileid.u32  }
0x495: {  	s1 =	rddreg [dreg:$0x1];
	p0 =	sne.s32 s2, $0x0  }
0x496: {  	s3 =	rddreg [dreg:$0x2];
	[bflag:$0x3] =	sbarrier.arrive $0xFFFF;
	s2 =	simm.s32 @!p0 $0x1C05  }
0x497: {  	[timem:s3], [sflag:s2] =	dma.local @!p0 [hbm:s0], s1  }
0x498: {  	s0 =	simm.s32 @!p0 $0x5  }
0x499: {  	_ =	swait.ge @!p0 [sflag:s0], s1  }
0x49a: {  	s1 =	ssub.s32 @!p0 $0x0, s1;
	[sflag:s0] =	ssyncset.done @!p0 $0x0  }
0x49b: {  	[sflag:s0] =	ssyncadd.s32 @!p0 s1  }
0x49c: {  	[bflag:$0x3] =	sbarrier.arrive $0xFFFF  }
0x49d: {  	_ =	shalt  }

</sc_bundles>
